<compile_context>
chip_gen: v7x
topology: tpu7x:2x2x1
jax: 0.10.2.dev20260603
libtpu: 0.0.44.dev20260713+nightly
codegen_flags: <defaults>
</compile_context>

<pallas_src>
import functools

import jax
import jax.numpy as jnp
from jax import lax
from jax.experimental import pallas as pl
from jax.experimental.pallas import tpu as pltpu
from jax.experimental.pallas import tpu_sc as plsc

NC = 2
NS = 16
CHUNK = 128


def _sc_hops(e, n_nodes, n_pad, d, trip):
  brows = 80
  nblocks = n_nodes // brows
  assert n_nodes % brows == 0 and trip % 2 == 0
  mesh = plsc.VectorSubcoreMesh(core_axis_name="c", subcore_axis_name="s")

  @functools.partial(
      pl.kernel,
      out_type=jax.ShapeDtypeStruct((NC, n_nodes, d), jnp.float32),
      mesh=mesh,
      scratch_types=[
          [pltpu.VMEM((CHUNK,), jnp.int32)] * 2,
          [pltpu.VMEM((CHUNK,), jnp.int32)] * 2,
          pltpu.VMEM((CHUNK, d), jnp.float32),
          pltpu.VMEM((CHUNK, d), jnp.float32),
          pltpu.VMEM((8, d), jnp.float32),
          pltpu.VMEM_SHARED((n_pad, d), jnp.float32),
          [pltpu.SemaphoreType.DMA] * 2,
          pltpu.SemaphoreType.DMA,
      ],
  )
  def sc_kernel(x0_hbm, x1_hbm, x2_hbm, ea_hbm, s0_hbm, d0_hbm, s1_hbm,
                d1_hbm, s2_hbm, d2_hbm, out_hbm, src_v, dst_v, msg_v, ea_v,
                zero_v, acc, isem, gsem):
    c = lax.axis_index("c")
    s = lax.axis_index("s")
    w = c * NS + s

    zvec = jnp.zeros((16,), jnp.float32)
    for r in range(8):
      for k in range(d // 16):
        zero_v[r, pl.ds(16 * k, 16)] = zvec

    trip_b = (nblocks - s + NS - 1) // NS

    def zero_body(j, carry):
      blk = s + j * NS
      for m in range(brows // 8):
        pltpu.sync_copy(zero_v, acc.at[pl.ds(blk * brows + m * 8, 8), :])
      return carry
    lax.fori_loop(0, trip_b, zero_body, 0)

    plsc.subcore_barrier()

    nchunks = e // CHUNK
    wtrip = (nchunks - w + NC * NS - 1) // (NC * NS)

    def hop(x_hbm, s_hbm, d_hbm, with_ea):
      def fire_idx(i, b):
        base = (w + i * (NC * NS)) * CHUNK
        pltpu.async_copy(s_hbm.at[pl.ds(base, CHUNK)], src_v[b], isem[b])
        pltpu.async_copy(d_hbm.at[pl.ds(base, CHUNK)], dst_v[b], isem[b])

      def wait_idx(b):
        pltpu.make_async_copy(s_hbm.at[pl.ds(0, CHUNK)], src_v[b], isem[b]).wait()
        pltpu.make_async_copy(d_hbm.at[pl.ds(0, CHUNK)], dst_v[b], isem[b]).wait()

      def run_iter(i, b):
        @pl.when((i > 0) & (i < wtrip))
        def _():
          wait_idx(b)

        @pl.when(i + 1 < wtrip)
        def _():
          fire_idx(i + 1, 1 - b)

        @pl.when(i < wtrip)
        def _():
          base = (w + i * (NC * NS)) * CHUNK
          pltpu.async_copy(x_hbm.at[src_v[b]], msg_v, gsem).wait()
          pltpu.sync_copy(msg_v, acc.at[dst_v[b]], add=True)
          if with_ea:
            pltpu.sync_copy(ea_hbm.at[pl.ds(base, CHUNK), :], ea_v)
            pltpu.sync_copy(ea_v, acc.at[dst_v[b]], add=True)

      base0 = w * CHUNK
      pltpu.sync_copy(s_hbm.at[pl.ds(base0, CHUNK)], src_v[0])
      pltpu.sync_copy(d_hbm.at[pl.ds(base0, CHUNK)], dst_v[0])

      def loop_body(j, carry):
        run_iter(2 * j, 0)
        run_iter(2 * j + 1, 1)
        return carry
      lax.fori_loop(0, trip, loop_body, 0)

    hop(x0_hbm, s0_hbm, d0_hbm, True)
    hop(x1_hbm, s1_hbm, d1_hbm, False)
    hop(x2_hbm, s2_hbm, d2_hbm, False)

    plsc.subcore_barrier()

    def write_body(j, carry):
      blk = s + j * NS
      pltpu.sync_copy(acc.at[pl.ds(blk * brows, brows), :],
                      out_hbm.at[c, pl.ds(blk * brows, brows), :])
      return carry
    lax.fori_loop(0, trip_b, write_body, 0)

  return sc_kernel


def _mlp_body(p_ref, x0_ref, w1_ref, b1_ref, g1_ref, be1_ref,
              w2_ref, b2_ref, g2_ref, be2_ref, o_ref):
  r = x0_ref[...] + p_ref[0] + p_ref[1]
  h = jnp.dot(r, w1_ref[...], preferred_element_type=jnp.float32) + b1_ref[...]
  mu = jnp.mean(h, axis=0, keepdims=True)
  var = jnp.mean(jnp.square(h - mu), axis=0, keepdims=True)
  h = jnp.maximum((h - mu) * lax.rsqrt(var + 1e-5) * g1_ref[...] + be1_ref[...], 0.0)
  h = jnp.dot(h, w2_ref[...], preferred_element_type=jnp.float32) + b2_ref[...]
  mu = jnp.mean(h, axis=0, keepdims=True)
  var = jnp.mean(jnp.square(h - mu), axis=0, keepdims=True)
  o_ref[...] = jnp.maximum((h - mu) * lax.rsqrt(var + 1e-5) * g2_ref[...] + be2_ref[...], 0.0)


def kernel(x0, x1, x2, edge_attr, W1, b1, g1, be1, W2, b2, g2, be2,
           edge_index0, edge_index1, edge_index2):
  n, d = x0.shape
  e = edge_index0.shape[1]
  assert n % 80 == 0 and e % CHUNK == 0
  nw = NC * NS
  nchunks = e // CHUNK
  trip = -(-nchunks // (2 * nw))

  args = []
  for ei in (edge_index0, edge_index1, edge_index2):
    args.append(ei[0])
    args.append(ei[1])

  parts = _sc_hops(e, n, n, d, trip)(
      x0, x1, x2, edge_attr, *args)

  out = pl.pallas_call(
      _mlp_body,
      out_shape=jax.ShapeDtypeStruct((n, d), jnp.float32),
  )(parts, x0, W1.T, b1.reshape(1, d), g1.reshape(1, d), be1.reshape(1, d),
    W2.T, b2.reshape(1, d), g2.reshape(1, d), be2.reshape(1, d))
  return out

# --- scband reference (transcript-rebuilt; emitter-appended) ---
"""Pipeline reference for scband-gine-model-82721070121719 (READ-ONLY COPY).

The authoritative reference and input builder live on the scoring server;
editing this copy changes nothing except your own understanding.
"""

import jax, jax.numpy as jnp
import numpy as np

N = 10000
E = 320000
D = 128

def setup_inputs(seed: int = 0):
    key = jax.random.key(seed)
    ks = jax.random.split(key, 16)
    x0 = jax.random.normal(ks[0], (N, D), dtype=jnp.float32)
    x1 = jax.random.normal(ks[1], (N, D), dtype=jnp.float32)
    x2 = jax.random.normal(ks[2], (N, D), dtype=jnp.float32)
    edge_attr = jax.random.normal(ks[3], (E, D), dtype=jnp.float32)
    edge_index0 = jax.random.randint(ks[4], (2, E), 0, N, dtype=jnp.int32)
    edge_index1 = jax.random.randint(ks[5], (2, E), 0, N, dtype=jnp.int32)
    edge_index2 = jax.random.randint(ks[6], (2, E), 0, N, dtype=jnp.int32)
    W1 = jax.random.normal(ks[7], (D, D), dtype=jnp.float32) * (1.0 / np.sqrt(D))
    b1 = jnp.zeros((D,), dtype=jnp.float32)
    g1 = jnp.ones((D,), dtype=jnp.float32)
    be1 = jnp.zeros((D,), dtype=jnp.float32)
    W2 = jax.random.normal(ks[8], (D, D), dtype=jnp.float32) * (1.0 / np.sqrt(D))
    b2 = jnp.zeros((D,), dtype=jnp.float32)
    g2 = jnp.ones((D,), dtype=jnp.float32)
    be2 = jnp.zeros((D,), dtype=jnp.float32)
    return {"x0": x0, "x1": x1, "x2": x2, "edge_attr": edge_attr,
            "W1": W1, "b1": b1, "g1": g1, "be1": be1,
            "W2": W2, "b2": b2, "g2": g2, "be2": be2,
            "edge_index0": edge_index0, "edge_index1": edge_index1, "edge_index2": edge_index2}

def _prop(x, ei, ea):
    # PyG MessagePassing(aggr='add'), flow source_to_target:
    # x_j = x[edge_index[0]], message = x_j (+ edge_attr), scatter-add to edge_index[1]
    m = jnp.take(x, ei[0], axis=0)
    if ea is not None:
        m = m + ea
    return jax.ops.segment_sum(m, ei[1], num_segments=N)

def _bn(h, g, b):
    # BatchNorm1d, training-mode batch statistics (biased var), eps=1e-5
    mu = jnp.mean(h, axis=0, keepdims=True)
    var = jnp.var(h, axis=0, keepdims=True)
    return (h - mu) / jnp.sqrt(var + 1e-5) * g + b

def reference(x0, x1, x2, edge_attr, W1, b1, g1, be1, W2, b2, g2, be2, edge_index0, edge_index1, edge_index2):
    # GINEPLUS.forward with k=3, combine='add', no virtual node:
    # outputs = [XX[0], prop(hop0, edge_attr, XX[0]), prop(hop1, None, XX[1]), prop(hop2, None, XX[2])]
    # result = sum(outputs); result = nn(result)
    result = x0
    result = result + _prop(x0, edge_index0, edge_attr)
    result = result + _prop(x1, edge_index1, None)
    result = result + _prop(x2, edge_index2, None)
    h = result @ W1.T + b1
    h = jax.nn.relu(_bn(h, g1, be1))
    h = h @ W2.T + b2
    h = jax.nn.relu(_bn(h, g2, be2))
    return h

if __name__ == "__main__":
    import jax
    _d = setup_inputs()
    print(jax.jit(kernel)(*tuple(_d.values())))

</pallas_src>

<mosaic_0001>
#map = affine_map<(d0, d1) -> (0, 0)>
#map1 = affine_map<(d0, d1) -> (0)>
#map2 = affine_map<(d0, d1) -> (0, 0, 0)>
module attributes {stable_mosaic.version = 14 : i64} {
  func.func @sc_kernel(%arg0: i32, %arg1: i32, %arg2: memref<10000x128xf32, #tpu.memory_space<hbm>>, %arg3: memref<10000x128xf32, #tpu.memory_space<hbm>>, %arg4: memref<10000x128xf32, #tpu.memory_space<hbm>>, %arg5: memref<320000x128xf32, #tpu.memory_space<hbm>>, %arg6: memref<320000xi32, #tpu.memory_space<hbm>>, %arg7: memref<320000xi32, #tpu.memory_space<hbm>>, %arg8: memref<320000xi32, #tpu.memory_space<hbm>>, %arg9: memref<320000xi32, #tpu.memory_space<hbm>>, %arg10: memref<320000xi32, #tpu.memory_space<hbm>>, %arg11: memref<320000xi32, #tpu.memory_space<hbm>>, %arg12: memref<2x10000x128xf32, #tpu.memory_space<hbm>>, %arg13: memref<128xi32, #tpu.memory_space<vmem>>, %arg14: memref<128xi32, #tpu.memory_space<vmem>>, %arg15: memref<128xi32, #tpu.memory_space<vmem>>, %arg16: memref<128xi32, #tpu.memory_space<vmem>>, %arg17: memref<128x128xf32, #tpu.memory_space<vmem>>, %arg18: memref<128x128xf32, #tpu.memory_space<vmem>>, %arg19: memref<8x128xf32, #tpu.memory_space<vmem>>, %arg20: memref<10000x128xf32, #tpu.memory_space<vmem_shared>>, %arg21: memref<!tpu.dma_semaphore, #tpu.memory_space<semaphore_mem>>, %arg22: memref<!tpu.dma_semaphore, #tpu.memory_space<semaphore_mem>>, %arg23: memref<!tpu.dma_semaphore, #tpu.memory_space<semaphore_mem>>) attributes {dimension_semantics = [#tpu.dimension_semantics<core_parallel>, #tpu.dimension_semantics<subcore_parallel>], iteration_bounds = array<i64: 2, 16>, scalar_prefetch = 0 : i64, scratch_operands = 11 : i64, tpu.core_type = #tpu.core_type<sc_vector_subcore>, window_params = [{transform_indices = #map}, {transform_indices = #map}, {transform_indices = #map}, {transform_indices = #map}, {transform_indices = #map1}, {transform_indices = #map1}, {transform_indices = #map1}, {transform_indices = #map1}, {transform_indices = #map1}, {transform_indices = #map1}, {transform_indices = #map2}]} {
    %mul3A = arith.constant 16 : i32
    %mul3A_0 = arith.muli %arg0, %mul3A : i32
    %add3A = arith.addi %mul3A_0, %arg1 : i32
    %broadcast_in_dim3A = arith.constant 0.000000e+00 : f32
    %broadcast_in_dim3A_1 = vector.broadcast %broadcast_in_dim3A : f32 to vector<16xf32>
    %swap3A = arith.constant 0 : i32
    %swap3A_2 = arith.index_cast %swap3A : i32 to index
    %swap3A_3 = arith.constant 0 : index
    %swap3A_4 = tpu.vector_load %arg19[%swap3A_2, %swap3A_3] {strides = array<i32>} : memref<8x128xf32, #tpu.memory_space<vmem>>, vector<1x16xf32>,
    %swap3A_5 = vector.shape_cast %swap3A_4 : vector<1x16xf32> to vector<16xf32>
    %swap3A_6 = vector.shape_cast %broadcast_in_dim3A_1 : vector<16xf32> to vector<1x16xf32>
    tpu.vector_store %arg19[%swap3A_2, %swap3A_3], %swap3A_6 {strides = array<i32>} : memref<8x128xf32, #tpu.memory_space<vmem>>, vector<1x16xf32>,
    %swap3A_7 = arith.constant 0 : i32
    %swap3A_8 = arith.index_cast %swap3A_7 : i32 to index
    %swap3A_9 = arith.constant 16 : index
    %swap3A_10 = tpu.vector_load %arg19[%swap3A_8, %swap3A_9] {strides = array<i32>} : memref<8x128xf32, #tpu.memory_space<vmem>>, vector<1x16xf32>,
    %swap3A_11 = vector.shape_cast %swap3A_10 : vector<1x16xf32> to vector<16xf32>
    %swap3A_12 = vector.shape_cast %broadcast_in_dim3A_1 : vector<16xf32> to vector<1x16xf32>
    tpu.vector_store %arg19[%swap3A_8, %swap3A_9], %swap3A_12 {strides = array<i32>} : memref<8x128xf32, #tpu.memory_space<vmem>>, vector<1x16xf32>,
    %swap3A_13 = arith.constant 0 : i32
    %swap3A_14 = arith.index_cast %swap3A_13 : i32 to index
    %swap3A_15 = arith.constant 32 : index
    %swap3A_16 = tpu.vector_load %arg19[%swap3A_14, %swap3A_15] {strides = array<i32>} : memref<8x128xf32, #tpu.memory_space<vmem>>, vector<1x16xf32>,
    %swap3A_17 = vector.shape_cast %swap3A_16 : vector<1x16xf32> to vector<16xf32>
    %swap3A_18 = vector.shape_cast %broadcast_in_dim3A_1 : vector<16xf32> to vector<1x16xf32>
    tpu.vector_store %arg19[%swap3A_14, %swap3A_15], %swap3A_18 {strides = array<i32>} : memref<8x128xf32, #tpu.memory_space<vmem>>, vector<1x16xf32>,
    %swap3A_19 = arith.constant 0 : i32
    %swap3A_20 = arith.index_cast %swap3A_19 : i32 to index
    %swap3A_21 = arith.constant 48 : index
    %swap3A_22 = tpu.vector_load %arg19[%swap3A_20, %swap3A_21] {strides = array<i32>} : memref<8x128xf32, #tpu.memory_space<vmem>>, vector<1x16xf32>,
    %swap3A_23 = vector.shape_cast %swap3A_22 : vector<1x16xf32> to vector<16xf32>
    %swap3A_24 = vector.shape_cast %broadcast_in_dim3A_1 : vector<16xf32> to vector<1x16xf32>
    tpu.vector_store %arg19[%swap3A_20, %swap3A_21], %swap3A_24 {strides = array<i32>} : memref<8x128xf32, #tpu.memory_space<vmem>>, vector<1x16xf32>,
    %swap3A_25 = arith.constant 0 : i32
    %swap3A_26 = arith.index_cast %swap3A_25 : i32 to index
    %swap3A_27 = arith.constant 64 : index
    %swap3A_28 = tpu.vector_load %arg19[%swap3A_26, %swap3A_27] {strides = array<i32>} : memref<8x128xf32, #tpu.memory_space<vmem>>, vector<1x16xf32>,
    %swap3A_29 = vector.shape_cast %swap3A_28 : vector<1x16xf32> to vector<16xf32>
    %swap3A_30 = vector.shape_cast %broadcast_in_dim3A_1 : vector<16xf32> to vector<1x16xf32>
    tpu.vector_store %arg19[%swap3A_26, %swap3A_27], %swap3A_30 {strides = array<i32>} : memref<8x128xf32, #tpu.memory_space<vmem>>, vector<1x16xf32>,
    %swap3A_31 = arith.constant 0 : i32
    %swap3A_32 = arith.index_cast %swap3A_31 : i32 to index
    %swap3A_33 = arith.constant 80 : index
    %swap3A_34 = tpu.vector_load %arg19[%swap3A_32, %swap3A_33] {strides = array<i32>} : memref<8x128xf32, #tpu.memory_space<vmem>>, vector<1x16xf32>,
    %swap3A_35 = vector.shape_cast %swap3A_34 : vector<1x16xf32> to vector<16xf32>
    %swap3A_36 = vector.shape_cast %broadcast_in_dim3A_1 : vector<16xf32> to vector<1x16xf32>
    tpu.vector_store %arg19[%swap3A_32, %swap3A_33], %swap3A_36 {strides = array<i32>} : memref<8x128xf32, #tpu.memory_space<vmem>>, vector<1x16xf32>,
    %swap3A_37 = arith.constant 0 : i32
    %swap3A_38 = arith.index_cast %swap3A_37 : i32 to index
    %swap3A_39 = arith.constant 96 : index
    %swap3A_40 = tpu.vector_load %arg19[%swap3A_38, %swap3A_39] {strides = array<i32>} : memref<8x128xf32, #tpu.memory_space<vmem>>, vector<1x16xf32>,
    %swap3A_41 = vector.shape_cast %swap3A_40 : vector<1x16xf32> to vector<16xf32>
    %swap3A_42 = vector.shape_cast %broadcast_in_dim3A_1 : vector<16xf32> to vector<1x16xf32>
    tpu.vector_store %arg19[%swap3A_38, %swap3A_39], %swap3A_42 {strides = array<i32>} : memref<8x128xf32, #tpu.memory_space<vmem>>, vector<1x16xf32>,
    %swap3A_43 = arith.constant 0 : i32
    %swap3A_44 = arith.index_cast %swap3A_43 : i32 to index
    %swap3A_45 = arith.constant 112 : index
    %swap3A_46 = tpu.vector_load %arg19[%swap3A_44, %swap3A_45] {strides = array<i32>} : memref<8x128xf32, #tpu.memory_space<vmem>>, vector<1x16xf32>,
    %swap3A_47 = vector.shape_cast %swap3A_46 : vector<1x16xf32> to vector<16xf32>
    %swap3A_48 = vector.shape_cast %broadcast_in_dim3A_1 : vector<16xf32> to vector<1x16xf32>
    tpu.vector_store %arg19[%swap3A_44, %swap3A_45], %swap3A_48 {strides = array<i32>} : memref<8x128xf32, #tpu.memory_space<vmem>>, vector<1x16xf32>,
    %swap3A_49 = arith.constant 1 : i32
    %swap3A_50 = arith.index_cast %swap3A_49 : i32 to index
    %swap3A_51 = arith.constant 0 : index
    %swap3A_52 = tpu.vector_load %arg19[%swap3A_50, %swap3A_51] {strides = array<i32>} : memref<8x128xf32, #tpu.memory_space<vmem>>, vector<1x16xf32>,
    %swap3A_53 = vector.shape_cast %swap3A_52 : vector<1x16xf32> to vector<16xf32>
    %swap3A_54 = vector.shape_cast %broadcast_in_dim3A_1 : vector<16xf32> to vector<1x16xf32>
    tpu.vector_store %arg19[%swap3A_50, %swap3A_51], %swap3A_54 {strides = array<i32>} : memref<8x128xf32, #tpu.memory_space<vmem>>, vector<1x16xf32>,
    %swap3A_55 = arith.constant 1 : i32
    %swap3A_56 = arith.index_cast %swap3A_55 : i32 to index
    %swap3A_57 = arith.constant 16 : index
    %swap3A_58 = tpu.vector_load %arg19[%swap3A_56, %swap3A_57] {strides = array<i32>} : memref<8x128xf32, #tpu.memory_space<vmem>>, vector<1x16xf32>,
    %swap3A_59 = vector.shape_cast %swap3A_58 : vector<1x16xf32> to vector<16xf32>
    %swap3A_60 = vector.shape_cast %broadcast_in_dim3A_1 : vector<16xf32> to vector<1x16xf32>
    tpu.vector_store %arg19[%swap3A_56, %swap3A_57], %swap3A_60 {strides = array<i32>} : memref<8x128xf32, #tpu.memory_space<vmem>>, vector<1x16xf32>,
    %swap3A_61 = arith.constant 1 : i32
    %swap3A_62 = arith.index_cast %swap3A_61 : i32 to index
    %swap3A_63 = arith.constant 32 : index
    %swap3A_64 = tpu.vector_load %arg19[%swap3A_62, %swap3A_63] {strides = array<i32>} : memref<8x128xf32, #tpu.memory_space<vmem>>, vector<1x16xf32>,
    %swap3A_65 = vector.shape_cast %swap3A_64 : vector<1x16xf32> to vector<16xf32>
    %swap3A_66 = vector.shape_cast %broadcast_in_dim3A_1 : vector<16xf32> to vector<1x16xf32>
    tpu.vector_store %arg19[%swap3A_62, %swap3A_63], %swap3A_66 {strides = array<i32>} : memref<8x128xf32, #tpu.memory_space<vmem>>, vector<1x16xf32>,
    %swap3A_67 = arith.constant 1 : i32
    %swap3A_68 = arith.index_cast %swap3A_67 : i32 to index
    %swap3A_69 = arith.constant 48 : index
    %swap3A_70 = tpu.vector_load %arg19[%swap3A_68, %swap3A_69] {strides = array<i32>} : memref<8x128xf32, #tpu.memory_space<vmem>>, vector<1x16xf32>,
    %swap3A_71 = vector.shape_cast %swap3A_70 : vector<1x16xf32> to vector<16xf32>
    %swap3A_72 = vector.shape_cast %broadcast_in_dim3A_1 : vector<16xf32> to vector<1x16xf32>
    tpu.vector_store %arg19[%swap3A_68, %swap3A_69], %swap3A_72 {strides = array<i32>} : memref<8x128xf32, #tpu.memory_space<vmem>>, vector<1x16xf32>,
    %swap3A_73 = arith.constant 1 : i32
    %swap3A_74 = arith.index_cast %swap3A_73 : i32 to index
    %swap3A_75 = arith.constant 64 : index
    %swap3A_76 = tpu.vector_load %arg19[%swap3A_74, %swap3A_75] {strides = array<i32>} : memref<8x128xf32, #tpu.memory_space<vmem>>, vector<1x16xf32>,
    %swap3A_77 = vector.shape_cast %swap3A_76 : vector<1x16xf32> to vector<16xf32>
    %swap3A_78 = vector.shape_cast %broadcast_in_dim3A_1 : vector<16xf32> to vector<1x16xf32>
    tpu.vector_store %arg19[%swap3A_74, %swap3A_75], %swap3A_78 {strides = array<i32>} : memref<8x128xf32, #tpu.memory_space<vmem>>, vector<1x16xf32>,
    %swap3A_79 = arith.constant 1 : i32
    %swap3A_80 = arith.index_cast %swap3A_79 : i32 to index
    %swap3A_81 = arith.constant 80 : index
    %swap3A_82 = tpu.vector_load %arg19[%swap3A_80, %swap3A_81] {strides = array<i32>} : memref<8x128xf32, #tpu.memory_space<vmem>>, vector<1x16xf32>,
    %swap3A_83 = vector.shape_cast %swap3A_82 : vector<1x16xf32> to vector<16xf32>
    %swap3A_84 = vector.shape_cast %broadcast_in_dim3A_1 : vector<16xf32> to vector<1x16xf32>
    tpu.vector_store %arg19[%swap3A_80, %swap3A_81], %swap3A_84 {strides = array<i32>} : memref<8x128xf32, #tpu.memory_space<vmem>>, vector<1x16xf32>,
    %swap3A_85 = arith.constant 1 : i32
    %swap3A_86 = arith.index_cast %swap3A_85 : i32 to index
    %swap3A_87 = arith.constant 96 : index
    %swap3A_88 = tpu.vector_load %arg19[%swap3A_86, %swap3A_87] {strides = array<i32>} : memref<8x128xf32, #tpu.memory_space<vmem>>, vector<1x16xf32>,
    %swap3A_89 = vector.shape_cast %swap3A_88 : vector<1x16xf32> to vector<16xf32>
    %swap3A_90 = vector.shape_cast %broadcast_in_dim3A_1 : vector<16xf32> to vector<1x16xf32>
    tpu.vector_store %arg19[%swap3A_86, %swap3A_87], %swap3A_90 {strides = array<i32>} : memref<8x128xf32, #tpu.memory_space<vmem>>, vector<1x16xf32>,
    %swap3A_91 = arith.constant 1 : i32
    %swap3A_92 = arith.index_cast %swap3A_91 : i32 to index
    %swap3A_93 = arith.constant 112 : index
    %swap3A_94 = tpu.vector_load %arg19[%swap3A_92, %swap3A_93] {strides = array<i32>} : memref<8x128xf32, #tpu.memory_space<vmem>>, vector<1x16xf32>,
    %swap3A_95 = vector.shape_cast %swap3A_94 : vector<1x16xf32> to vector<16xf32>
    %swap3A_96 = vector.shape_cast %broadcast_in_dim3A_1 : vector<16xf32> to vector<1x16xf32>
    tpu.vector_store %arg19[%swap3A_92, %swap3A_93], %swap3A_96 {strides = array<i32>} : memref<8x128xf32, #tpu.memory_space<vmem>>, vector<1x16xf32>,
    %swap3A_97 = arith.constant 2 : i32
    %swap3A_98 = arith.index_cast %swap3A_97 : i32 to index
    %swap3A_99 = arith.constant 0 : index
    %swap3A_100 = tpu.vector_load %arg19[%swap3A_98, %swap3A_99] {strides = array<i32>} : memref<8x128xf32, #tpu.memory_space<vmem>>, vector<1x16xf32>,
    %swap3A_101 = vector.shape_cast %swap3A_100 : vector<1x16xf32> to vector<16xf32>
    %swap3A_102 = vector.shape_cast %broadcast_in_dim3A_1 : vector<16xf32> to vector<1x16xf32>
    tpu.vector_store %arg19[%swap3A_98, %swap3A_99], %swap3A_102 {strides = array<i32>} : memref<8x128xf32, #tpu.memory_space<vmem>>, vector<1x16xf32>,
    %swap3A_103 = arith.constant 2 : i32
    %swap3A_104 = arith.index_cast %swap3A_103 : i32 to index
    %swap3A_105 = arith.constant 16 : index
    %swap3A_106 = tpu.vector_load %arg19[%swap3A_104, %swap3A_105] {strides = array<i32>} : memref<8x128xf32, #tpu.memory_space<vmem>>, vector<1x16xf32>,
    %swap3A_107 = vector.shape_cast %swap3A_106 : vector<1x16xf32> to vector<16xf32>
    %swap3A_108 = vector.shape_cast %broadcast_in_dim3A_1 : vector<16xf32> to vector<1x16xf32>
    tpu.vector_store %arg19[%swap3A_104, %swap3A_105], %swap3A_108 {strides = array<i32>} : memref<8x128xf32, #tpu.memory_space<vmem>>, vector<1x16xf32>,
    %swap3A_109 = arith.constant 2 : i32
    %swap3A_110 = arith.index_cast %swap3A_109 : i32 to index
    %swap3A_111 = arith.constant 32 : index
    %swap3A_112 = tpu.vector_load %arg19[%swap3A_110, %swap3A_111] {strides = array<i32>} : memref<8x128xf32, #tpu.memory_space<vmem>>, vector<1x16xf32>,
    %swap3A_113 = vector.shape_cast %swap3A_112 : vector<1x16xf32> to vector<16xf32>
    %swap3A_114 = vector.shape_cast %broadcast_in_dim3A_1 : vector<16xf32> to vector<1x16xf32>
    tpu.vector_store %arg19[%swap3A_110, %swap3A_111], %swap3A_114 {strides = array<i32>} : memref<8x128xf32, #tpu.memory_space<vmem>>, vector<1x16xf32>,
    %swap3A_115 = arith.constant 2 : i32
    %swap3A_116 = arith.index_cast %swap3A_115 : i32 to index
    %swap3A_117 = arith.constant 48 : index
    %swap3A_118 = tpu.vector_load %arg19[%swap3A_116, %swap3A_117] {strides = array<i32>} : memref<8x128xf32, #tpu.memory_space<vmem>>, vector<1x16xf32>,
    %swap3A_119 = vector.shape_cast %swap3A_118 : vector<1x16xf32> to vector<16xf32>
    %swap3A_120 = vector.shape_cast %broadcast_in_dim3A_1 : vector<16xf32> to vector<1x16xf32>
    tpu.vector_store %arg19[%swap3A_116, %swap3A_117], %swap3A_120 {strides = array<i32>} : memref<8x128xf32, #tpu.memory_space<vmem>>, vector<1x16xf32>,
    %swap3A_121 = arith.constant 2 : i32
    %swap3A_122 = arith.index_cast %swap3A_121 : i32 to index
    %swap3A_123 = arith.constant 64 : index
    %swap3A_124 = tpu.vector_load %arg19[%swap3A_122, %swap3A_123] {strides = array<i32>} : memref<8x128xf32, #tpu.memory_space<vmem>>, vector<1x16xf32>,
    %swap3A_125 = vector.shape_cast %swap3A_124 : vector<1x16xf32> to vector<16xf32>
    %swap3A_126 = vector.shape_cast %broadcast_in_dim3A_1 : vector<16xf32> to vector<1x16xf32>
    tpu.vector_store %arg19[%swap3A_122, %swap3A_123], %swap3A_126 {strides = array<i32>} : memref<8x128xf32, #tpu.memory_space<vmem>>, vector<1x16xf32>,
    %swap3A_127 = arith.constant 2 : i32
    %swap3A_128 = arith.index_cast %swap3A_127 : i32 to index
    %swap3A_129 = arith.constant 80 : index
    %swap3A_130 = tpu.vector_load %arg19[%swap3A_128, %swap3A_129] {strides = array<i32>} : memref<8x128xf32, #tpu.memory_space<vmem>>, vector<1x16xf32>,
    %swap3A_131 = vector.shape_cast %swap3A_130 : vector<1x16xf32> to vector<16xf32>
    %swap3A_132 = vector.shape_cast %broadcast_in_dim3A_1 : vector<16xf32> to vector<1x16xf32>
    tpu.vector_store %arg19[%swap3A_128, %swap3A_129], %swap3A_132 {strides = array<i32>} : memref<8x128xf32, #tpu.memory_space<vmem>>, vector<1x16xf32>,
    %swap3A_133 = arith.constant 2 : i32
    %swap3A_134 = arith.index_cast %swap3A_133 : i32 to index
    %swap3A_135 = arith.constant 96 : index
    %swap3A_136 = tpu.vector_load %arg19[%swap3A_134, %swap3A_135] {strides = array<i32>} : memref<8x128xf32, #tpu.memory_space<vmem>>, vector<1x16xf32>,
    %swap3A_137 = vector.shape_cast %swap3A_136 : vector<1x16xf32> to vector<16xf32>
    %swap3A_138 = vector.shape_cast %broadcast_in_dim3A_1 : vector<16xf32> to vector<1x16xf32>
    tpu.vector_store %arg19[%swap3A_134, %swap3A_135], %swap3A_138 {strides = array<i32>} : memref<8x128xf32, #tpu.memory_space<vmem>>, vector<1x16xf32>,
    %swap3A_139 = arith.constant 2 : i32
    %swap3A_140 = arith.index_cast %swap3A_139 : i32 to index
    %swap3A_141 = arith.constant 112 : index
    %swap3A_142 = tpu.vector_load %arg19[%swap3A_140, %swap3A_141] {strides = array<i32>} : memref<8x128xf32, #tpu.memory_space<vmem>>, vector<1x16xf32>,
    %swap3A_143 = vector.shape_cast %swap3A_142 : vector<1x16xf32> to vector<16xf32>
    %swap3A_144 = vector.shape_cast %broadcast_in_dim3A_1 : vector<16xf32> to vector<1x16xf32>
    tpu.vector_store %arg19[%swap3A_140, %swap3A_141], %swap3A_144 {strides = array<i32>} : memref<8x128xf32, #tpu.memory_space<vmem>>, vector<1x16xf32>,
    %swap3A_145 = arith.constant 3 : i32
    %swap3A_146 = arith.index_cast %swap3A_145 : i32 to index
    %swap3A_147 = arith.constant 0 : index
    %swap3A_148 = tpu.vector_load %arg19[%swap3A_146, %swap3A_147] {strides = array<i32>} : memref<8x128xf32, #tpu.memory_space<vmem>>, vector<1x16xf32>,
    %swap3A_149 = vector.shape_cast %swap3A_148 : vector<1x16xf32> to vector<16xf32>
    %swap3A_150 = vector.shape_cast %broadcast_in_dim3A_1 : vector<16xf32> to vector<1x16xf32>
    tpu.vector_store %arg19[%swap3A_146, %swap3A_147], %swap3A_150 {strides = array<i32>} : memref<8x128xf32, #tpu.memory_space<vmem>>, vector<1x16xf32>,
    %swap3A_151 = arith.constant 3 : i32
    %swap3A_152 = arith.index_cast %swap3A_151 : i32 to index
    %swap3A_153 = arith.constant 16 : index
    %swap3A_154 = tpu.vector_load %arg19[%swap3A_152, %swap3A_153] {strides = array<i32>} : memref<8x128xf32, #tpu.memory_space<vmem>>, vector<1x16xf32>,
    %swap3A_155 = vector.shape_cast %swap3A_154 : vector<1x16xf32> to vector<16xf32>
    %swap3A_156 = vector.shape_cast %broadcast_in_dim3A_1 : vector<16xf32> to vector<1x16xf32>
    tpu.vector_store %arg19[%swap3A_152, %swap3A_153], %swap3A_156 {strides = array<i32>} : memref<8x128xf32, #tpu.memory_space<vmem>>, vector<1x16xf32>,
    %swap3A_157 = arith.constant 3 : i32
    %swap3A_158 = arith.index_cast %swap3A_157 : i32 to index
    %swap3A_159 = arith.constant 32 : index
    %swap3A_160 = tpu.vector_load %arg19[%swap3A_158, %swap3A_159] {strides = array<i32>} : memref<8x128xf32, #tpu.memory_space<vmem>>, vector<1x16xf32>,
    %swap3A_161 = vector.shape_cast %swap3A_160 : vector<1x16xf32> to vector<16xf32>
    %swap3A_162 = vector.shape_cast %broadcast_in_dim3A_1 : vector<16xf32> to vector<1x16xf32>
    tpu.vector_store %arg19[%swap3A_158, %swap3A_159], %swap3A_162 {strides = array<i32>} : memref<8x128xf32, #tpu.memory_space<vmem>>, vector<1x16xf32>,
    %swap3A_163 = arith.constant 3 : i32
    %swap3A_164 = arith.index_cast %swap3A_163 : i32 to index
    %swap3A_165 = arith.constant 48 : index
    %swap3A_166 = tpu.vector_load %arg19[%swap3A_164, %swap3A_165] {strides = array<i32>} : memref<8x128xf32, #tpu.memory_space<vmem>>, vector<1x16xf32>,
    %swap3A_167 = vector.shape_cast %swap3A_166 : vector<1x16xf32> to vector<16xf32>
    %swap3A_168 = vector.shape_cast %broadcast_in_dim3A_1 : vector<16xf32> to vector<1x16xf32>
    tpu.vector_store %arg19[%swap3A_164, %swap3A_165], %swap3A_168 {strides = array<i32>} : memref<8x128xf32, #tpu.memory_space<vmem>>, vector<1x16xf32>,
    %swap3A_169 = arith.constant 3 : i32
    %swap3A_170 = arith.index_cast %swap3A_169 : i32 to index
    %swap3A_171 = arith.constant 64 : index
    %swap3A_172 = tpu.vector_load %arg19[%swap3A_170, %swap3A_171] {strides = array<i32>} : memref<8x128xf32, #tpu.memory_space<vmem>>, vector<1x16xf32>,
    %swap3A_173 = vector.shape_cast %swap3A_172 : vector<1x16xf32> to vector<16xf32>
    %swap3A_174 = vector.shape_cast %broadcast_in_dim3A_1 : vector<16xf32> to vector<1x16xf32>
    tpu.vector_store %arg19[%swap3A_170, %swap3A_171], %swap3A_174 {strides = array<i32>} : memref<8x128xf32, #tpu.memory_space<vmem>>, vector<1x16xf32>,
    %swap3A_175 = arith.constant 3 : i32
    %swap3A_176 = arith.index_cast %swap3A_175 : i32 to index
    %swap3A_177 = arith.constant 80 : index
    %swap3A_178 = tpu.vector_load %arg19[%swap3A_176, %swap3A_177] {strides = array<i32>} : memref<8x128xf32, #tpu.memory_space<vmem>>, vector<1x16xf32>,
    %swap3A_179 = vector.shape_cast %swap3A_178 : vector<1x16xf32> to vector<16xf32>
    %swap3A_180 = vector.shape_cast %broadcast_in_dim3A_1 : vector<16xf32> to vector<1x16xf32>
    tpu.vector_store %arg19[%swap3A_176, %swap3A_177], %swap3A_180 {strides = array<i32>} : memref<8x128xf32, #tpu.memory_space<vmem>>, vector<1x16xf32>,
    %swap3A_181 = arith.constant 3 : i32
    %swap3A_182 = arith.index_cast %swap3A_181 : i32 to index
    %swap3A_183 = arith.constant 96 : index
    %swap3A_184 = tpu.vector_load %arg19[%swap3A_182, %swap3A_183] {strides = array<i32>} : memref<8x128xf32, #tpu.memory_space<vmem>>, vector<1x16xf32>,
    %swap3A_185 = vector.shape_cast %swap3A_184 : vector<1x16xf32> to vector<16xf32>
    %swap3A_186 = vector.shape_cast %broadcast_in_dim3A_1 : vector<16xf32> to vector<1x16xf32>
    tpu.vector_store %arg19[%swap3A_182, %swap3A_183], %swap3A_186 {strides = array<i32>} : memref<8x128xf32, #tpu.memory_space<vmem>>, vector<1x16xf32>,
    %swap3A_187 = arith.constant 3 : i32
    %swap3A_188 = arith.index_cast %swap3A_187 : i32 to index
    %swap3A_189 = arith.constant 112 : index
    %swap3A_190 = tpu.vector_load %arg19[%swap3A_188, %swap3A_189] {strides = array<i32>} : memref<8x128xf32, #tpu.memory_space<vmem>>, vector<1x16xf32>,
    %swap3A_191 = vector.shape_cast %swap3A_190 : vector<1x16xf32> to vector<16xf32>
    %swap3A_192 = vector.shape_cast %broadcast_in_dim3A_1 : vector<16xf32> to vector<1x16xf32>
    tpu.vector_store %arg19[%swap3A_188, %swap3A_189], %swap3A_192 {strides = array<i32>} : memref<8x128xf32, #tpu.memory_space<vmem>>, vector<1x16xf32>,
    %swap3A_193 = arith.constant 4 : i32
    %swap3A_194 = arith.index_cast %swap3A_193 : i32 to index
    %swap3A_195 = arith.constant 0 : index
    %swap3A_196 = tpu.vector_load %arg19[%swap3A_194, %swap3A_195] {strides = array<i32>} : memref<8x128xf32, #tpu.memory_space<vmem>>, vector<1x16xf32>,
    %swap3A_197 = vector.shape_cast %swap3A_196 : vector<1x16xf32> to vector<16xf32>
    %swap3A_198 = vector.shape_cast %broadcast_in_dim3A_1 : vector<16xf32> to vector<1x16xf32>
    tpu.vector_store %arg19[%swap3A_194, %swap3A_195], %swap3A_198 {strides = array<i32>} : memref<8x128xf32, #tpu.memory_space<vmem>>, vector<1x16xf32>,
    %swap3A_199 = arith.constant 4 : i32
    %swap3A_200 = arith.index_cast %swap3A_199 : i32 to index
    %swap3A_201 = arith.constant 16 : index
    %swap3A_202 = tpu.vector_load %arg19[%swap3A_200, %swap3A_201] {strides = array<i32>} : memref<8x128xf32, #tpu.memory_space<vmem>>, vector<1x16xf32>,
    %swap3A_203 = vector.shape_cast %swap3A_202 : vector<1x16xf32> to vector<16xf32>
    %swap3A_204 = vector.shape_cast %broadcast_in_dim3A_1 : vector<16xf32> to vector<1x16xf32>
    tpu.vector_store %arg19[%swap3A_200, %swap3A_201], %swap3A_204 {strides = array<i32>} : memref<8x128xf32, #tpu.memory_space<vmem>>, vector<1x16xf32>,
    %swap3A_205 = arith.constant 4 : i32
    %swap3A_206 = arith.index_cast %swap3A_205 : i32 to index
    %swap3A_207 = arith.constant 32 : index
    %swap3A_208 = tpu.vector_load %arg19[%swap3A_206, %swap3A_207] {strides = array<i32>} : memref<8x128xf32, #tpu.memory_space<vmem>>, vector<1x16xf32>,
    %swap3A_209 = vector.shape_cast %swap3A_208 : vector<1x16xf32> to vector<16xf32>
    %swap3A_210 = vector.shape_cast %broadcast_in_dim3A_1 : vector<16xf32> to vector<1x16xf32>
    tpu.vector_store %arg19[%swap3A_206, %swap3A_207], %swap3A_210 {strides = array<i32>} : memref<8x128xf32, #tpu.memory_space<vmem>>, vector<1x16xf32>,
    %swap3A_211 = arith.constant 4 : i32
    %swap3A_212 = arith.index_cast %swap3A_211 : i32 to index
    %swap3A_213 = arith.constant 48 : index
    %swap3A_214 = tpu.vector_load %arg19[%swap3A_212, %swap3A_213] {strides = array<i32>} : memref<8x128xf32, #tpu.memory_space<vmem>>, vector<1x16xf32>,
    %swap3A_215 = vector.shape_cast %swap3A_214 : vector<1x16xf32> to vector<16xf32>
    %swap3A_216 = vector.shape_cast %broadcast_in_dim3A_1 : vector<16xf32> to vector<1x16xf32>
    tpu.vector_store %arg19[%swap3A_212, %swap3A_213], %swap3A_216 {strides = array<i32>} : memref<8x128xf32, #tpu.memory_space<vmem>>, vector<1x16xf32>,
    %swap3A_217 = arith.constant 4 : i32
    %swap3A_218 = arith.index_cast %swap3A_217 : i32 to index
    %swap3A_219 = arith.constant 64 : index
    %swap3A_220 = tpu.vector_load %arg19[%swap3A_218, %swap3A_219] {strides = array<i32>} : memref<8x128xf32, #tpu.memory_space<vmem>>, vector<1x16xf32>,
    %swap3A_221 = vector.shape_cast %swap3A_220 : vector<1x16xf32> to vector<16xf32>
    %swap3A_222 = vector.shape_cast %broadcast_in_dim3A_1 : vector<16xf32> to vector<1x16xf32>
    tpu.vector_store %arg19[%swap3A_218, %swap3A_219], %swap3A_222 {strides = array<i32>} : memref<8x128xf32, #tpu.memory_space<vmem>>, vector<1x16xf32>,
    %swap3A_223 = arith.constant 4 : i32
    %swap3A_224 = arith.index_cast %swap3A_223 : i32 to index
    %swap3A_225 = arith.constant 80 : index
    %swap3A_226 = tpu.vector_load %arg19[%swap3A_224, %swap3A_225] {strides = array<i32>} : memref<8x128xf32, #tpu.memory_space<vmem>>, vector<1x16xf32>,
    %swap3A_227 = vector.shape_cast %swap3A_226 : vector<1x16xf32> to vector<16xf32>
    %swap3A_228 = vector.shape_cast %broadcast_in_dim3A_1 : vector<16xf32> to vector<1x16xf32>
    tpu.vector_store %arg19[%swap3A_224, %swap3A_225], %swap3A_228 {strides = array<i32>} : memref<8x128xf32, #tpu.memory_space<vmem>>, vector<1x16xf32>,
    %swap3A_229 = arith.constant 4 : i32
    %swap3A_230 = arith.index_cast %swap3A_229 : i32 to index
    %swap3A_231 = arith.constant 96 : index
    %swap3A_232 = tpu.vector_load %arg19[%swap3A_230, %swap3A_231] {strides = array<i32>} : memref<8x128xf32, #tpu.memory_space<vmem>>, vector<1x16xf32>,
    %swap3A_233 = vector.shape_cast %swap3A_232 : vector<1x16xf32> to vector<16xf32>
    %swap3A_234 = vector.shape_cast %broadcast_in_dim3A_1 : vector<16xf32> to vector<1x16xf32>
    tpu.vector_store %arg19[%swap3A_230, %swap3A_231], %swap3A_234 {strides = array<i32>} : memref<8x128xf32, #tpu.memory_space<vmem>>, vector<1x16xf32>,
    %swap3A_235 = arith.constant 4 : i32
    %swap3A_236 = arith.index_cast %swap3A_235 : i32 to index
    %swap3A_237 = arith.constant 112 : index
    %swap3A_238 = tpu.vector_load %arg19[%swap3A_236, %swap3A_237] {strides = array<i32>} : memref<8x128xf32, #tpu.memory_space<vmem>>, vector<1x16xf32>,
    %swap3A_239 = vector.shape_cast %swap3A_238 : vector<1x16xf32> to vector<16xf32>
    %swap3A_240 = vector.shape_cast %broadcast_in_dim3A_1 : vector<16xf32> to vector<1x16xf32>
    tpu.vector_store %arg19[%swap3A_236, %swap3A_237], %swap3A_240 {strides = array<i32>} : memref<8x128xf32, #tpu.memory_space<vmem>>, vector<1x16xf32>,
    %swap3A_241 = arith.constant 5 : i32
    %swap3A_242 = arith.index_cast %swap3A_241 : i32 to index
    %swap3A_243 = arith.constant 0 : index
    %swap3A_244 = tpu.vector_load %arg19[%swap3A_242, %swap3A_243] {strides = array<i32>} : memref<8x128xf32, #tpu.memory_space<vmem>>, vector<1x16xf32>,
    %swap3A_245 = vector.shape_cast %swap3A_244 : vector<1x16xf32> to vector<16xf32>
    %swap3A_246 = vector.shape_cast %broadcast_in_dim3A_1 : vector<16xf32> to vector<1x16xf32>
    tpu.vector_store %arg19[%swap3A_242, %swap3A_243], %swap3A_246 {strides = array<i32>} : memref<8x128xf32, #tpu.memory_space<vmem>>, vector<1x16xf32>,
    %swap3A_247 = arith.constant 5 : i32
    %swap3A_248 = arith.index_cast %swap3A_247 : i32 to index
    %swap3A_249 = arith.constant 16 : index
    %swap3A_250 = tpu.vector_load %arg19[%swap3A_248, %swap3A_249] {strides = array<i32>} : memref<8x128xf32, #tpu.memory_space<vmem>>, vector<1x16xf32>,
    %swap3A_251 = vector.shape_cast %swap3A_250 : vector<1x16xf32> to vector<16xf32>
    %swap3A_252 = vector.shape_cast %broadcast_in_dim3A_1 : vector<16xf32> to vector<1x16xf32>
    tpu.vector_store %arg19[%swap3A_248, %swap3A_249], %swap3A_252 {strides = array<i32>} : memref<8x128xf32, #tpu.memory_space<vmem>>, vector<1x16xf32>,
    %swap3A_253 = arith.constant 5 : i32
    %swap3A_254 = arith.index_cast %swap3A_253 : i32 to index
    %swap3A_255 = arith.constant 32 : index
    %swap3A_256 = tpu.vector_load %arg19[%swap3A_254, %swap3A_255] {strides = array<i32>} : memref<8x128xf32, #tpu.memory_space<vmem>>, vector<1x16xf32>,
    %swap3A_257 = vector.shape_cast %swap3A_256 : vector<1x16xf32> to vector<16xf32>
    %swap3A_258 = vector.shape_cast %broadcast_in_dim3A_1 : vector<16xf32> to vector<1x16xf32>
    tpu.vector_store %arg19[%swap3A_254, %swap3A_255], %swap3A_258 {strides = array<i32>} : memref<8x128xf32, #tpu.memory_space<vmem>>, vector<1x16xf32>,
    %swap3A_259 = arith.constant 5 : i32
    %swap3A_260 = arith.index_cast %swap3A_259 : i32 to index
    %swap3A_261 = arith.constant 48 : index
    %swap3A_262 = tpu.vector_load %arg19[%swap3A_260, %swap3A_261] {strides = array<i32>} : memref<8x128xf32, #tpu.memory_space<vmem>>, vector<1x16xf32>,
    %swap3A_263 = vector.shape_cast %swap3A_262 : vector<1x16xf32> to vector<16xf32>
    %swap3A_264 = vector.shape_cast %broadcast_in_dim3A_1 : vector<16xf32> to vector<1x16xf32>
    tpu.vector_store %arg19[%swap3A_260, %swap3A_261], %swap3A_264 {strides = array<i32>} : memref<8x128xf32, #tpu.memory_space<vmem>>, vector<1x16xf32>,
    %swap3A_265 = arith.constant 5 : i32
    %swap3A_266 = arith.index_cast %swap3A_265 : i32 to index
    %swap3A_267 = arith.constant 64 : index
    %swap3A_268 = tpu.vector_load %arg19[%swap3A_266, %swap3A_267] {strides = array<i32>} : memref<8x128xf32, #tpu.memory_space<vmem>>, vector<1x16xf32>,
    %swap3A_269 = vector.shape_cast %swap3A_268 : vector<1x16xf32> to vector<16xf32>
    %swap3A_270 = vector.shape_cast %broadcast_in_dim3A_1 : vector<16xf32> to vector<1x16xf32>
    tpu.vector_store %arg19[%swap3A_266, %swap3A_267], %swap3A_270 {strides = array<i32>} : memref<8x128xf32, #tpu.memory_space<vmem>>, vector<1x16xf32>,
    %swap3A_271 = arith.constant 5 : i32
    %swap3A_272 = arith.index_cast %swap3A_271 : i32 to index
    %swap3A_273 = arith.constant 80 : index
    %swap3A_274 = tpu.vector_load %arg19[%swap3A_272, %swap3A_273] {strides = array<i32>} : memref<8x128xf32, #tpu.memory_space<vmem>>, vector<1x16xf32>,
    %swap3A_275 = vector.shape_cast %swap3A_274 : vector<1x16xf32> to vector<16xf32>
    %swap3A_276 = vector.shape_cast %broadcast_in_dim3A_1 : vector<16xf32> to vector<1x16xf32>
    tpu.vector_store %arg19[%swap3A_272, %swap3A_273], %swap3A_276 {strides = array<i32>} : memref<8x128xf32, #tpu.memory_space<vmem>>, vector<1x16xf32>,
    %swap3A_277 = arith.constant 5 : i32
    %swap3A_278 = arith.index_cast %swap3A_277 : i32 to index
    %swap3A_279 = arith.constant 96 : index
    %swap3A_280 = tpu.vector_load %arg19[%swap3A_278, %swap3A_279] {strides = array<i32>} : memref<8x128xf32, #tpu.memory_space<vmem>>, vector<1x16xf32>,
    %swap3A_281 = vector.shape_cast %swap3A_280 : vector<1x16xf32> to vector<16xf32>
    %swap3A_282 = vector.shape_cast %broadcast_in_dim3A_1 : vector<16xf32> to vector<1x16xf32>
    tpu.vector_store %arg19[%swap3A_278, %swap3A_279], %swap3A_282 {strides = array<i32>} : memref<8x128xf32, #tpu.memory_space<vmem>>, vector<1x16xf32>,
    %swap3A_283 = arith.constant 5 : i32
    %swap3A_284 = arith.index_cast %swap3A_283 : i32 to index
    %swap3A_285 = arith.constant 112 : index
    %swap3A_286 = tpu.vector_load %arg19[%swap3A_284, %swap3A_285] {strides = array<i32>} : memref<8x128xf32, #tpu.memory_space<vmem>>, vector<1x16xf32>,
    %swap3A_287 = vector.shape_cast %swap3A_286 : vector<1x16xf32> to vector<16xf32>
    %swap3A_288 = vector.shape_cast %broadcast_in_dim3A_1 : vector<16xf32> to vector<1x16xf32>
    tpu.vector_store %arg19[%swap3A_284, %swap3A_285], %swap3A_288 {strides = array<i32>} : memref<8x128xf32, #tpu.memory_space<vmem>>, vector<1x16xf32>,
    %swap3A_289 = arith.constant 6 : i32
    %swap3A_290 = arith.index_cast %swap3A_289 : i32 to index
    %swap3A_291 = arith.constant 0 : index
    %swap3A_292 = tpu.vector_load %arg19[%swap3A_290, %swap3A_291] {strides = array<i32>} : memref<8x128xf32, #tpu.memory_space<vmem>>, vector<1x16xf32>,
    %swap3A_293 = vector.shape_cast %swap3A_292 : vector<1x16xf32> to vector<16xf32>
    %swap3A_294 = vector.shape_cast %broadcast_in_dim3A_1 : vector<16xf32> to vector<1x16xf32>
    tpu.vector_store %arg19[%swap3A_290, %swap3A_291], %swap3A_294 {strides = array<i32>} : memref<8x128xf32, #tpu.memory_space<vmem>>, vector<1x16xf32>,
    %swap3A_295 = arith.constant 6 : i32
    %swap3A_296 = arith.index_cast %swap3A_295 : i32 to index
    %swap3A_297 = arith.constant 16 : index
    %swap3A_298 = tpu.vector_load %arg19[%swap3A_296, %swap3A_297] {strides = array<i32>} : memref<8x128xf32, #tpu.memory_space<vmem>>, vector<1x16xf32>,
    %swap3A_299 = vector.shape_cast %swap3A_298 : vector<1x16xf32> to vector<16xf32>
    %swap3A_300 = vector.shape_cast %broadcast_in_dim3A_1 : vector<16xf32> to vector<1x16xf32>
    tpu.vector_store %arg19[%swap3A_296, %swap3A_297], %swap3A_300 {strides = array<i32>} : memref<8x128xf32, #tpu.memory_space<vmem>>, vector<1x16xf32>,
    %swap3A_301 = arith.constant 6 : i32
    %swap3A_302 = arith.index_cast %swap3A_301 : i32 to index
    %swap3A_303 = arith.constant 32 : index
    %swap3A_304 = tpu.vector_load %arg19[%swap3A_302, %swap3A_303] {strides = array<i32>} : memref<8x128xf32, #tpu.memory_space<vmem>>, vector<1x16xf32>,
    %swap3A_305 = vector.shape_cast %swap3A_304 : vector<1x16xf32> to vector<16xf32>
    %swap3A_306 = vector.shape_cast %broadcast_in_dim3A_1 : vector<16xf32> to vector<1x16xf32>
    tpu.vector_store %arg19[%swap3A_302, %swap3A_303], %swap3A_306 {strides = array<i32>} : memref<8x128xf32, #tpu.memory_space<vmem>>, vector<1x16xf32>,
    %swap3A_307 = arith.constant 6 : i32
    %swap3A_308 = arith.index_cast %swap3A_307 : i32 to index
    %swap3A_309 = arith.constant 48 : index
    %swap3A_310 = tpu.vector_load %arg19[%swap3A_308, %swap3A_309] {strides = array<i32>} : memref<8x128xf32, #tpu.memory_space<vmem>>, vector<1x16xf32>,
    %swap3A_311 = vector.shape_cast %swap3A_310 : vector<1x16xf32> to vector<16xf32>
    %swap3A_312 = vector.shape_cast %broadcast_in_dim3A_1 : vector<16xf32> to vector<1x16xf32>
    tpu.vector_store %arg19[%swap3A_308, %swap3A_309], %swap3A_312 {strides = array<i32>} : memref<8x128xf32, #tpu.memory_space<vmem>>, vector<1x16xf32>,
    %swap3A_313 = arith.constant 6 : i32
    %swap3A_314 = arith.index_cast %swap3A_313 : i32 to index
    %swap3A_315 = arith.constant 64 : index
    %swap3A_316 = tpu.vector_load %arg19[%swap3A_314, %swap3A_315] {strides = array<i32>} : memref<8x128xf32, #tpu.memory_space<vmem>>, vector<1x16xf32>,
    %swap3A_317 = vector.shape_cast %swap3A_316 : vector<1x16xf32> to vector<16xf32>
    %swap3A_318 = vector.shape_cast %broadcast_in_dim3A_1 : vector<16xf32> to vector<1x16xf32>
    tpu.vector_store %arg19[%swap3A_314, %swap3A_315], %swap3A_318 {strides = array<i32>} : memref<8x128xf32, #tpu.memory_space<vmem>>, vector<1x16xf32>,
    %swap3A_319 = arith.constant 6 : i32
    %swap3A_320 = arith.index_cast %swap3A_319 : i32 to index
    %swap3A_321 = arith.constant 80 : index
    %swap3A_322 = tpu.vector_load %arg19[%swap3A_320, %swap3A_321] {strides = array<i32>} : memref<8x128xf32, #tpu.memory_space<vmem>>, vector<1x16xf32>,
    %swap3A_323 = vector.shape_cast %swap3A_322 : vector<1x16xf32> to vector<16xf32>
    %swap3A_324 = vector.shape_cast %broadcast_in_dim3A_1 : vector<16xf32> to vector<1x16xf32>
    tpu.vector_store %arg19[%swap3A_320, %swap3A_321], %swap3A_324 {strides = array<i32>} : memref<8x128xf32, #tpu.memory_space<vmem>>, vector<1x16xf32>,
    %swap3A_325 = arith.constant 6 : i32
    %swap3A_326 = arith.index_cast %swap3A_325 : i32 to index
    %swap3A_327 = arith.constant 96 : index
    %swap3A_328 = tpu.vector_load %arg19[%swap3A_326, %swap3A_327] {strides = array<i32>} : memref<8x128xf32, #tpu.memory_space<vmem>>, vector<1x16xf32>,
    %swap3A_329 = vector.shape_cast %swap3A_328 : vector<1x16xf32> to vector<16xf32>
    %swap3A_330 = vector.shape_cast %broadcast_in_dim3A_1 : vector<16xf32> to vector<1x16xf32>
    tpu.vector_store %arg19[%swap3A_326, %swap3A_327], %swap3A_330 {strides = array<i32>} : memref<8x128xf32, #tpu.memory_space<vmem>>, vector<1x16xf32>,
    %swap3A_331 = arith.constant 6 : i32
    %swap3A_332 = arith.index_cast %swap3A_331 : i32 to index
    %swap3A_333 = arith.constant 112 : index
    %swap3A_334 = tpu.vector_load %arg19[%swap3A_332, %swap3A_333] {strides = array<i32>} : memref<8x128xf32, #tpu.memory_space<vmem>>, vector<1x16xf32>,
    %swap3A_335 = vector.shape_cast %swap3A_334 : vector<1x16xf32> to vector<16xf32>
    %swap3A_336 = vector.shape_cast %broadcast_in_dim3A_1 : vector<16xf32> to vector<1x16xf32>
    tpu.vector_store %arg19[%swap3A_332, %swap3A_333], %swap3A_336 {strides = array<i32>} : memref<8x128xf32, #tpu.memory_space<vmem>>, vector<1x16xf32>,
    %swap3A_337 = arith.constant 7 : i32
    %swap3A_338 = arith.index_cast %swap3A_337 : i32 to index
    %swap3A_339 = arith.constant 0 : index
    %swap3A_340 = tpu.vector_load %arg19[%swap3A_338, %swap3A_339] {strides = array<i32>} : memref<8x128xf32, #tpu.memory_space<vmem>>, vector<1x16xf32>,
    %swap3A_341 = vector.shape_cast %swap3A_340 : vector<1x16xf32> to vector<16xf32>
    %swap3A_342 = vector.shape_cast %broadcast_in_dim3A_1 : vector<16xf32> to vector<1x16xf32>
    tpu.vector_store %arg19[%swap3A_338, %swap3A_339], %swap3A_342 {strides = array<i32>} : memref<8x128xf32, #tpu.memory_space<vmem>>, vector<1x16xf32>,
    %swap3A_343 = arith.constant 7 : i32
    %swap3A_344 = arith.index_cast %swap3A_343 : i32 to index
    %swap3A_345 = arith.constant 16 : index
    %swap3A_346 = tpu.vector_load %arg19[%swap3A_344, %swap3A_345] {strides = array<i32>} : memref<8x128xf32, #tpu.memory_space<vmem>>, vector<1x16xf32>,
    %swap3A_347 = vector.shape_cast %swap3A_346 : vector<1x16xf32> to vector<16xf32>
    %swap3A_348 = vector.shape_cast %broadcast_in_dim3A_1 : vector<16xf32> to vector<1x16xf32>
    tpu.vector_store %arg19[%swap3A_344, %swap3A_345], %swap3A_348 {strides = array<i32>} : memref<8x128xf32, #tpu.memory_space<vmem>>, vector<1x16xf32>,
    %swap3A_349 = arith.constant 7 : i32
    %swap3A_350 = arith.index_cast %swap3A_349 : i32 to index
    %swap3A_351 = arith.constant 32 : index
    %swap3A_352 = tpu.vector_load %arg19[%swap3A_350, %swap3A_351] {strides = array<i32>} : memref<8x128xf32, #tpu.memory_space<vmem>>, vector<1x16xf32>,
    %swap3A_353 = vector.shape_cast %swap3A_352 : vector<1x16xf32> to vector<16xf32>
    %swap3A_354 = vector.shape_cast %broadcast_in_dim3A_1 : vector<16xf32> to vector<1x16xf32>
    tpu.vector_store %arg19[%swap3A_350, %swap3A_351], %swap3A_354 {strides = array<i32>} : memref<8x128xf32, #tpu.memory_space<vmem>>, vector<1x16xf32>,
    %swap3A_355 = arith.constant 7 : i32
    %swap3A_356 = arith.index_cast %swap3A_355 : i32 to index
    %swap3A_357 = arith.constant 48 : index
    %swap3A_358 = tpu.vector_load %arg19[%swap3A_356, %swap3A_357] {strides = array<i32>} : memref<8x128xf32, #tpu.memory_space<vmem>>, vector<1x16xf32>,
    %swap3A_359 = vector.shape_cast %swap3A_358 : vector<1x16xf32> to vector<16xf32>
    %swap3A_360 = vector.shape_cast %broadcast_in_dim3A_1 : vector<16xf32> to vector<1x16xf32>
    tpu.vector_store %arg19[%swap3A_356, %swap3A_357], %swap3A_360 {strides = array<i32>} : memref<8x128xf32, #tpu.memory_space<vmem>>, vector<1x16xf32>,
    %swap3A_361 = arith.constant 7 : i32
    %swap3A_362 = arith.index_cast %swap3A_361 : i32 to index
    %swap3A_363 = arith.constant 64 : index
    %swap3A_364 = tpu.vector_load %arg19[%swap3A_362, %swap3A_363] {strides = array<i32>} : memref<8x128xf32, #tpu.memory_space<vmem>>, vector<1x16xf32>,
    %swap3A_365 = vector.shape_cast %swap3A_364 : vector<1x16xf32> to vector<16xf32>
    %swap3A_366 = vector.shape_cast %broadcast_in_dim3A_1 : vector<16xf32> to vector<1x16xf32>
    tpu.vector_store %arg19[%swap3A_362, %swap3A_363], %swap3A_366 {strides = array<i32>} : memref<8x128xf32, #tpu.memory_space<vmem>>, vector<1x16xf32>,
    %swap3A_367 = arith.constant 7 : i32
    %swap3A_368 = arith.index_cast %swap3A_367 : i32 to index
    %swap3A_369 = arith.constant 80 : index
    %swap3A_370 = tpu.vector_load %arg19[%swap3A_368, %swap3A_369] {strides = array<i32>} : memref<8x128xf32, #tpu.memory_space<vmem>>, vector<1x16xf32>,
    %swap3A_371 = vector.shape_cast %swap3A_370 : vector<1x16xf32> to vector<16xf32>
    %swap3A_372 = vector.shape_cast %broadcast_in_dim3A_1 : vector<16xf32> to vector<1x16xf32>
    tpu.vector_store %arg19[%swap3A_368, %swap3A_369], %swap3A_372 {strides = array<i32>} : memref<8x128xf32, #tpu.memory_space<vmem>>, vector<1x16xf32>,
    %swap3A_373 = arith.constant 7 : i32
    %swap3A_374 = arith.index_cast %swap3A_373 : i32 to index
    %swap3A_375 = arith.constant 96 : index
    %swap3A_376 = tpu.vector_load %arg19[%swap3A_374, %swap3A_375] {strides = array<i32>} : memref<8x128xf32, #tpu.memory_space<vmem>>, vector<1x16xf32>,
    %swap3A_377 = vector.shape_cast %swap3A_376 : vector<1x16xf32> to vector<16xf32>
    %swap3A_378 = vector.shape_cast %broadcast_in_dim3A_1 : vector<16xf32> to vector<1x16xf32>
    tpu.vector_store %arg19[%swap3A_374, %swap3A_375], %swap3A_378 {strides = array<i32>} : memref<8x128xf32, #tpu.memory_space<vmem>>, vector<1x16xf32>,
    %swap3A_379 = arith.constant 7 : i32
    %swap3A_380 = arith.index_cast %swap3A_379 : i32 to index
    %swap3A_381 = arith.constant 112 : index
    %swap3A_382 = tpu.vector_load %arg19[%swap3A_380, %swap3A_381] {strides = array<i32>} : memref<8x128xf32, #tpu.memory_space<vmem>>, vector<1x16xf32>,
    %swap3A_383 = vector.shape_cast %swap3A_382 : vector<1x16xf32> to vector<16xf32>
    %swap3A_384 = vector.shape_cast %broadcast_in_dim3A_1 : vector<16xf32> to vector<1x16xf32>
    tpu.vector_store %arg19[%swap3A_380, %swap3A_381], %swap3A_384 {strides = array<i32>} : memref<8x128xf32, #tpu.memory_space<vmem>>, vector<1x16xf32>,
    %sub3A = arith.constant 125 : i32
    %sub3A_385 = arith.subi %sub3A, %arg1 : i32
    %add3A_386 = arith.constant 16 : i32
    %add3A_387 = arith.addi %sub3A_385, %add3A_386 : i32
    %sub3A_388 = arith.constant 1 : i32
    %sub3A_389 = arith.subi %add3A_387, %sub3A_388 : i32
    %jit3A = arith.constant 16 : i32
    %div3A = arith.divsi %sub3A_389, %jit3A : i32
    %sign3A = arith.constant 0 : i32
    %sign3A_390 = arith.cmpi sgt, %sub3A_389, %sign3A : i32
    %sign3A_391 = arith.extui %sign3A_390 : i1 to i32
    %sign3A_392 = arith.constant 0 : i32
    %sign3A_393 = arith.cmpi slt, %sub3A_389, %sign3A_392 : i32
    %sign3A_394 = arith.extui %sign3A_393 : i1 to i32
    %sign3A_395 = arith.subi %sign3A_391, %sign3A_394 : i32
    %sign3A_396 = arith.constant 0 : i32
    %sign3A_397 = arith.cmpi sgt, %jit3A, %sign3A_396 : i32
    %sign3A_398 = arith.extui %sign3A_397 : i1 to i32
    %sign3A_399 = arith.constant 0 : i32
    %sign3A_400 = arith.cmpi slt, %jit3A, %sign3A_399 : i32
    %sign3A_401 = arith.extui %sign3A_400 : i1 to i32
    %sign3A_402 = arith.subi %sign3A_398, %sign3A_401 : i32
    %ne3A = arith.cmpi ne, %sign3A_395, %sign3A_402 : i32
    %rem3A = arith.remsi %sub3A_389, %jit3A : i32
    %ne3A_403 = arith.constant 0 : i32
    %ne3A_404 = arith.cmpi ne, %rem3A, %ne3A_403 : i32
    %and3A = arith.andi %ne3A, %ne3A_404 : i1
    %sub3A_405 = arith.constant 1 : i32
    %sub3A_406 = arith.subi %div3A, %sub3A_405 : i32
    %select_n3A = arith.select %and3A, %sub3A_406, %div3A : i32
    %while3A = arith.constant 0 : i32
    %while3A_407 = arith.constant 0 : i32
    %while3A_408 = arith.subi %select_n3A, %while3A_407 : i32
    %while3A_409 = arith.addi %while3A_407, %while3A_408 : i32
    %while3A_410 = arith.constant 1 : i32
    %while3A_411 = arith.divsi %while3A_408, %while3A_410 : i32
    %while3A_412 = arith.muli %while3A_411, %while3A_410 : i32
    %while3A_413 = arith.addi %while3A_407, %while3A_412 : i32
    %while3A_414 = arith.constant 1 : i32
    scf.for %while3A_480 = %while3A_407 to %while3A_413 step %while3A_414  : i32 {
      %mul3A_481 = arith.constant 16 : i32
      %mul3A_482 = arith.muli %while3A_480, %mul3A_481 : i32
      %add3A_483 = arith.addi %arg1, %mul3A_482 : i32
      %mul3A_484 = arith.constant 80 : i32
      %mul3A_485 = arith.muli %add3A_483, %mul3A_484 : i32
      %add3A_486 = arith.constant 0 : i32
      %add3A_487 = arith.addi %mul3A_485, %add3A_486 : i32
      "tpu.region"() ({
        %run_scoped3A = tpu.sem_alloc : memref<!tpu.dma_semaphore, #tpu.memory_space<semaphore_mem>>
        %dma_start3A = arith.constant 0 : i32
        %dma_start3A_524 = tpu.memref_slice %arg20[%add3A_487, %dma_start3A] : memref<10000x128xf32, #tpu.memory_space<vmem_shared>> -> memref<8x128xf32, #tpu.memory_space<vmem_shared>>
        %dma_start3A_525 = arith.constant 0 : i32
        %dma_start3A_526 = tpu.memref_slice %arg20[%add3A_487, %dma_start3A_525] : memref<10000x128xf32, #tpu.memory_space<vmem_shared>> -> memref<8x128xf32, #tpu.memory_space<vmem_shared>>
        tpu.enqueue_dma source(%arg19 : memref<8x128xf32, #tpu.memory_space<vmem>>) target(%dma_start3A_526 : memref<8x128xf32, #tpu.memory_space<vmem_shared>>) target_semaphore(%run_scoped3A : memref<!tpu.dma_semaphore, #tpu.memory_space<semaphore_mem>>)
        %dma_wait3A = arith.constant 0 : i32
        %dma_wait3A_527 = tpu.memref_slice %arg20[%add3A_487, %dma_wait3A] : memref<10000x128xf32, #tpu.memory_space<vmem_shared>> -> memref<8x128xf32, #tpu.memory_space<vmem_shared>>
        %dma_wait3A_528 = arith.constant 0 : i32
        %dma_wait3A_529 = tpu.memref_slice %arg20[%add3A_487, %dma_wait3A_528] : memref<10000x128xf32, #tpu.memory_space<vmem_shared>> -> memref<8x128xf32, #tpu.memory_space<vmem_shared>>
        tpu.wait_dma2 semaphore(%run_scoped3A : memref<!tpu.dma_semaphore, #tpu.memory_space<semaphore_mem>>) src(%arg19 : memref<8x128xf32, #tpu.memory_space<vmem>>) dst(%dma_wait3A_529 : memref<8x128xf32, #tpu.memory_space<vmem_shared>>)
        tpu.yield
      }) : () -> ()
      %mul3A_488 = arith.constant 80 : i32
      %mul3A_489 = arith.muli %add3A_483, %mul3A_488 : i32
      %add3A_490 = arith.constant 8 : i32
      %add3A_491 = arith.addi %mul3A_489, %add3A_490 : i32
      "tpu.region"() ({
        %run_scoped3A = tpu.sem_alloc : memref<!tpu.dma_semaphore, #tpu.memory_space<semaphore_mem>>
        %dma_start3A = arith.constant 0 : i32
        %dma_start3A_524 = tpu.memref_slice %arg20[%add3A_491, %dma_start3A] : memref<10000x128xf32, #tpu.memory_space<vmem_shared>> -> memref<8x128xf32, #tpu.memory_space<vmem_shared>>
        %dma_start3A_525 = arith.constant 0 : i32
        %dma_start3A_526 = tpu.memref_slice %arg20[%add3A_491, %dma_start3A_525] : memref<10000x128xf32, #tpu.memory_space<vmem_shared>> -> memref<8x128xf32, #tpu.memory_space<vmem_shared>>
        tpu.enqueue_dma source(%arg19 : memref<8x128xf32, #tpu.memory_space<vmem>>) target(%dma_start3A_526 : memref<8x128xf32, #tpu.memory_space<vmem_shared>>) target_semaphore(%run_scoped3A : memref<!tpu.dma_semaphore, #tpu.memory_space<semaphore_mem>>)
        %dma_wait3A = arith.constant 0 : i32
        %dma_wait3A_527 = tpu.memref_slice %arg20[%add3A_491, %dma_wait3A] : memref<10000x128xf32, #tpu.memory_space<vmem_shared>> -> memref<8x128xf32, #tpu.memory_space<vmem_shared>>
        %dma_wait3A_528 = arith.constant 0 : i32
        %dma_wait3A_529 = tpu.memref_slice %arg20[%add3A_491, %dma_wait3A_528] : memref<10000x128xf32, #tpu.memory_space<vmem_shared>> -> memref<8x128xf32, #tpu.memory_space<vmem_shared>>
        tpu.wait_dma2 semaphore(%run_scoped3A : memref<!tpu.dma_semaphore, #tpu.memory_space<semaphore_mem>>) src(%arg19 : memref<8x128xf32, #tpu.memory_space<vmem>>) dst(%dma_wait3A_529 : memref<8x128xf32, #tpu.memory_space<vmem_shared>>)
        tpu.yield
      }) : () -> ()
      %mul3A_492 = arith.constant 80 : i32
      %mul3A_493 = arith.muli %add3A_483, %mul3A_492 : i32
      %add3A_494 = arith.constant 16 : i32
      %add3A_495 = arith.addi %mul3A_493, %add3A_494 : i32
      "tpu.region"() ({
        %run_scoped3A = tpu.sem_alloc : memref<!tpu.dma_semaphore, #tpu.memory_space<semaphore_mem>>
        %dma_start3A = arith.constant 0 : i32
        %dma_start3A_524 = tpu.memref_slice %arg20[%add3A_495, %dma_start3A] : memref<10000x128xf32, #tpu.memory_space<vmem_shared>> -> memref<8x128xf32, #tpu.memory_space<vmem_shared>>
        %dma_start3A_525 = arith.constant 0 : i32
        %dma_start3A_526 = tpu.memref_slice %arg20[%add3A_495, %dma_start3A_525] : memref<10000x128xf32, #tpu.memory_space<vmem_shared>> -> memref<8x128xf32, #tpu.memory_space<vmem_shared>>
        tpu.enqueue_dma source(%arg19 : memref<8x128xf32, #tpu.memory_space<vmem>>) target(%dma_start3A_526 : memref<8x128xf32, #tpu.memory_space<vmem_shared>>) target_semaphore(%run_scoped3A : memref<!tpu.dma_semaphore, #tpu.memory_space<semaphore_mem>>)
        %dma_wait3A = arith.constant 0 : i32
        %dma_wait3A_527 = tpu.memref_slice %arg20[%add3A_495, %dma_wait3A] : memref<10000x128xf32, #tpu.memory_space<vmem_shared>> -> memref<8x128xf32, #tpu.memory_space<vmem_shared>>
        %dma_wait3A_528 = arith.constant 0 : i32
        %dma_wait3A_529 = tpu.memref_slice %arg20[%add3A_495, %dma_wait3A_528] : memref<10000x128xf32, #tpu.memory_space<vmem_shared>> -> memref<8x128xf32, #tpu.memory_space<vmem_shared>>
        tpu.wait_dma2 semaphore(%run_scoped3A : memref<!tpu.dma_semaphore, #tpu.memory_space<semaphore_mem>>) src(%arg19 : memref<8x128xf32, #tpu.memory_space<vmem>>) dst(%dma_wait3A_529 : memref<8x128xf32, #tpu.memory_space<vmem_shared>>)
        tpu.yield
      }) : () -> ()
      %mul3A_496 = arith.constant 80 : i32
      %mul3A_497 = arith.muli %add3A_483, %mul3A_496 : i32
      %add3A_498 = arith.constant 24 : i32
      %add3A_499 = arith.addi %mul3A_497, %add3A_498 : i32
      "tpu.region"() ({
        %run_scoped3A = tpu.sem_alloc : memref<!tpu.dma_semaphore, #tpu.memory_space<semaphore_mem>>
        %dma_start3A = arith.constant 0 : i32
        %dma_start3A_524 = tpu.memref_slice %arg20[%add3A_499, %dma_start3A] : memref<10000x128xf32, #tpu.memory_space<vmem_shared>> -> memref<8x128xf32, #tpu.memory_space<vmem_shared>>
        %dma_start3A_525 = arith.constant 0 : i32
        %dma_start3A_526 = tpu.memref_slice %arg20[%add3A_499, %dma_start3A_525] : memref<10000x128xf32, #tpu.memory_space<vmem_shared>> -> memref<8x128xf32, #tpu.memory_space<vmem_shared>>
        tpu.enqueue_dma source(%arg19 : memref<8x128xf32, #tpu.memory_space<vmem>>) target(%dma_start3A_526 : memref<8x128xf32, #tpu.memory_space<vmem_shared>>) target_semaphore(%run_scoped3A : memref<!tpu.dma_semaphore, #tpu.memory_space<semaphore_mem>>)
        %dma_wait3A = arith.constant 0 : i32
        %dma_wait3A_527 = tpu.memref_slice %arg20[%add3A_499, %dma_wait3A] : memref<10000x128xf32, #tpu.memory_space<vmem_shared>> -> memref<8x128xf32, #tpu.memory_space<vmem_shared>>
        %dma_wait3A_528 = arith.constant 0 : i32
        %dma_wait3A_529 = tpu.memref_slice %arg20[%add3A_499, %dma_wait3A_528] : memref<10000x128xf32, #tpu.memory_space<vmem_shared>> -> memref<8x128xf32, #tpu.memory_space<vmem_shared>>
        tpu.wait_dma2 semaphore(%run_scoped3A : memref<!tpu.dma_semaphore, #tpu.memory_space<semaphore_mem>>) src(%arg19 : memref<8x128xf32, #tpu.memory_space<vmem>>) dst(%dma_wait3A_529 : memref<8x128xf32, #tpu.memory_space<vmem_shared>>)
        tpu.yield
      }) : () -> ()
      %mul3A_500 = arith.constant 80 : i32
      %mul3A_501 = arith.muli %add3A_483, %mul3A_500 : i32
      %add3A_502 = arith.constant 32 : i32
      %add3A_503 = arith.addi %mul3A_501, %add3A_502 : i32
      "tpu.region"() ({
        %run_scoped3A = tpu.sem_alloc : memref<!tpu.dma_semaphore, #tpu.memory_space<semaphore_mem>>
        %dma_start3A = arith.constant 0 : i32
        %dma_start3A_524 = tpu.memref_slice %arg20[%add3A_503, %dma_start3A] : memref<10000x128xf32, #tpu.memory_space<vmem_shared>> -> memref<8x128xf32, #tpu.memory_space<vmem_shared>>
        %dma_start3A_525 = arith.constant 0 : i32
        %dma_start3A_526 = tpu.memref_slice %arg20[%add3A_503, %dma_start3A_525] : memref<10000x128xf32, #tpu.memory_space<vmem_shared>> -> memref<8x128xf32, #tpu.memory_space<vmem_shared>>
        tpu.enqueue_dma source(%arg19 : memref<8x128xf32, #tpu.memory_space<vmem>>) target(%dma_start3A_526 : memref<8x128xf32, #tpu.memory_space<vmem_shared>>) target_semaphore(%run_scoped3A : memref<!tpu.dma_semaphore, #tpu.memory_space<semaphore_mem>>)
        %dma_wait3A = arith.constant 0 : i32
        %dma_wait3A_527 = tpu.memref_slice %arg20[%add3A_503, %dma_wait3A] : memref<10000x128xf32, #tpu.memory_space<vmem_shared>> -> memref<8x128xf32, #tpu.memory_space<vmem_shared>>
        %dma_wait3A_528 = arith.constant 0 : i32
        %dma_wait3A_529 = tpu.memref_slice %arg20[%add3A_503, %dma_wait3A_528] : memref<10000x128xf32, #tpu.memory_space<vmem_shared>> -> memref<8x128xf32, #tpu.memory_space<vmem_shared>>
        tpu.wait_dma2 semaphore(%run_scoped3A : memref<!tpu.dma_semaphore, #tpu.memory_space<semaphore_mem>>) src(%arg19 : memref<8x128xf32, #tpu.memory_space<vmem>>) dst(%dma_wait3A_529 : memref<8x128xf32, #tpu.memory_space<vmem_shared>>)
        tpu.yield
      }) : () -> ()
      %mul3A_504 = arith.constant 80 : i32
      %mul3A_505 = arith.muli %add3A_483, %mul3A_504 : i32
      %add3A_506 = arith.constant 40 : i32
      %add3A_507 = arith.addi %mul3A_505, %add3A_506 : i32
      "tpu.region"() ({
        %run_scoped3A = tpu.sem_alloc : memref<!tpu.dma_semaphore, #tpu.memory_space<semaphore_mem>>
        %dma_start3A = arith.constant 0 : i32
        %dma_start3A_524 = tpu.memref_slice %arg20[%add3A_507, %dma_start3A] : memref<10000x128xf32, #tpu.memory_space<vmem_shared>> -> memref<8x128xf32, #tpu.memory_space<vmem_shared>>
        %dma_start3A_525 = arith.constant 0 : i32
        %dma_start3A_526 = tpu.memref_slice %arg20[%add3A_507, %dma_start3A_525] : memref<10000x128xf32, #tpu.memory_space<vmem_shared>> -> memref<8x128xf32, #tpu.memory_space<vmem_shared>>
        tpu.enqueue_dma source(%arg19 : memref<8x128xf32, #tpu.memory_space<vmem>>) target(%dma_start3A_526 : memref<8x128xf32, #tpu.memory_space<vmem_shared>>) target_semaphore(%run_scoped3A : memref<!tpu.dma_semaphore, #tpu.memory_space<semaphore_mem>>)
        %dma_wait3A = arith.constant 0 : i32
        %dma_wait3A_527 = tpu.memref_slice %arg20[%add3A_507, %dma_wait3A] : memref<10000x128xf32, #tpu.memory_space<vmem_shared>> -> memref<8x128xf32, #tpu.memory_space<vmem_shared>>
        %dma_wait3A_528 = arith.constant 0 : i32
        %dma_wait3A_529 = tpu.memref_slice %arg20[%add3A_507, %dma_wait3A_528] : memref<10000x128xf32, #tpu.memory_space<vmem_shared>> -> memref<8x128xf32, #tpu.memory_space<vmem_shared>>
        tpu.wait_dma2 semaphore(%run_scoped3A : memref<!tpu.dma_semaphore, #tpu.memory_space<semaphore_mem>>) src(%arg19 : memref<8x128xf32, #tpu.memory_space<vmem>>) dst(%dma_wait3A_529 : memref<8x128xf32, #tpu.memory_space<vmem_shared>>)
        tpu.yield
      }) : () -> ()
      %mul3A_508 = arith.constant 80 : i32
      %mul3A_509 = arith.muli %add3A_483, %mul3A_508 : i32
      %add3A_510 = arith.constant 48 : i32
      %add3A_511 = arith.addi %mul3A_509, %add3A_510 : i32
      "tpu.region"() ({
        %run_scoped3A = tpu.sem_alloc : memref<!tpu.dma_semaphore, #tpu.memory_space<semaphore_mem>>
        %dma_start3A = arith.constant 0 : i32
        %dma_start3A_524 = tpu.memref_slice %arg20[%add3A_511, %dma_start3A] : memref<10000x128xf32, #tpu.memory_space<vmem_shared>> -> memref<8x128xf32, #tpu.memory_space<vmem_shared>>
        %dma_start3A_525 = arith.constant 0 : i32
        %dma_start3A_526 = tpu.memref_slice %arg20[%add3A_511, %dma_start3A_525] : memref<10000x128xf32, #tpu.memory_space<vmem_shared>> -> memref<8x128xf32, #tpu.memory_space<vmem_shared>>
        tpu.enqueue_dma source(%arg19 : memref<8x128xf32, #tpu.memory_space<vmem>>) target(%dma_start3A_526 : memref<8x128xf32, #tpu.memory_space<vmem_shared>>) target_semaphore(%run_scoped3A : memref<!tpu.dma_semaphore, #tpu.memory_space<semaphore_mem>>)
        %dma_wait3A = arith.constant 0 : i32
        %dma_wait3A_527 = tpu.memref_slice %arg20[%add3A_511, %dma_wait3A] : memref<10000x128xf32, #tpu.memory_space<vmem_shared>> -> memref<8x128xf32, #tpu.memory_space<vmem_shared>>
        %dma_wait3A_528 = arith.constant 0 : i32
        %dma_wait3A_529 = tpu.memref_slice %arg20[%add3A_511, %dma_wait3A_528] : memref<10000x128xf32, #tpu.memory_space<vmem_shared>> -> memref<8x128xf32, #tpu.memory_space<vmem_shared>>
        tpu.wait_dma2 semaphore(%run_scoped3A : memref<!tpu.dma_semaphore, #tpu.memory_space<semaphore_mem>>) src(%arg19 : memref<8x128xf32, #tpu.memory_space<vmem>>) dst(%dma_wait3A_529 : memref<8x128xf32, #tpu.memory_space<vmem_shared>>)
        tpu.yield
      }) : () -> ()
      %mul3A_512 = arith.constant 80 : i32
      %mul3A_513 = arith.muli %add3A_483, %mul3A_512 : i32
      %add3A_514 = arith.constant 56 : i32
      %add3A_515 = arith.addi %mul3A_513, %add3A_514 : i32
      "tpu.region"() ({
        %run_scoped3A = tpu.sem_alloc : memref<!tpu.dma_semaphore, #tpu.memory_space<semaphore_mem>>
        %dma_start3A = arith.constant 0 : i32
        %dma_start3A_524 = tpu.memref_slice %arg20[%add3A_515, %dma_start3A] : memref<10000x128xf32, #tpu.memory_space<vmem_shared>> -> memref<8x128xf32, #tpu.memory_space<vmem_shared>>
        %dma_start3A_525 = arith.constant 0 : i32
        %dma_start3A_526 = tpu.memref_slice %arg20[%add3A_515, %dma_start3A_525] : memref<10000x128xf32, #tpu.memory_space<vmem_shared>> -> memref<8x128xf32, #tpu.memory_space<vmem_shared>>
        tpu.enqueue_dma source(%arg19 : memref<8x128xf32, #tpu.memory_space<vmem>>) target(%dma_start3A_526 : memref<8x128xf32, #tpu.memory_space<vmem_shared>>) target_semaphore(%run_scoped3A : memref<!tpu.dma_semaphore, #tpu.memory_space<semaphore_mem>>)
        %dma_wait3A = arith.constant 0 : i32
        %dma_wait3A_527 = tpu.memref_slice %arg20[%add3A_515, %dma_wait3A] : memref<10000x128xf32, #tpu.memory_space<vmem_shared>> -> memref<8x128xf32, #tpu.memory_space<vmem_shared>>
        %dma_wait3A_528 = arith.constant 0 : i32
        %dma_wait3A_529 = tpu.memref_slice %arg20[%add3A_515, %dma_wait3A_528] : memref<10000x128xf32, #tpu.memory_space<vmem_shared>> -> memref<8x128xf32, #tpu.memory_space<vmem_shared>>
        tpu.wait_dma2 semaphore(%run_scoped3A : memref<!tpu.dma_semaphore, #tpu.memory_space<semaphore_mem>>) src(%arg19 : memref<8x128xf32, #tpu.memory_space<vmem>>) dst(%dma_wait3A_529 : memref<8x128xf32, #tpu.memory_space<vmem_shared>>)
        tpu.yield
      }) : () -> ()
      %mul3A_516 = arith.constant 80 : i32
      %mul3A_517 = arith.muli %add3A_483, %mul3A_516 : i32
      %add3A_518 = arith.constant 64 : i32
      %add3A_519 = arith.addi %mul3A_517, %add3A_518 : i32
      "tpu.region"() ({
        %run_scoped3A = tpu.sem_alloc : memref<!tpu.dma_semaphore, #tpu.memory_space<semaphore_mem>>
        %dma_start3A = arith.constant 0 : i32
        %dma_start3A_524 = tpu.memref_slice %arg20[%add3A_519, %dma_start3A] : memref<10000x128xf32, #tpu.memory_space<vmem_shared>> -> memref<8x128xf32, #tpu.memory_space<vmem_shared>>
        %dma_start3A_525 = arith.constant 0 : i32
        %dma_start3A_526 = tpu.memref_slice %arg20[%add3A_519, %dma_start3A_525] : memref<10000x128xf32, #tpu.memory_space<vmem_shared>> -> memref<8x128xf32, #tpu.memory_space<vmem_shared>>
        tpu.enqueue_dma source(%arg19 : memref<8x128xf32, #tpu.memory_space<vmem>>) target(%dma_start3A_526 : memref<8x128xf32, #tpu.memory_space<vmem_shared>>) target_semaphore(%run_scoped3A : memref<!tpu.dma_semaphore, #tpu.memory_space<semaphore_mem>>)
        %dma_wait3A = arith.constant 0 : i32
        %dma_wait3A_527 = tpu.memref_slice %arg20[%add3A_519, %dma_wait3A] : memref<10000x128xf32, #tpu.memory_space<vmem_shared>> -> memref<8x128xf32, #tpu.memory_space<vmem_shared>>
        %dma_wait3A_528 = arith.constant 0 : i32
        %dma_wait3A_529 = tpu.memref_slice %arg20[%add3A_519, %dma_wait3A_528] : memref<10000x128xf32, #tpu.memory_space<vmem_shared>> -> memref<8x128xf32, #tpu.memory_space<vmem_shared>>
        tpu.wait_dma2 semaphore(%run_scoped3A : memref<!tpu.dma_semaphore, #tpu.memory_space<semaphore_mem>>) src(%arg19 : memref<8x128xf32, #tpu.memory_space<vmem>>) dst(%dma_wait3A_529 : memref<8x128xf32, #tpu.memory_space<vmem_shared>>)
        tpu.yield
      }) : () -> ()
      %mul3A_520 = arith.constant 80 : i32
      %mul3A_521 = arith.muli %add3A_483, %mul3A_520 : i32
      %add3A_522 = arith.constant 72 : i32
      %add3A_523 = arith.addi %mul3A_521, %add3A_522 : i32
      "tpu.region"() ({
        %run_scoped3A = tpu.sem_alloc : memref<!tpu.dma_semaphore, #tpu.memory_space<semaphore_mem>>
        %dma_start3A = arith.constant 0 : i32
        %dma_start3A_524 = tpu.memref_slice %arg20[%add3A_523, %dma_start3A] : memref<10000x128xf32, #tpu.memory_space<vmem_shared>> -> memref<8x128xf32, #tpu.memory_space<vmem_shared>>
        %dma_start3A_525 = arith.constant 0 : i32
        %dma_start3A_526 = tpu.memref_slice %arg20[%add3A_523, %dma_start3A_525] : memref<10000x128xf32, #tpu.memory_space<vmem_shared>> -> memref<8x128xf32, #tpu.memory_space<vmem_shared>>
        tpu.enqueue_dma source(%arg19 : memref<8x128xf32, #tpu.memory_space<vmem>>) target(%dma_start3A_526 : memref<8x128xf32, #tpu.memory_space<vmem_shared>>) target_semaphore(%run_scoped3A : memref<!tpu.dma_semaphore, #tpu.memory_space<semaphore_mem>>)
        %dma_wait3A = arith.constant 0 : i32
        %dma_wait3A_527 = tpu.memref_slice %arg20[%add3A_523, %dma_wait3A] : memref<10000x128xf32, #tpu.memory_space<vmem_shared>> -> memref<8x128xf32, #tpu.memory_space<vmem_shared>>
        %dma_wait3A_528 = arith.constant 0 : i32
        %dma_wait3A_529 = tpu.memref_slice %arg20[%add3A_523, %dma_wait3A_528] : memref<10000x128xf32, #tpu.memory_space<vmem_shared>> -> memref<8x128xf32, #tpu.memory_space<vmem_shared>>
        tpu.wait_dma2 semaphore(%run_scoped3A : memref<!tpu.dma_semaphore, #tpu.memory_space<semaphore_mem>>) src(%arg19 : memref<8x128xf32, #tpu.memory_space<vmem>>) dst(%dma_wait3A_529 : memref<8x128xf32, #tpu.memory_space<vmem_shared>>)
        tpu.yield
      }) : () -> ()
    }
    %while3A_415 = arith.constant 1 : i32
    scf.for %while3A_480 = %while3A_413 to %while3A_409 step %while3A_415  : i32 {
      %mul3A_481 = arith.constant 16 : i32
      %mul3A_482 = arith.muli %while3A_480, %mul3A_481 : i32
      %add3A_483 = arith.addi %arg1, %mul3A_482 : i32
      %mul3A_484 = arith.constant 80 : i32
      %mul3A_485 = arith.muli %add3A_483, %mul3A_484 : i32
      %add3A_486 = arith.constant 0 : i32
      %add3A_487 = arith.addi %mul3A_485, %add3A_486 : i32
      "tpu.region"() ({
        %run_scoped3A = tpu.sem_alloc : memref<!tpu.dma_semaphore, #tpu.memory_space<semaphore_mem>>
        %dma_start3A = arith.constant 0 : i32
        %dma_start3A_524 = tpu.memref_slice %arg20[%add3A_487, %dma_start3A] : memref<10000x128xf32, #tpu.memory_space<vmem_shared>> -> memref<8x128xf32, #tpu.memory_space<vmem_shared>>
        %dma_start3A_525 = arith.constant 0 : i32
        %dma_start3A_526 = tpu.memref_slice %arg20[%add3A_487, %dma_start3A_525] : memref<10000x128xf32, #tpu.memory_space<vmem_shared>> -> memref<8x128xf32, #tpu.memory_space<vmem_shared>>
        tpu.enqueue_dma source(%arg19 : memref<8x128xf32, #tpu.memory_space<vmem>>) target(%dma_start3A_526 : memref<8x128xf32, #tpu.memory_space<vmem_shared>>) target_semaphore(%run_scoped3A : memref<!tpu.dma_semaphore, #tpu.memory_space<semaphore_mem>>)
        %dma_wait3A = arith.constant 0 : i32
        %dma_wait3A_527 = tpu.memref_slice %arg20[%add3A_487, %dma_wait3A] : memref<10000x128xf32, #tpu.memory_space<vmem_shared>> -> memref<8x128xf32, #tpu.memory_space<vmem_shared>>
        %dma_wait3A_528 = arith.constant 0 : i32
        %dma_wait3A_529 = tpu.memref_slice %arg20[%add3A_487, %dma_wait3A_528] : memref<10000x128xf32, #tpu.memory_space<vmem_shared>> -> memref<8x128xf32, #tpu.memory_space<vmem_shared>>
        tpu.wait_dma2 semaphore(%run_scoped3A : memref<!tpu.dma_semaphore, #tpu.memory_space<semaphore_mem>>) src(%arg19 : memref<8x128xf32, #tpu.memory_space<vmem>>) dst(%dma_wait3A_529 : memref<8x128xf32, #tpu.memory_space<vmem_shared>>)
        tpu.yield
      }) : () -> ()
      %mul3A_488 = arith.constant 80 : i32
      %mul3A_489 = arith.muli %add3A_483, %mul3A_488 : i32
      %add3A_490 = arith.constant 8 : i32
      %add3A_491 = arith.addi %mul3A_489, %add3A_490 : i32
      "tpu.region"() ({
        %run_scoped3A = tpu.sem_alloc : memref<!tpu.dma_semaphore, #tpu.memory_space<semaphore_mem>>
        %dma_start3A = arith.constant 0 : i32
        %dma_start3A_524 = tpu.memref_slice %arg20[%add3A_491, %dma_start3A] : memref<10000x128xf32, #tpu.memory_space<vmem_shared>> -> memref<8x128xf32, #tpu.memory_space<vmem_shared>>
        %dma_start3A_525 = arith.constant 0 : i32
        %dma_start3A_526 = tpu.memref_slice %arg20[%add3A_491, %dma_start3A_525] : memref<10000x128xf32, #tpu.memory_space<vmem_shared>> -> memref<8x128xf32, #tpu.memory_space<vmem_shared>>
        tpu.enqueue_dma source(%arg19 : memref<8x128xf32, #tpu.memory_space<vmem>>) target(%dma_start3A_526 : memref<8x128xf32, #tpu.memory_space<vmem_shared>>) target_semaphore(%run_scoped3A : memref<!tpu.dma_semaphore, #tpu.memory_space<semaphore_mem>>)
        %dma_wait3A = arith.constant 0 : i32
        %dma_wait3A_527 = tpu.memref_slice %arg20[%add3A_491, %dma_wait3A] : memref<10000x128xf32, #tpu.memory_space<vmem_shared>> -> memref<8x128xf32, #tpu.memory_space<vmem_shared>>
        %dma_wait3A_528 = arith.constant 0 : i32
        %dma_wait3A_529 = tpu.memref_slice %arg20[%add3A_491, %dma_wait3A_528] : memref<10000x128xf32, #tpu.memory_space<vmem_shared>> -> memref<8x128xf32, #tpu.memory_space<vmem_shared>>
        tpu.wait_dma2 semaphore(%run_scoped3A : memref<!tpu.dma_semaphore, #tpu.memory_space<semaphore_mem>>) src(%arg19 : memref<8x128xf32, #tpu.memory_space<vmem>>) dst(%dma_wait3A_529 : memref<8x128xf32, #tpu.memory_space<vmem_shared>>)
        tpu.yield
      }) : () -> ()
      %mul3A_492 = arith.constant 80 : i32
      %mul3A_493 = arith.muli %add3A_483, %mul3A_492 : i32
      %add3A_494 = arith.constant 16 : i32
      %add3A_495 = arith.addi %mul3A_493, %add3A_494 : i32
      "tpu.region"() ({
        %run_scoped3A = tpu.sem_alloc : memref<!tpu.dma_semaphore, #tpu.memory_space<semaphore_mem>>
        %dma_start3A = arith.constant 0 : i32
        %dma_start3A_524 = tpu.memref_slice %arg20[%add3A_495, %dma_start3A] : memref<10000x128xf32, #tpu.memory_space<vmem_shared>> -> memref<8x128xf32, #tpu.memory_space<vmem_shared>>
        %dma_start3A_525 = arith.constant 0 : i32
        %dma_start3A_526 = tpu.memref_slice %arg20[%add3A_495, %dma_start3A_525] : memref<10000x128xf32, #tpu.memory_space<vmem_shared>> -> memref<8x128xf32, #tpu.memory_space<vmem_shared>>
        tpu.enqueue_dma source(%arg19 : memref<8x128xf32, #tpu.memory_space<vmem>>) target(%dma_start3A_526 : memref<8x128xf32, #tpu.memory_space<vmem_shared>>) target_semaphore(%run_scoped3A : memref<!tpu.dma_semaphore, #tpu.memory_space<semaphore_mem>>)
        %dma_wait3A = arith.constant 0 : i32
        %dma_wait3A_527 = tpu.memref_slice %arg20[%add3A_495, %dma_wait3A] : memref<10000x128xf32, #tpu.memory_space<vmem_shared>> -> memref<8x128xf32, #tpu.memory_space<vmem_shared>>
        %dma_wait3A_528 = arith.constant 0 : i32
        %dma_wait3A_529 = tpu.memref_slice %arg20[%add3A_495, %dma_wait3A_528] : memref<10000x128xf32, #tpu.memory_space<vmem_shared>> -> memref<8x128xf32, #tpu.memory_space<vmem_shared>>
        tpu.wait_dma2 semaphore(%run_scoped3A : memref<!tpu.dma_semaphore, #tpu.memory_space<semaphore_mem>>) src(%arg19 : memref<8x128xf32, #tpu.memory_space<vmem>>) dst(%dma_wait3A_529 : memref<8x128xf32, #tpu.memory_space<vmem_shared>>)
        tpu.yield
      }) : () -> ()
      %mul3A_496 = arith.constant 80 : i32
      %mul3A_497 = arith.muli %add3A_483, %mul3A_496 : i32
      %add3A_498 = arith.constant 24 : i32
      %add3A_499 = arith.addi %mul3A_497, %add3A_498 : i32
      "tpu.region"() ({
        %run_scoped3A = tpu.sem_alloc : memref<!tpu.dma_semaphore, #tpu.memory_space<semaphore_mem>>
        %dma_start3A = arith.constant 0 : i32
        %dma_start3A_524 = tpu.memref_slice %arg20[%add3A_499, %dma_start3A] : memref<10000x128xf32, #tpu.memory_space<vmem_shared>> -> memref<8x128xf32, #tpu.memory_space<vmem_shared>>
        %dma_start3A_525 = arith.constant 0 : i32
        %dma_start3A_526 = tpu.memref_slice %arg20[%add3A_499, %dma_start3A_525] : memref<10000x128xf32, #tpu.memory_space<vmem_shared>> -> memref<8x128xf32, #tpu.memory_space<vmem_shared>>
        tpu.enqueue_dma source(%arg19 : memref<8x128xf32, #tpu.memory_space<vmem>>) target(%dma_start3A_526 : memref<8x128xf32, #tpu.memory_space<vmem_shared>>) target_semaphore(%run_scoped3A : memref<!tpu.dma_semaphore, #tpu.memory_space<semaphore_mem>>)
        %dma_wait3A = arith.constant 0 : i32
        %dma_wait3A_527 = tpu.memref_slice %arg20[%add3A_499, %dma_wait3A] : memref<10000x128xf32, #tpu.memory_space<vmem_shared>> -> memref<8x128xf32, #tpu.memory_space<vmem_shared>>
        %dma_wait3A_528 = arith.constant 0 : i32
        %dma_wait3A_529 = tpu.memref_slice %arg20[%add3A_499, %dma_wait3A_528] : memref<10000x128xf32, #tpu.memory_space<vmem_shared>> -> memref<8x128xf32, #tpu.memory_space<vmem_shared>>
        tpu.wait_dma2 semaphore(%run_scoped3A : memref<!tpu.dma_semaphore, #tpu.memory_space<semaphore_mem>>) src(%arg19 : memref<8x128xf32, #tpu.memory_space<vmem>>) dst(%dma_wait3A_529 : memref<8x128xf32, #tpu.memory_space<vmem_shared>>)
        tpu.yield
      }) : () -> ()
      %mul3A_500 = arith.constant 80 : i32
      %mul3A_501 = arith.muli %add3A_483, %mul3A_500 : i32
      %add3A_502 = arith.constant 32 : i32
      %add3A_503 = arith.addi %mul3A_501, %add3A_502 : i32
      "tpu.region"() ({
        %run_scoped3A = tpu.sem_alloc : memref<!tpu.dma_semaphore, #tpu.memory_space<semaphore_mem>>
        %dma_start3A = arith.constant 0 : i32
        %dma_start3A_524 = tpu.memref_slice %arg20[%add3A_503, %dma_start3A] : memref<10000x128xf32, #tpu.memory_space<vmem_shared>> -> memref<8x128xf32, #tpu.memory_space<vmem_shared>>
        %dma_start3A_525 = arith.constant 0 : i32
        %dma_start3A_526 = tpu.memref_slice %arg20[%add3A_503, %dma_start3A_525] : memref<10000x128xf32, #tpu.memory_space<vmem_shared>> -> memref<8x128xf32, #tpu.memory_space<vmem_shared>>
        tpu.enqueue_dma source(%arg19 : memref<8x128xf32, #tpu.memory_space<vmem>>) target(%dma_start3A_526 : memref<8x128xf32, #tpu.memory_space<vmem_shared>>) target_semaphore(%run_scoped3A : memref<!tpu.dma_semaphore, #tpu.memory_space<semaphore_mem>>)
        %dma_wait3A = arith.constant 0 : i32
        %dma_wait3A_527 = tpu.memref_slice %arg20[%add3A_503, %dma_wait3A] : memref<10000x128xf32, #tpu.memory_space<vmem_shared>> -> memref<8x128xf32, #tpu.memory_space<vmem_shared>>
        %dma_wait3A_528 = arith.constant 0 : i32
        %dma_wait3A_529 = tpu.memref_slice %arg20[%add3A_503, %dma_wait3A_528] : memref<10000x128xf32, #tpu.memory_space<vmem_shared>> -> memref<8x128xf32, #tpu.memory_space<vmem_shared>>
        tpu.wait_dma2 semaphore(%run_scoped3A : memref<!tpu.dma_semaphore, #tpu.memory_space<semaphore_mem>>) src(%arg19 : memref<8x128xf32, #tpu.memory_space<vmem>>) dst(%dma_wait3A_529 : memref<8x128xf32, #tpu.memory_space<vmem_shared>>)
        tpu.yield
      }) : () -> ()
      %mul3A_504 = arith.constant 80 : i32
      %mul3A_505 = arith.muli %add3A_483, %mul3A_504 : i32
      %add3A_506 = arith.constant 40 : i32
      %add3A_507 = arith.addi %mul3A_505, %add3A_506 : i32
      "tpu.region"() ({
        %run_scoped3A = tpu.sem_alloc : memref<!tpu.dma_semaphore, #tpu.memory_space<semaphore_mem>>
        %dma_start3A = arith.constant 0 : i32
        %dma_start3A_524 = tpu.memref_slice %arg20[%add3A_507, %dma_start3A] : memref<10000x128xf32, #tpu.memory_space<vmem_shared>> -> memref<8x128xf32, #tpu.memory_space<vmem_shared>>
        %dma_start3A_525 = arith.constant 0 : i32
        %dma_start3A_526 = tpu.memref_slice %arg20[%add3A_507, %dma_start3A_525] : memref<10000x128xf32, #tpu.memory_space<vmem_shared>> -> memref<8x128xf32, #tpu.memory_space<vmem_shared>>
        tpu.enqueue_dma source(%arg19 : memref<8x128xf32, #tpu.memory_space<vmem>>) target(%dma_start3A_526 : memref<8x128xf32, #tpu.memory_space<vmem_shared>>) target_semaphore(%run_scoped3A : memref<!tpu.dma_semaphore, #tpu.memory_space<semaphore_mem>>)
        %dma_wait3A = arith.constant 0 : i32
        %dma_wait3A_527 = tpu.memref_slice %arg20[%add3A_507, %dma_wait3A] : memref<10000x128xf32, #tpu.memory_space<vmem_shared>> -> memref<8x128xf32, #tpu.memory_space<vmem_shared>>
        %dma_wait3A_528 = arith.constant 0 : i32
        %dma_wait3A_529 = tpu.memref_slice %arg20[%add3A_507, %dma_wait3A_528] : memref<10000x128xf32, #tpu.memory_space<vmem_shared>> -> memref<8x128xf32, #tpu.memory_space<vmem_shared>>
        tpu.wait_dma2 semaphore(%run_scoped3A : memref<!tpu.dma_semaphore, #tpu.memory_space<semaphore_mem>>) src(%arg19 : memref<8x128xf32, #tpu.memory_space<vmem>>) dst(%dma_wait3A_529 : memref<8x128xf32, #tpu.memory_space<vmem_shared>>)
        tpu.yield
      }) : () -> ()
      %mul3A_508 = arith.constant 80 : i32
      %mul3A_509 = arith.muli %add3A_483, %mul3A_508 : i32
      %add3A_510 = arith.constant 48 : i32
      %add3A_511 = arith.addi %mul3A_509, %add3A_510 : i32
      "tpu.region"() ({
        %run_scoped3A = tpu.sem_alloc : memref<!tpu.dma_semaphore, #tpu.memory_space<semaphore_mem>>
        %dma_start3A = arith.constant 0 : i32
        %dma_start3A_524 = tpu.memref_slice %arg20[%add3A_511, %dma_start3A] : memref<10000x128xf32, #tpu.memory_space<vmem_shared>> -> memref<8x128xf32, #tpu.memory_space<vmem_shared>>
        %dma_start3A_525 = arith.constant 0 : i32
        %dma_start3A_526 = tpu.memref_slice %arg20[%add3A_511, %dma_start3A_525] : memref<10000x128xf32, #tpu.memory_space<vmem_shared>> -> memref<8x128xf32, #tpu.memory_space<vmem_shared>>
        tpu.enqueue_dma source(%arg19 : memref<8x128xf32, #tpu.memory_space<vmem>>) target(%dma_start3A_526 : memref<8x128xf32, #tpu.memory_space<vmem_shared>>) target_semaphore(%run_scoped3A : memref<!tpu.dma_semaphore, #tpu.memory_space<semaphore_mem>>)
        %dma_wait3A = arith.constant 0 : i32
        %dma_wait3A_527 = tpu.memref_slice %arg20[%add3A_511, %dma_wait3A] : memref<10000x128xf32, #tpu.memory_space<vmem_shared>> -> memref<8x128xf32, #tpu.memory_space<vmem_shared>>
        %dma_wait3A_528 = arith.constant 0 : i32
        %dma_wait3A_529 = tpu.memref_slice %arg20[%add3A_511, %dma_wait3A_528] : memref<10000x128xf32, #tpu.memory_space<vmem_shared>> -> memref<8x128xf32, #tpu.memory_space<vmem_shared>>
        tpu.wait_dma2 semaphore(%run_scoped3A : memref<!tpu.dma_semaphore, #tpu.memory_space<semaphore_mem>>) src(%arg19 : memref<8x128xf32, #tpu.memory_space<vmem>>) dst(%dma_wait3A_529 : memref<8x128xf32, #tpu.memory_space<vmem_shared>>)
        tpu.yield
      }) : () -> ()
      %mul3A_512 = arith.constant 80 : i32
      %mul3A_513 = arith.muli %add3A_483, %mul3A_512 : i32
      %add3A_514 = arith.constant 56 : i32
      %add3A_515 = arith.addi %mul3A_513, %add3A_514 : i32
      "tpu.region"() ({
        %run_scoped3A = tpu.sem_alloc : memref<!tpu.dma_semaphore, #tpu.memory_space<semaphore_mem>>
        %dma_start3A = arith.constant 0 : i32
        %dma_start3A_524 = tpu.memref_slice %arg20[%add3A_515, %dma_start3A] : memref<10000x128xf32, #tpu.memory_space<vmem_shared>> -> memref<8x128xf32, #tpu.memory_space<vmem_shared>>
        %dma_start3A_525 = arith.constant 0 : i32
        %dma_start3A_526 = tpu.memref_slice %arg20[%add3A_515, %dma_start3A_525] : memref<10000x128xf32, #tpu.memory_space<vmem_shared>> -> memref<8x128xf32, #tpu.memory_space<vmem_shared>>
        tpu.enqueue_dma source(%arg19 : memref<8x128xf32, #tpu.memory_space<vmem>>) target(%dma_start3A_526 : memref<8x128xf32, #tpu.memory_space<vmem_shared>>) target_semaphore(%run_scoped3A : memref<!tpu.dma_semaphore, #tpu.memory_space<semaphore_mem>>)
        %dma_wait3A = arith.constant 0 : i32
        %dma_wait3A_527 = tpu.memref_slice %arg20[%add3A_515, %dma_wait3A] : memref<10000x128xf32, #tpu.memory_space<vmem_shared>> -> memref<8x128xf32, #tpu.memory_space<vmem_shared>>
        %dma_wait3A_528 = arith.constant 0 : i32
        %dma_wait3A_529 = tpu.memref_slice %arg20[%add3A_515, %dma_wait3A_528] : memref<10000x128xf32, #tpu.memory_space<vmem_shared>> -> memref<8x128xf32, #tpu.memory_space<vmem_shared>>
        tpu.wait_dma2 semaphore(%run_scoped3A : memref<!tpu.dma_semaphore, #tpu.memory_space<semaphore_mem>>) src(%arg19 : memref<8x128xf32, #tpu.memory_space<vmem>>) dst(%dma_wait3A_529 : memref<8x128xf32, #tpu.memory_space<vmem_shared>>)
        tpu.yield
      }) : () -> ()
      %mul3A_516 = arith.constant 80 : i32
      %mul3A_517 = arith.muli %add3A_483, %mul3A_516 : i32
      %add3A_518 = arith.constant 64 : i32
      %add3A_519 = arith.addi %mul3A_517, %add3A_518 : i32
      "tpu.region"() ({
        %run_scoped3A = tpu.sem_alloc : memref<!tpu.dma_semaphore, #tpu.memory_space<semaphore_mem>>
        %dma_start3A = arith.constant 0 : i32
        %dma_start3A_524 = tpu.memref_slice %arg20[%add3A_519, %dma_start3A] : memref<10000x128xf32, #tpu.memory_space<vmem_shared>> -> memref<8x128xf32, #tpu.memory_space<vmem_shared>>
        %dma_start3A_525 = arith.constant 0 : i32
        %dma_start3A_526 = tpu.memref_slice %arg20[%add3A_519, %dma_start3A_525] : memref<10000x128xf32, #tpu.memory_space<vmem_shared>> -> memref<8x128xf32, #tpu.memory_space<vmem_shared>>
        tpu.enqueue_dma source(%arg19 : memref<8x128xf32, #tpu.memory_space<vmem>>) target(%dma_start3A_526 : memref<8x128xf32, #tpu.memory_space<vmem_shared>>) target_semaphore(%run_scoped3A : memref<!tpu.dma_semaphore, #tpu.memory_space<semaphore_mem>>)
        %dma_wait3A = arith.constant 0 : i32
        %dma_wait3A_527 = tpu.memref_slice %arg20[%add3A_519, %dma_wait3A] : memref<10000x128xf32, #tpu.memory_space<vmem_shared>> -> memref<8x128xf32, #tpu.memory_space<vmem_shared>>
        %dma_wait3A_528 = arith.constant 0 : i32
        %dma_wait3A_529 = tpu.memref_slice %arg20[%add3A_519, %dma_wait3A_528] : memref<10000x128xf32, #tpu.memory_space<vmem_shared>> -> memref<8x128xf32, #tpu.memory_space<vmem_shared>>
        tpu.wait_dma2 semaphore(%run_scoped3A : memref<!tpu.dma_semaphore, #tpu.memory_space<semaphore_mem>>) src(%arg19 : memref<8x128xf32, #tpu.memory_space<vmem>>) dst(%dma_wait3A_529 : memref<8x128xf32, #tpu.memory_space<vmem_shared>>)
        tpu.yield
      }) : () -> ()
      %mul3A_520 = arith.constant 80 : i32
      %mul3A_521 = arith.muli %add3A_483, %mul3A_520 : i32
      %add3A_522 = arith.constant 72 : i32
      %add3A_523 = arith.addi %mul3A_521, %add3A_522 : i32
      "tpu.region"() ({
        %run_scoped3A = tpu.sem_alloc : memref<!tpu.dma_semaphore, #tpu.memory_space<semaphore_mem>>
        %dma_start3A = arith.constant 0 : i32
        %dma_start3A_524 = tpu.memref_slice %arg20[%add3A_523, %dma_start3A] : memref<10000x128xf32, #tpu.memory_space<vmem_shared>> -> memref<8x128xf32, #tpu.memory_space<vmem_shared>>
        %dma_start3A_525 = arith.constant 0 : i32
        %dma_start3A_526 = tpu.memref_slice %arg20[%add3A_523, %dma_start3A_525] : memref<10000x128xf32, #tpu.memory_space<vmem_shared>> -> memref<8x128xf32, #tpu.memory_space<vmem_shared>>
        tpu.enqueue_dma source(%arg19 : memref<8x128xf32, #tpu.memory_space<vmem>>) target(%dma_start3A_526 : memref<8x128xf32, #tpu.memory_space<vmem_shared>>) target_semaphore(%run_scoped3A : memref<!tpu.dma_semaphore, #tpu.memory_space<semaphore_mem>>)
        %dma_wait3A = arith.constant 0 : i32
        %dma_wait3A_527 = tpu.memref_slice %arg20[%add3A_523, %dma_wait3A] : memref<10000x128xf32, #tpu.memory_space<vmem_shared>> -> memref<8x128xf32, #tpu.memory_space<vmem_shared>>
        %dma_wait3A_528 = arith.constant 0 : i32
        %dma_wait3A_529 = tpu.memref_slice %arg20[%add3A_523, %dma_wait3A_528] : memref<10000x128xf32, #tpu.memory_space<vmem_shared>> -> memref<8x128xf32, #tpu.memory_space<vmem_shared>>
        tpu.wait_dma2 semaphore(%run_scoped3A : memref<!tpu.dma_semaphore, #tpu.memory_space<semaphore_mem>>) src(%arg19 : memref<8x128xf32, #tpu.memory_space<vmem>>) dst(%dma_wait3A_529 : memref<8x128xf32, #tpu.memory_space<vmem_shared>>)
        tpu.yield
      }) : () -> ()
    }
    %barrier3A = arith.constant 0 : index
    tpu.barrier barrier_id(%barrier3A)
    %sub3A_416 = arith.constant 2500 : i32
    %sub3A_417 = arith.subi %sub3A_416, %add3A : i32
    %add3A_418 = arith.constant 32 : i32
    %add3A_419 = arith.addi %sub3A_417, %add3A_418 : i32
    %sub3A_420 = arith.constant 1 : i32
    %sub3A_421 = arith.subi %add3A_419, %sub3A_420 : i32
    %jit3A_422 = arith.constant 32 : i32
    %div3A_423 = arith.divsi %sub3A_421, %jit3A_422 : i32
    %sign3A_424 = arith.constant 0 : i32
    %sign3A_425 = arith.cmpi sgt, %sub3A_421, %sign3A_424 : i32
    %sign3A_426 = arith.extui %sign3A_425 : i1 to i32
    %sign3A_427 = arith.constant 0 : i32
    %sign3A_428 = arith.cmpi slt, %sub3A_421, %sign3A_427 : i32
    %sign3A_429 = arith.extui %sign3A_428 : i1 to i32
    %sign3A_430 = arith.subi %sign3A_426, %sign3A_429 : i32
    %sign3A_431 = arith.constant 0 : i32
    %sign3A_432 = arith.cmpi sgt, %jit3A_422, %sign3A_431 : i32
    %sign3A_433 = arith.extui %sign3A_432 : i1 to i32
    %sign3A_434 = arith.constant 0 : i32
    %sign3A_435 = arith.cmpi slt, %jit3A_422, %sign3A_434 : i32
    %sign3A_436 = arith.extui %sign3A_435 : i1 to i32
    %sign3A_437 = arith.subi %sign3A_433, %sign3A_436 : i32
    %ne3A_438 = arith.cmpi ne, %sign3A_430, %sign3A_437 : i32
    %rem3A_439 = arith.remsi %sub3A_421, %jit3A_422 : i32
    %ne3A_440 = arith.constant 0 : i32
    %ne3A_441 = arith.cmpi ne, %rem3A_439, %ne3A_440 : i32
    %and3A_442 = arith.andi %ne3A_438, %ne3A_441 : i1
    %sub3A_443 = arith.constant 1 : i32
    %sub3A_444 = arith.subi %div3A_423, %sub3A_443 : i32
    %select_n3A_445 = arith.select %and3A_442, %sub3A_444, %div3A_423 : i32
    %mul3A_446 = arith.constant 128 : i32
    %mul3A_447 = arith.muli %add3A, %mul3A_446 : i32
    "tpu.region"() ({
      %run_scoped3A = tpu.sem_alloc : memref<!tpu.dma_semaphore, #tpu.memory_space<semaphore_mem>>
      %dma_start3A = tpu.memref_slice %arg6[%mul3A_447] : memref<320000xi32, #tpu.memory_space<hbm>> -> memref<128xi32, #tpu.memory_space<hbm>>
      %dma_start3A_480 = tpu.memref_slice %arg6[%mul3A_447] : memref<320000xi32, #tpu.memory_space<hbm>> -> memref<128xi32, #tpu.memory_space<hbm>>
      tpu.enqueue_dma source(%dma_start3A_480 : memref<128xi32, #tpu.memory_space<hbm>>) target(%arg13 : memref<128xi32, #tpu.memory_space<vmem>>) target_semaphore(%run_scoped3A : memref<!tpu.dma_semaphore, #tpu.memory_space<semaphore_mem>>)
      %dma_wait3A = tpu.memref_slice %arg6[%mul3A_447] : memref<320000xi32, #tpu.memory_space<hbm>> -> memref<128xi32, #tpu.memory_space<hbm>>
      %dma_wait3A_481 = tpu.memref_slice %arg6[%mul3A_447] : memref<320000xi32, #tpu.memory_space<hbm>> -> memref<128xi32, #tpu.memory_space<hbm>>
      tpu.wait_dma2 semaphore(%run_scoped3A : memref<!tpu.dma_semaphore, #tpu.memory_space<semaphore_mem>>) src(%dma_wait3A_481 : memref<128xi32, #tpu.memory_space<hbm>>) dst(%arg13 : memref<128xi32, #tpu.memory_space<vmem>>)
      tpu.yield
    }) : () -> ()
    "tpu.region"() ({
      %run_scoped3A = tpu.sem_alloc : memref<!tpu.dma_semaphore, #tpu.memory_space<semaphore_mem>>
      %dma_start3A = tpu.memref_slice %arg7[%mul3A_447] : memref<320000xi32, #tpu.memory_space<hbm>> -> memref<128xi32, #tpu.memory_space<hbm>>
      %dma_start3A_480 = tpu.memref_slice %arg7[%mul3A_447] : memref<320000xi32, #tpu.memory_space<hbm>> -> memref<128xi32, #tpu.memory_space<hbm>>
      tpu.enqueue_dma source(%dma_start3A_480 : memref<128xi32, #tpu.memory_space<hbm>>) target(%arg15 : memref<128xi32, #tpu.memory_space<vmem>>) target_semaphore(%run_scoped3A : memref<!tpu.dma_semaphore, #tpu.memory_space<semaphore_mem>>)
      %dma_wait3A = tpu.memref_slice %arg7[%mul3A_447] : memref<320000xi32, #tpu.memory_space<hbm>> -> memref<128xi32, #tpu.memory_space<hbm>>
      %dma_wait3A_481 = tpu.memref_slice %arg7[%mul3A_447] : memref<320000xi32, #tpu.memory_space<hbm>> -> memref<128xi32, #tpu.memory_space<hbm>>
      tpu.wait_dma2 semaphore(%run_scoped3A : memref<!tpu.dma_semaphore, #tpu.memory_space<semaphore_mem>>) src(%dma_wait3A_481 : memref<128xi32, #tpu.memory_space<hbm>>) dst(%arg15 : memref<128xi32, #tpu.memory_space<vmem>>)
      tpu.yield
    }) : () -> ()
    %scan3A = arith.constant 0 : i32
    %scan3A_448 = arith.constant 0 : i32
    %scan3A_449 = arith.constant 40 : i32
    %scan3A_450 = arith.addi %scan3A_448, %scan3A_449 : i32
    %scan3A_451 = arith.constant 1 : i32
    scf.for %scan3A_480 = %scan3A_448 to %scan3A_450 step %scan3A_451  : i32 {
      %mul3A_481 = arith.constant 2 : i32
      %mul3A_482 = arith.muli %mul3A_481, %scan3A_480 : i32
      %gt3A = arith.constant 0 : i32
      %gt3A_483 = arith.cmpi sgt, %mul3A_482, %gt3A : i32
      %lt3A = arith.cmpi slt, %mul3A_482, %select_n3A_445 : i32
      %and3A_484 = arith.andi %gt3A_483, %lt3A : i1
      %convert_element_type3A = arith.extui %and3A_484 : i1 to i32
      %cond3A = arith.constant 0 : i32
      %cond3A_485 = arith.cmpi ne, %convert_element_type3A, %cond3A : i32
      scf.if %cond3A_485 {
        %dma_wait3A = arith.constant 0 : i32
        %dma_wait3A_517 = tpu.memref_slice %arg6[%dma_wait3A] : memref<320000xi32, #tpu.memory_space<hbm>> -> memref<128xi32, #tpu.memory_space<hbm>>
        %dma_wait3A_518 = arith.constant 0 : i32
        %dma_wait3A_519 = tpu.memref_slice %arg6[%dma_wait3A_518] : memref<320000xi32, #tpu.memory_space<hbm>> -> memref<128xi32, #tpu.memory_space<hbm>>
        tpu.wait_dma2 semaphore(%arg21 : memref<!tpu.dma_semaphore, #tpu.memory_space<semaphore_mem>>) src(%dma_wait3A_519 : memref<128xi32, #tpu.memory_space<hbm>>) dst(%arg13 : memref<128xi32, #tpu.memory_space<vmem>>)
        %dma_wait3A_520 = arith.constant 0 : i32
        %dma_wait3A_521 = tpu.memref_slice %arg7[%dma_wait3A_520] : memref<320000xi32, #tpu.memory_space<hbm>> -> memref<128xi32, #tpu.memory_space<hbm>>
        %dma_wait3A_522 = arith.constant 0 : i32
        %dma_wait3A_523 = tpu.memref_slice %arg7[%dma_wait3A_522] : memref<320000xi32, #tpu.memory_space<hbm>> -> memref<128xi32, #tpu.memory_space<hbm>>
        tpu.wait_dma2 semaphore(%arg21 : memref<!tpu.dma_semaphore, #tpu.memory_space<semaphore_mem>>) src(%dma_wait3A_523 : memref<128xi32, #tpu.memory_space<hbm>>) dst(%arg15 : memref<128xi32, #tpu.memory_space<vmem>>)
      } else {
      }
      %add3A_486 = arith.constant 1 : i32
      %add3A_487 = arith.addi %mul3A_482, %add3A_486 : i32
      %lt3A_488 = arith.cmpi slt, %add3A_487, %select_n3A_445 : i32
      %convert_element_type3A_489 = arith.extui %lt3A_488 : i1 to i32
      %cond3A_490 = arith.constant 0 : i32
      %cond3A_491 = arith.cmpi ne, %convert_element_type3A_489, %cond3A_490 : i32
      scf.if %cond3A_491 {
        %add3A_517 = arith.constant 1 : i32
        %add3A_518 = arith.addi %mul3A_482, %add3A_517 : i32
        %mul3A_519 = arith.constant 32 : i32
        %mul3A_520 = arith.muli %add3A_518, %mul3A_519 : i32
        %add3A_521 = arith.addi %add3A, %mul3A_520 : i32
        %mul3A_522 = arith.constant 128 : i32
        %mul3A_523 = arith.muli %add3A_521, %mul3A_522 : i32
        %dma_start3A = tpu.memref_slice %arg6[%mul3A_523] : memref<320000xi32, #tpu.memory_space<hbm>> -> memref<128xi32, #tpu.memory_space<hbm>>
        %dma_start3A_524 = tpu.memref_slice %arg6[%mul3A_523] : memref<320000xi32, #tpu.memory_space<hbm>> -> memref<128xi32, #tpu.memory_space<hbm>>
        tpu.enqueue_dma source(%dma_start3A_524 : memref<128xi32, #tpu.memory_space<hbm>>) target(%arg14 : memref<128xi32, #tpu.memory_space<vmem>>) target_semaphore(%arg22 : memref<!tpu.dma_semaphore, #tpu.memory_space<semaphore_mem>>)
        %dma_start3A_525 = tpu.memref_slice %arg7[%mul3A_523] : memref<320000xi32, #tpu.memory_space<hbm>> -> memref<128xi32, #tpu.memory_space<hbm>>
        %dma_start3A_526 = tpu.memref_slice %arg7[%mul3A_523] : memref<320000xi32, #tpu.memory_space<hbm>> -> memref<128xi32, #tpu.memory_space<hbm>>
        tpu.enqueue_dma source(%dma_start3A_526 : memref<128xi32, #tpu.memory_space<hbm>>) target(%arg16 : memref<128xi32, #tpu.memory_space<vmem>>) target_semaphore(%arg22 : memref<!tpu.dma_semaphore, #tpu.memory_space<semaphore_mem>>)
      } else {
      }
      %lt3A_492 = arith.cmpi slt, %mul3A_482, %select_n3A_445 : i32
      %convert_element_type3A_493 = arith.extui %lt3A_492 : i1 to i32
      %cond3A_494 = arith.constant 0 : i32
      %cond3A_495 = arith.cmpi ne, %convert_element_type3A_493, %cond3A_494 : i32
      scf.if %cond3A_495 {
        %mul3A_517 = arith.constant 32 : i32
        %mul3A_518 = arith.muli %mul3A_482, %mul3A_517 : i32
        %add3A_519 = arith.addi %add3A, %mul3A_518 : i32
        %mul3A_520 = arith.constant 128 : i32
        %mul3A_521 = arith.muli %add3A_519, %mul3A_520 : i32
        %dma_start3A = arith.constant 0 : i32
        %dma_start3A_522 = arith.constant 0 : i32
        %dma_start3A_523 = tpu.memref_slice %arg2[%dma_start3A, %dma_start3A_522] : memref<10000x128xf32, #tpu.memory_space<hbm>> -> memref<10000x128xf32, #tpu.memory_space<hbm>>
        tpu.enqueue_indirect_dma source(%dma_start3A_523 : memref<10000x128xf32, #tpu.memory_space<hbm>>) target(%arg17 : memref<128x128xf32, #tpu.memory_space<vmem>>) offsets(%arg13 : memref<128xi32, #tpu.memory_space<vmem>>) semaphore(%arg23 : memref<!tpu.dma_semaphore, #tpu.memory_space<semaphore_mem>>)
        %dma_wait3A = arith.constant 0 : i32
        %dma_wait3A_524 = arith.constant 0 : i32
        %dma_wait3A_525 = tpu.memref_slice %arg2[%dma_wait3A, %dma_wait3A_524] : memref<10000x128xf32, #tpu.memory_space<hbm>> -> memref<10000x128xf32, #tpu.memory_space<hbm>>
        tpu.wait_indirect_dma semaphore(%arg23 : memref<!tpu.dma_semaphore, #tpu.memory_space<semaphore_mem>>) src(%dma_wait3A_525 : memref<10000x128xf32, #tpu.memory_space<hbm>>) dst(%arg17 : memref<128x128xf32, #tpu.memory_space<vmem>>)
        "tpu.region"() ({
          %run_scoped3A = tpu.sem_alloc : memref<!tpu.dma_semaphore, #tpu.memory_space<semaphore_mem>>
          %dma_start3A_526 = arith.constant 0 : i32
          %dma_start3A_527 = arith.constant 0 : i32
          %dma_start3A_528 = tpu.memref_slice %arg20[%dma_start3A_526, %dma_start3A_527] : memref<10000x128xf32, #tpu.memory_space<vmem_shared>> -> memref<10000x128xf32, #tpu.memory_space<vmem_shared>>
          tpu.enqueue_indirect_dma source(%arg17 : memref<128x128xf32, #tpu.memory_space<vmem>>) target(%dma_start3A_528 : memref<10000x128xf32, #tpu.memory_space<vmem_shared>>) offsets(%arg15 : memref<128xi32, #tpu.memory_space<vmem>>) semaphore(%run_scoped3A : memref<!tpu.dma_semaphore, #tpu.memory_space<semaphore_mem>>) {add = true}
          %dma_wait3A_529 = arith.constant 0 : i32
          %dma_wait3A_530 = arith.constant 0 : i32
          %dma_wait3A_531 = tpu.memref_slice %arg20[%dma_wait3A_529, %dma_wait3A_530] : memref<10000x128xf32, #tpu.memory_space<vmem_shared>> -> memref<10000x128xf32, #tpu.memory_space<vmem_shared>>
          tpu.wait_indirect_dma semaphore(%run_scoped3A : memref<!tpu.dma_semaphore, #tpu.memory_space<semaphore_mem>>) src(%arg17 : memref<128x128xf32, #tpu.memory_space<vmem>>) dst(%dma_wait3A_531 : memref<10000x128xf32, #tpu.memory_space<vmem_shared>>)
          tpu.yield
        }) : () -> ()
        "tpu.region"() ({
          %run_scoped3A = tpu.sem_alloc : memref<!tpu.dma_semaphore, #tpu.memory_space<semaphore_mem>>
          %dma_start3A_526 = arith.constant 0 : i32
          %dma_start3A_527 = tpu.memref_slice %arg5[%mul3A_521, %dma_start3A_526] : memref<320000x128xf32, #tpu.memory_space<hbm>> -> memref<128x128xf32, #tpu.memory_space<hbm>>
          %dma_start3A_528 = arith.constant 0 : i32
          %dma_start3A_529 = tpu.memref_slice %arg5[%mul3A_521, %dma_start3A_528] : memref<320000x128xf32, #tpu.memory_space<hbm>> -> memref<128x128xf32, #tpu.memory_space<hbm>>
          tpu.enqueue_dma source(%dma_start3A_529 : memref<128x128xf32, #tpu.memory_space<hbm>>) target(%arg18 : memref<128x128xf32, #tpu.memory_space<vmem>>) target_semaphore(%run_scoped3A : memref<!tpu.dma_semaphore, #tpu.memory_space<semaphore_mem>>)
          %dma_wait3A_530 = arith.constant 0 : i32
          %dma_wait3A_531 = tpu.memref_slice %arg5[%mul3A_521, %dma_wait3A_530] : memref<320000x128xf32, #tpu.memory_space<hbm>> -> memref<128x128xf32, #tpu.memory_space<hbm>>
          %dma_wait3A_532 = arith.constant 0 : i32
          %dma_wait3A_533 = tpu.memref_slice %arg5[%mul3A_521, %dma_wait3A_532] : memref<320000x128xf32, #tpu.memory_space<hbm>> -> memref<128x128xf32, #tpu.memory_space<hbm>>
          tpu.wait_dma2 semaphore(%run_scoped3A : memref<!tpu.dma_semaphore, #tpu.memory_space<semaphore_mem>>) src(%dma_wait3A_533 : memref<128x128xf32, #tpu.memory_space<hbm>>) dst(%arg18 : memref<128x128xf32, #tpu.memory_space<vmem>>)
          tpu.yield
        }) : () -> ()
        "tpu.region"() ({
          %run_scoped3A = tpu.sem_alloc : memref<!tpu.dma_semaphore, #tpu.memory_space<semaphore_mem>>
          %dma_start3A_526 = arith.constant 0 : i32
          %dma_start3A_527 = arith.constant 0 : i32
          %dma_start3A_528 = tpu.memref_slice %arg20[%dma_start3A_526, %dma_start3A_527] : memref<10000x128xf32, #tpu.memory_space<vmem_shared>> -> memref<10000x128xf32, #tpu.memory_space<vmem_shared>>
          tpu.enqueue_indirect_dma source(%arg18 : memref<128x128xf32, #tpu.memory_space<vmem>>) target(%dma_start3A_528 : memref<10000x128xf32, #tpu.memory_space<vmem_shared>>) offsets(%arg15 : memref<128xi32, #tpu.memory_space<vmem>>) semaphore(%run_scoped3A : memref<!tpu.dma_semaphore, #tpu.memory_space<semaphore_mem>>) {add = true}
          %dma_wait3A_529 = arith.constant 0 : i32
          %dma_wait3A_530 = arith.constant 0 : i32
          %dma_wait3A_531 = tpu.memref_slice %arg20[%dma_wait3A_529, %dma_wait3A_530] : memref<10000x128xf32, #tpu.memory_space<vmem_shared>> -> memref<10000x128xf32, #tpu.memory_space<vmem_shared>>
          tpu.wait_indirect_dma semaphore(%run_scoped3A : memref<!tpu.dma_semaphore, #tpu.memory_space<semaphore_mem>>) src(%arg18 : memref<128x128xf32, #tpu.memory_space<vmem>>) dst(%dma_wait3A_531 : memref<10000x128xf32, #tpu.memory_space<vmem_shared>>)
          tpu.yield
        }) : () -> ()
      } else {
      }
      %mul3A_496 = arith.constant 2 : i32
      %mul3A_497 = arith.muli %mul3A_496, %scan3A_480 : i32
      %add3A_498 = arith.constant 1 : i32
      %add3A_499 = arith.addi %mul3A_497, %add3A_498 : i32
      %gt3A_500 = arith.constant 0 : i32
      %gt3A_501 = arith.cmpi sgt, %add3A_499, %gt3A_500 : i32
      %lt3A_502 = arith.cmpi slt, %add3A_499, %select_n3A_445 : i32
      %and3A_503 = arith.andi %gt3A_501, %lt3A_502 : i1
      %convert_element_type3A_504 = arith.extui %and3A_503 : i1 to i32
      %cond3A_505 = arith.constant 0 : i32
      %cond3A_506 = arith.cmpi ne, %convert_element_type3A_504, %cond3A_505 : i32
      scf.if %cond3A_506 {
        %dma_wait3A = arith.constant 0 : i32
        %dma_wait3A_517 = tpu.memref_slice %arg6[%dma_wait3A] : memref<320000xi32, #tpu.memory_space<hbm>> -> memref<128xi32, #tpu.memory_space<hbm>>
        %dma_wait3A_518 = arith.constant 0 : i32
        %dma_wait3A_519 = tpu.memref_slice %arg6[%dma_wait3A_518] : memref<320000xi32, #tpu.memory_space<hbm>> -> memref<128xi32, #tpu.memory_space<hbm>>
        tpu.wait_dma2 semaphore(%arg22 : memref<!tpu.dma_semaphore, #tpu.memory_space<semaphore_mem>>) src(%dma_wait3A_519 : memref<128xi32, #tpu.memory_space<hbm>>) dst(%arg14 : memref<128xi32, #tpu.memory_space<vmem>>)
        %dma_wait3A_520 = arith.constant 0 : i32
        %dma_wait3A_521 = tpu.memref_slice %arg7[%dma_wait3A_520] : memref<320000xi32, #tpu.memory_space<hbm>> -> memref<128xi32, #tpu.memory_space<hbm>>
        %dma_wait3A_522 = arith.constant 0 : i32
        %dma_wait3A_523 = tpu.memref_slice %arg7[%dma_wait3A_522] : memref<320000xi32, #tpu.memory_space<hbm>> -> memref<128xi32, #tpu.memory_space<hbm>>
        tpu.wait_dma2 semaphore(%arg22 : memref<!tpu.dma_semaphore, #tpu.memory_space<semaphore_mem>>) src(%dma_wait3A_523 : memref<128xi32, #tpu.memory_space<hbm>>) dst(%arg16 : memref<128xi32, #tpu.memory_space<vmem>>)
      } else {
      }
      %add3A_507 = arith.constant 1 : i32
      %add3A_508 = arith.addi %add3A_499, %add3A_507 : i32
      %lt3A_509 = arith.cmpi slt, %add3A_508, %select_n3A_445 : i32
      %convert_element_type3A_510 = arith.extui %lt3A_509 : i1 to i32
      %cond3A_511 = arith.constant 0 : i32
      %cond3A_512 = arith.cmpi ne, %convert_element_type3A_510, %cond3A_511 : i32
      scf.if %cond3A_512 {
        %add3A_517 = arith.constant 1 : i32
        %add3A_518 = arith.addi %add3A_499, %add3A_517 : i32
        %mul3A_519 = arith.constant 32 : i32
        %mul3A_520 = arith.muli %add3A_518, %mul3A_519 : i32
        %add3A_521 = arith.addi %add3A, %mul3A_520 : i32
        %mul3A_522 = arith.constant 128 : i32
        %mul3A_523 = arith.muli %add3A_521, %mul3A_522 : i32
        %dma_start3A = tpu.memref_slice %arg6[%mul3A_523] : memref<320000xi32, #tpu.memory_space<hbm>> -> memref<128xi32, #tpu.memory_space<hbm>>
        %dma_start3A_524 = tpu.memref_slice %arg6[%mul3A_523] : memref<320000xi32, #tpu.memory_space<hbm>> -> memref<128xi32, #tpu.memory_space<hbm>>
        tpu.enqueue_dma source(%dma_start3A_524 : memref<128xi32, #tpu.memory_space<hbm>>) target(%arg13 : memref<128xi32, #tpu.memory_space<vmem>>) target_semaphore(%arg21 : memref<!tpu.dma_semaphore, #tpu.memory_space<semaphore_mem>>)
        %dma_start3A_525 = tpu.memref_slice %arg7[%mul3A_523] : memref<320000xi32, #tpu.memory_space<hbm>> -> memref<128xi32, #tpu.memory_space<hbm>>
        %dma_start3A_526 = tpu.memref_slice %arg7[%mul3A_523] : memref<320000xi32, #tpu.memory_space<hbm>> -> memref<128xi32, #tpu.memory_space<hbm>>
        tpu.enqueue_dma source(%dma_start3A_526 : memref<128xi32, #tpu.memory_space<hbm>>) target(%arg15 : memref<128xi32, #tpu.memory_space<vmem>>) target_semaphore(%arg21 : memref<!tpu.dma_semaphore, #tpu.memory_space<semaphore_mem>>)
      } else {
      }
      %lt3A_513 = arith.cmpi slt, %add3A_499, %select_n3A_445 : i32
      %convert_element_type3A_514 = arith.extui %lt3A_513 : i1 to i32
      %cond3A_515 = arith.constant 0 : i32
      %cond3A_516 = arith.cmpi ne, %convert_element_type3A_514, %cond3A_515 : i32
      scf.if %cond3A_516 {
        %mul3A_517 = arith.constant 32 : i32
        %mul3A_518 = arith.muli %add3A_499, %mul3A_517 : i32
        %add3A_519 = arith.addi %add3A, %mul3A_518 : i32
        %mul3A_520 = arith.constant 128 : i32
        %mul3A_521 = arith.muli %add3A_519, %mul3A_520 : i32
        %dma_start3A = arith.constant 0 : i32
        %dma_start3A_522 = arith.constant 0 : i32
        %dma_start3A_523 = tpu.memref_slice %arg2[%dma_start3A, %dma_start3A_522] : memref<10000x128xf32, #tpu.memory_space<hbm>> -> memref<10000x128xf32, #tpu.memory_space<hbm>>
        tpu.enqueue_indirect_dma source(%dma_start3A_523 : memref<10000x128xf32, #tpu.memory_space<hbm>>) target(%arg17 : memref<128x128xf32, #tpu.memory_space<vmem>>) offsets(%arg14 : memref<128xi32, #tpu.memory_space<vmem>>) semaphore(%arg23 : memref<!tpu.dma_semaphore, #tpu.memory_space<semaphore_mem>>)
        %dma_wait3A = arith.constant 0 : i32
        %dma_wait3A_524 = arith.constant 0 : i32
        %dma_wait3A_525 = tpu.memref_slice %arg2[%dma_wait3A, %dma_wait3A_524] : memref<10000x128xf32, #tpu.memory_space<hbm>> -> memref<10000x128xf32, #tpu.memory_space<hbm>>
        tpu.wait_indirect_dma semaphore(%arg23 : memref<!tpu.dma_semaphore, #tpu.memory_space<semaphore_mem>>) src(%dma_wait3A_525 : memref<10000x128xf32, #tpu.memory_space<hbm>>) dst(%arg17 : memref<128x128xf32, #tpu.memory_space<vmem>>)
        "tpu.region"() ({
          %run_scoped3A = tpu.sem_alloc : memref<!tpu.dma_semaphore, #tpu.memory_space<semaphore_mem>>
          %dma_start3A_526 = arith.constant 0 : i32
          %dma_start3A_527 = arith.constant 0 : i32
          %dma_start3A_528 = tpu.memref_slice %arg20[%dma_start3A_526, %dma_start3A_527] : memref<10000x128xf32, #tpu.memory_space<vmem_shared>> -> memref<10000x128xf32, #tpu.memory_space<vmem_shared>>
          tpu.enqueue_indirect_dma source(%arg17 : memref<128x128xf32, #tpu.memory_space<vmem>>) target(%dma_start3A_528 : memref<10000x128xf32, #tpu.memory_space<vmem_shared>>) offsets(%arg16 : memref<128xi32, #tpu.memory_space<vmem>>) semaphore(%run_scoped3A : memref<!tpu.dma_semaphore, #tpu.memory_space<semaphore_mem>>) {add = true}
          %dma_wait3A_529 = arith.constant 0 : i32
          %dma_wait3A_530 = arith.constant 0 : i32
          %dma_wait3A_531 = tpu.memref_slice %arg20[%dma_wait3A_529, %dma_wait3A_530] : memref<10000x128xf32, #tpu.memory_space<vmem_shared>> -> memref<10000x128xf32, #tpu.memory_space<vmem_shared>>
          tpu.wait_indirect_dma semaphore(%run_scoped3A : memref<!tpu.dma_semaphore, #tpu.memory_space<semaphore_mem>>) src(%arg17 : memref<128x128xf32, #tpu.memory_space<vmem>>) dst(%dma_wait3A_531 : memref<10000x128xf32, #tpu.memory_space<vmem_shared>>)
          tpu.yield
        }) : () -> ()
        "tpu.region"() ({
          %run_scoped3A = tpu.sem_alloc : memref<!tpu.dma_semaphore, #tpu.memory_space<semaphore_mem>>
          %dma_start3A_526 = arith.constant 0 : i32
          %dma_start3A_527 = tpu.memref_slice %arg5[%mul3A_521, %dma_start3A_526] : memref<320000x128xf32, #tpu.memory_space<hbm>> -> memref<128x128xf32, #tpu.memory_space<hbm>>
          %dma_start3A_528 = arith.constant 0 : i32
          %dma_start3A_529 = tpu.memref_slice %arg5[%mul3A_521, %dma_start3A_528] : memref<320000x128xf32, #tpu.memory_space<hbm>> -> memref<128x128xf32, #tpu.memory_space<hbm>>
          tpu.enqueue_dma source(%dma_start3A_529 : memref<128x128xf32, #tpu.memory_space<hbm>>) target(%arg18 : memref<128x128xf32, #tpu.memory_space<vmem>>) target_semaphore(%run_scoped3A : memref<!tpu.dma_semaphore, #tpu.memory_space<semaphore_mem>>)
          %dma_wait3A_530 = arith.constant 0 : i32
          %dma_wait3A_531 = tpu.memref_slice %arg5[%mul3A_521, %dma_wait3A_530] : memref<320000x128xf32, #tpu.memory_space<hbm>> -> memref<128x128xf32, #tpu.memory_space<hbm>>
          %dma_wait3A_532 = arith.constant 0 : i32
          %dma_wait3A_533 = tpu.memref_slice %arg5[%mul3A_521, %dma_wait3A_532] : memref<320000x128xf32, #tpu.memory_space<hbm>> -> memref<128x128xf32, #tpu.memory_space<hbm>>
          tpu.wait_dma2 semaphore(%run_scoped3A : memref<!tpu.dma_semaphore, #tpu.memory_space<semaphore_mem>>) src(%dma_wait3A_533 : memref<128x128xf32, #tpu.memory_space<hbm>>) dst(%arg18 : memref<128x128xf32, #tpu.memory_space<vmem>>)
          tpu.yield
        }) : () -> ()
        "tpu.region"() ({
          %run_scoped3A = tpu.sem_alloc : memref<!tpu.dma_semaphore, #tpu.memory_space<semaphore_mem>>
          %dma_start3A_526 = arith.constant 0 : i32
          %dma_start3A_527 = arith.constant 0 : i32
          %dma_start3A_528 = tpu.memref_slice %arg20[%dma_start3A_526, %dma_start3A_527] : memref<10000x128xf32, #tpu.memory_space<vmem_shared>> -> memref<10000x128xf32, #tpu.memory_space<vmem_shared>>
          tpu.enqueue_indirect_dma source(%arg18 : memref<128x128xf32, #tpu.memory_space<vmem>>) target(%dma_start3A_528 : memref<10000x128xf32, #tpu.memory_space<vmem_shared>>) offsets(%arg16 : memref<128xi32, #tpu.memory_space<vmem>>) semaphore(%run_scoped3A : memref<!tpu.dma_semaphore, #tpu.memory_space<semaphore_mem>>) {add = true}
          %dma_wait3A_529 = arith.constant 0 : i32
          %dma_wait3A_530 = arith.constant 0 : i32
          %dma_wait3A_531 = tpu.memref_slice %arg20[%dma_wait3A_529, %dma_wait3A_530] : memref<10000x128xf32, #tpu.memory_space<vmem_shared>> -> memref<10000x128xf32, #tpu.memory_space<vmem_shared>>
          tpu.wait_indirect_dma semaphore(%run_scoped3A : memref<!tpu.dma_semaphore, #tpu.memory_space<semaphore_mem>>) src(%arg18 : memref<128x128xf32, #tpu.memory_space<vmem>>) dst(%dma_wait3A_531 : memref<10000x128xf32, #tpu.memory_space<vmem_shared>>)
          tpu.yield
        }) : () -> ()
      } else {
      }
    }
    %scan3A_452 = arith.constant 40 : i32
    %mul3A_453 = arith.constant 128 : i32
    %mul3A_454 = arith.muli %add3A, %mul3A_453 : i32
    "tpu.region"() ({
      %run_scoped3A = tpu.sem_alloc : memref<!tpu.dma_semaphore, #tpu.memory_space<semaphore_mem>>
      %dma_start3A = tpu.memref_slice %arg8[%mul3A_454] : memref<320000xi32, #tpu.memory_space<hbm>> -> memref<128xi32, #tpu.memory_space<hbm>>
      %dma_start3A_480 = tpu.memref_slice %arg8[%mul3A_454] : memref<320000xi32, #tpu.memory_space<hbm>> -> memref<128xi32, #tpu.memory_space<hbm>>
      tpu.enqueue_dma source(%dma_start3A_480 : memref<128xi32, #tpu.memory_space<hbm>>) target(%arg13 : memref<128xi32, #tpu.memory_space<vmem>>) target_semaphore(%run_scoped3A : memref<!tpu.dma_semaphore, #tpu.memory_space<semaphore_mem>>)
      %dma_wait3A = tpu.memref_slice %arg8[%mul3A_454] : memref<320000xi32, #tpu.memory_space<hbm>> -> memref<128xi32, #tpu.memory_space<hbm>>
      %dma_wait3A_481 = tpu.memref_slice %arg8[%mul3A_454] : memref<320000xi32, #tpu.memory_space<hbm>> -> memref<128xi32, #tpu.memory_space<hbm>>
      tpu.wait_dma2 semaphore(%run_scoped3A : memref<!tpu.dma_semaphore, #tpu.memory_space<semaphore_mem>>) src(%dma_wait3A_481 : memref<128xi32, #tpu.memory_space<hbm>>) dst(%arg13 : memref<128xi32, #tpu.memory_space<vmem>>)
      tpu.yield
    }) : () -> ()
    "tpu.region"() ({
      %run_scoped3A = tpu.sem_alloc : memref<!tpu.dma_semaphore, #tpu.memory_space<semaphore_mem>>
      %dma_start3A = tpu.memref_slice %arg9[%mul3A_454] : memref<320000xi32, #tpu.memory_space<hbm>> -> memref<128xi32, #tpu.memory_space<hbm>>
      %dma_start3A_480 = tpu.memref_slice %arg9[%mul3A_454] : memref<320000xi32, #tpu.memory_space<hbm>> -> memref<128xi32, #tpu.memory_space<hbm>>
      tpu.enqueue_dma source(%dma_start3A_480 : memref<128xi32, #tpu.memory_space<hbm>>) target(%arg15 : memref<128xi32, #tpu.memory_space<vmem>>) target_semaphore(%run_scoped3A : memref<!tpu.dma_semaphore, #tpu.memory_space<semaphore_mem>>)
      %dma_wait3A = tpu.memref_slice %arg9[%mul3A_454] : memref<320000xi32, #tpu.memory_space<hbm>> -> memref<128xi32, #tpu.memory_space<hbm>>
      %dma_wait3A_481 = tpu.memref_slice %arg9[%mul3A_454] : memref<320000xi32, #tpu.memory_space<hbm>> -> memref<128xi32, #tpu.memory_space<hbm>>
      tpu.wait_dma2 semaphore(%run_scoped3A : memref<!tpu.dma_semaphore, #tpu.memory_space<semaphore_mem>>) src(%dma_wait3A_481 : memref<128xi32, #tpu.memory_space<hbm>>) dst(%arg15 : memref<128xi32, #tpu.memory_space<vmem>>)
      tpu.yield
    }) : () -> ()
    %scan3A_455 = arith.constant 0 : i32
    %scan3A_456 = arith.constant 0 : i32
    %scan3A_457 = arith.constant 40 : i32
    %scan3A_458 = arith.addi %scan3A_456, %scan3A_457 : i32
    %scan3A_459 = arith.constant 1 : i32
    scf.for %scan3A_480 = %scan3A_456 to %scan3A_458 step %scan3A_459  : i32 {
      %mul3A_481 = arith.constant 2 : i32
      %mul3A_482 = arith.muli %mul3A_481, %scan3A_480 : i32
      %gt3A = arith.constant 0 : i32
      %gt3A_483 = arith.cmpi sgt, %mul3A_482, %gt3A : i32
      %lt3A = arith.cmpi slt, %mul3A_482, %select_n3A_445 : i32
      %and3A_484 = arith.andi %gt3A_483, %lt3A : i1
      %convert_element_type3A = arith.extui %and3A_484 : i1 to i32
      %cond3A = arith.constant 0 : i32
      %cond3A_485 = arith.cmpi ne, %convert_element_type3A, %cond3A : i32
      scf.if %cond3A_485 {
        %dma_wait3A = arith.constant 0 : i32
        %dma_wait3A_517 = tpu.memref_slice %arg8[%dma_wait3A] : memref<320000xi32, #tpu.memory_space<hbm>> -> memref<128xi32, #tpu.memory_space<hbm>>
        %dma_wait3A_518 = arith.constant 0 : i32
        %dma_wait3A_519 = tpu.memref_slice %arg8[%dma_wait3A_518] : memref<320000xi32, #tpu.memory_space<hbm>> -> memref<128xi32, #tpu.memory_space<hbm>>
        tpu.wait_dma2 semaphore(%arg21 : memref<!tpu.dma_semaphore, #tpu.memory_space<semaphore_mem>>) src(%dma_wait3A_519 : memref<128xi32, #tpu.memory_space<hbm>>) dst(%arg13 : memref<128xi32, #tpu.memory_space<vmem>>)
        %dma_wait3A_520 = arith.constant 0 : i32
        %dma_wait3A_521 = tpu.memref_slice %arg9[%dma_wait3A_520] : memref<320000xi32, #tpu.memory_space<hbm>> -> memref<128xi32, #tpu.memory_space<hbm>>
        %dma_wait3A_522 = arith.constant 0 : i32
        %dma_wait3A_523 = tpu.memref_slice %arg9[%dma_wait3A_522] : memref<320000xi32, #tpu.memory_space<hbm>> -> memref<128xi32, #tpu.memory_space<hbm>>
        tpu.wait_dma2 semaphore(%arg21 : memref<!tpu.dma_semaphore, #tpu.memory_space<semaphore_mem>>) src(%dma_wait3A_523 : memref<128xi32, #tpu.memory_space<hbm>>) dst(%arg15 : memref<128xi32, #tpu.memory_space<vmem>>)
      } else {
      }
      %add3A_486 = arith.constant 1 : i32
      %add3A_487 = arith.addi %mul3A_482, %add3A_486 : i32
      %lt3A_488 = arith.cmpi slt, %add3A_487, %select_n3A_445 : i32
      %convert_element_type3A_489 = arith.extui %lt3A_488 : i1 to i32
      %cond3A_490 = arith.constant 0 : i32
      %cond3A_491 = arith.cmpi ne, %convert_element_type3A_489, %cond3A_490 : i32
      scf.if %cond3A_491 {
        %add3A_517 = arith.constant 1 : i32
        %add3A_518 = arith.addi %mul3A_482, %add3A_517 : i32
        %mul3A_519 = arith.constant 32 : i32
        %mul3A_520 = arith.muli %add3A_518, %mul3A_519 : i32
        %add3A_521 = arith.addi %add3A, %mul3A_520 : i32
        %mul3A_522 = arith.constant 128 : i32
        %mul3A_523 = arith.muli %add3A_521, %mul3A_522 : i32
        %dma_start3A = tpu.memref_slice %arg8[%mul3A_523] : memref<320000xi32, #tpu.memory_space<hbm>> -> memref<128xi32, #tpu.memory_space<hbm>>
        %dma_start3A_524 = tpu.memref_slice %arg8[%mul3A_523] : memref<320000xi32, #tpu.memory_space<hbm>> -> memref<128xi32, #tpu.memory_space<hbm>>
        tpu.enqueue_dma source(%dma_start3A_524 : memref<128xi32, #tpu.memory_space<hbm>>) target(%arg14 : memref<128xi32, #tpu.memory_space<vmem>>) target_semaphore(%arg22 : memref<!tpu.dma_semaphore, #tpu.memory_space<semaphore_mem>>)
        %dma_start3A_525 = tpu.memref_slice %arg9[%mul3A_523] : memref<320000xi32, #tpu.memory_space<hbm>> -> memref<128xi32, #tpu.memory_space<hbm>>
        %dma_start3A_526 = tpu.memref_slice %arg9[%mul3A_523] : memref<320000xi32, #tpu.memory_space<hbm>> -> memref<128xi32, #tpu.memory_space<hbm>>
        tpu.enqueue_dma source(%dma_start3A_526 : memref<128xi32, #tpu.memory_space<hbm>>) target(%arg16 : memref<128xi32, #tpu.memory_space<vmem>>) target_semaphore(%arg22 : memref<!tpu.dma_semaphore, #tpu.memory_space<semaphore_mem>>)
      } else {
      }
      %lt3A_492 = arith.cmpi slt, %mul3A_482, %select_n3A_445 : i32
      %convert_element_type3A_493 = arith.extui %lt3A_492 : i1 to i32
      %cond3A_494 = arith.constant 0 : i32
      %cond3A_495 = arith.cmpi ne, %convert_element_type3A_493, %cond3A_494 : i32
      scf.if %cond3A_495 {
        %mul3A_517 = arith.constant 32 : i32
        %mul3A_518 = arith.muli %mul3A_482, %mul3A_517 : i32
        %add3A_519 = arith.addi %add3A, %mul3A_518 : i32
        %mul3A_520 = arith.constant 128 : i32
        %mul3A_521 = arith.muli %add3A_519, %mul3A_520 : i32
        %dma_start3A = arith.constant 0 : i32
        %dma_start3A_522 = arith.constant 0 : i32
        %dma_start3A_523 = tpu.memref_slice %arg3[%dma_start3A, %dma_start3A_522] : memref<10000x128xf32, #tpu.memory_space<hbm>> -> memref<10000x128xf32, #tpu.memory_space<hbm>>
        tpu.enqueue_indirect_dma source(%dma_start3A_523 : memref<10000x128xf32, #tpu.memory_space<hbm>>) target(%arg17 : memref<128x128xf32, #tpu.memory_space<vmem>>) offsets(%arg13 : memref<128xi32, #tpu.memory_space<vmem>>) semaphore(%arg23 : memref<!tpu.dma_semaphore, #tpu.memory_space<semaphore_mem>>)
        %dma_wait3A = arith.constant 0 : i32
        %dma_wait3A_524 = arith.constant 0 : i32
        %dma_wait3A_525 = tpu.memref_slice %arg3[%dma_wait3A, %dma_wait3A_524] : memref<10000x128xf32, #tpu.memory_space<hbm>> -> memref<10000x128xf32, #tpu.memory_space<hbm>>
        tpu.wait_indirect_dma semaphore(%arg23 : memref<!tpu.dma_semaphore, #tpu.memory_space<semaphore_mem>>) src(%dma_wait3A_525 : memref<10000x128xf32, #tpu.memory_space<hbm>>) dst(%arg17 : memref<128x128xf32, #tpu.memory_space<vmem>>)
        "tpu.region"() ({
          %run_scoped3A = tpu.sem_alloc : memref<!tpu.dma_semaphore, #tpu.memory_space<semaphore_mem>>
          %dma_start3A_526 = arith.constant 0 : i32
          %dma_start3A_527 = arith.constant 0 : i32
          %dma_start3A_528 = tpu.memref_slice %arg20[%dma_start3A_526, %dma_start3A_527] : memref<10000x128xf32, #tpu.memory_space<vmem_shared>> -> memref<10000x128xf32, #tpu.memory_space<vmem_shared>>
          tpu.enqueue_indirect_dma source(%arg17 : memref<128x128xf32, #tpu.memory_space<vmem>>) target(%dma_start3A_528 : memref<10000x128xf32, #tpu.memory_space<vmem_shared>>) offsets(%arg15 : memref<128xi32, #tpu.memory_space<vmem>>) semaphore(%run_scoped3A : memref<!tpu.dma_semaphore, #tpu.memory_space<semaphore_mem>>) {add = true}
          %dma_wait3A_529 = arith.constant 0 : i32
          %dma_wait3A_530 = arith.constant 0 : i32
          %dma_wait3A_531 = tpu.memref_slice %arg20[%dma_wait3A_529, %dma_wait3A_530] : memref<10000x128xf32, #tpu.memory_space<vmem_shared>> -> memref<10000x128xf32, #tpu.memory_space<vmem_shared>>
          tpu.wait_indirect_dma semaphore(%run_scoped3A : memref<!tpu.dma_semaphore, #tpu.memory_space<semaphore_mem>>) src(%arg17 : memref<128x128xf32, #tpu.memory_space<vmem>>) dst(%dma_wait3A_531 : memref<10000x128xf32, #tpu.memory_space<vmem_shared>>)
          tpu.yield
        }) : () -> ()
      } else {
      }
      %mul3A_496 = arith.constant 2 : i32
      %mul3A_497 = arith.muli %mul3A_496, %scan3A_480 : i32
      %add3A_498 = arith.constant 1 : i32
      %add3A_499 = arith.addi %mul3A_497, %add3A_498 : i32
      %gt3A_500 = arith.constant 0 : i32
      %gt3A_501 = arith.cmpi sgt, %add3A_499, %gt3A_500 : i32
      %lt3A_502 = arith.cmpi slt, %add3A_499, %select_n3A_445 : i32
      %and3A_503 = arith.andi %gt3A_501, %lt3A_502 : i1
      %convert_element_type3A_504 = arith.extui %and3A_503 : i1 to i32
      %cond3A_505 = arith.constant 0 : i32
      %cond3A_506 = arith.cmpi ne, %convert_element_type3A_504, %cond3A_505 : i32
      scf.if %cond3A_506 {
        %dma_wait3A = arith.constant 0 : i32
        %dma_wait3A_517 = tpu.memref_slice %arg8[%dma_wait3A] : memref<320000xi32, #tpu.memory_space<hbm>> -> memref<128xi32, #tpu.memory_space<hbm>>
        %dma_wait3A_518 = arith.constant 0 : i32
        %dma_wait3A_519 = tpu.memref_slice %arg8[%dma_wait3A_518] : memref<320000xi32, #tpu.memory_space<hbm>> -> memref<128xi32, #tpu.memory_space<hbm>>
        tpu.wait_dma2 semaphore(%arg22 : memref<!tpu.dma_semaphore, #tpu.memory_space<semaphore_mem>>) src(%dma_wait3A_519 : memref<128xi32, #tpu.memory_space<hbm>>) dst(%arg14 : memref<128xi32, #tpu.memory_space<vmem>>)
        %dma_wait3A_520 = arith.constant 0 : i32
        %dma_wait3A_521 = tpu.memref_slice %arg9[%dma_wait3A_520] : memref<320000xi32, #tpu.memory_space<hbm>> -> memref<128xi32, #tpu.memory_space<hbm>>
        %dma_wait3A_522 = arith.constant 0 : i32
        %dma_wait3A_523 = tpu.memref_slice %arg9[%dma_wait3A_522] : memref<320000xi32, #tpu.memory_space<hbm>> -> memref<128xi32, #tpu.memory_space<hbm>>
        tpu.wait_dma2 semaphore(%arg22 : memref<!tpu.dma_semaphore, #tpu.memory_space<semaphore_mem>>) src(%dma_wait3A_523 : memref<128xi32, #tpu.memory_space<hbm>>) dst(%arg16 : memref<128xi32, #tpu.memory_space<vmem>>)
      } else {
      }
      %add3A_507 = arith.constant 1 : i32
      %add3A_508 = arith.addi %add3A_499, %add3A_507 : i32
      %lt3A_509 = arith.cmpi slt, %add3A_508, %select_n3A_445 : i32
      %convert_element_type3A_510 = arith.extui %lt3A_509 : i1 to i32
      %cond3A_511 = arith.constant 0 : i32
      %cond3A_512 = arith.cmpi ne, %convert_element_type3A_510, %cond3A_511 : i32
      scf.if %cond3A_512 {
        %add3A_517 = arith.constant 1 : i32
        %add3A_518 = arith.addi %add3A_499, %add3A_517 : i32
        %mul3A_519 = arith.constant 32 : i32
        %mul3A_520 = arith.muli %add3A_518, %mul3A_519 : i32
        %add3A_521 = arith.addi %add3A, %mul3A_520 : i32
        %mul3A_522 = arith.constant 128 : i32
        %mul3A_523 = arith.muli %add3A_521, %mul3A_522 : i32
        %dma_start3A = tpu.memref_slice %arg8[%mul3A_523] : memref<320000xi32, #tpu.memory_space<hbm>> -> memref<128xi32, #tpu.memory_space<hbm>>
        %dma_start3A_524 = tpu.memref_slice %arg8[%mul3A_523] : memref<320000xi32, #tpu.memory_space<hbm>> -> memref<128xi32, #tpu.memory_space<hbm>>
        tpu.enqueue_dma source(%dma_start3A_524 : memref<128xi32, #tpu.memory_space<hbm>>) target(%arg13 : memref<128xi32, #tpu.memory_space<vmem>>) target_semaphore(%arg21 : memref<!tpu.dma_semaphore, #tpu.memory_space<semaphore_mem>>)
        %dma_start3A_525 = tpu.memref_slice %arg9[%mul3A_523] : memref<320000xi32, #tpu.memory_space<hbm>> -> memref<128xi32, #tpu.memory_space<hbm>>
        %dma_start3A_526 = tpu.memref_slice %arg9[%mul3A_523] : memref<320000xi32, #tpu.memory_space<hbm>> -> memref<128xi32, #tpu.memory_space<hbm>>
        tpu.enqueue_dma source(%dma_start3A_526 : memref<128xi32, #tpu.memory_space<hbm>>) target(%arg15 : memref<128xi32, #tpu.memory_space<vmem>>) target_semaphore(%arg21 : memref<!tpu.dma_semaphore, #tpu.memory_space<semaphore_mem>>)
      } else {
      }
      %lt3A_513 = arith.cmpi slt, %add3A_499, %select_n3A_445 : i32
      %convert_element_type3A_514 = arith.extui %lt3A_513 : i1 to i32
      %cond3A_515 = arith.constant 0 : i32
      %cond3A_516 = arith.cmpi ne, %convert_element_type3A_514, %cond3A_515 : i32
      scf.if %cond3A_516 {
        %mul3A_517 = arith.constant 32 : i32
        %mul3A_518 = arith.muli %add3A_499, %mul3A_517 : i32
        %add3A_519 = arith.addi %add3A, %mul3A_518 : i32
        %mul3A_520 = arith.constant 128 : i32
        %mul3A_521 = arith.muli %add3A_519, %mul3A_520 : i32
        %dma_start3A = arith.constant 0 : i32
        %dma_start3A_522 = arith.constant 0 : i32
        %dma_start3A_523 = tpu.memref_slice %arg3[%dma_start3A, %dma_start3A_522] : memref<10000x128xf32, #tpu.memory_space<hbm>> -> memref<10000x128xf32, #tpu.memory_space<hbm>>
        tpu.enqueue_indirect_dma source(%dma_start3A_523 : memref<10000x128xf32, #tpu.memory_space<hbm>>) target(%arg17 : memref<128x128xf32, #tpu.memory_space<vmem>>) offsets(%arg14 : memref<128xi32, #tpu.memory_space<vmem>>) semaphore(%arg23 : memref<!tpu.dma_semaphore, #tpu.memory_space<semaphore_mem>>)
        %dma_wait3A = arith.constant 0 : i32
        %dma_wait3A_524 = arith.constant 0 : i32
        %dma_wait3A_525 = tpu.memref_slice %arg3[%dma_wait3A, %dma_wait3A_524] : memref<10000x128xf32, #tpu.memory_space<hbm>> -> memref<10000x128xf32, #tpu.memory_space<hbm>>
        tpu.wait_indirect_dma semaphore(%arg23 : memref<!tpu.dma_semaphore, #tpu.memory_space<semaphore_mem>>) src(%dma_wait3A_525 : memref<10000x128xf32, #tpu.memory_space<hbm>>) dst(%arg17 : memref<128x128xf32, #tpu.memory_space<vmem>>)
        "tpu.region"() ({
          %run_scoped3A = tpu.sem_alloc : memref<!tpu.dma_semaphore, #tpu.memory_space<semaphore_mem>>
          %dma_start3A_526 = arith.constant 0 : i32
          %dma_start3A_527 = arith.constant 0 : i32
          %dma_start3A_528 = tpu.memref_slice %arg20[%dma_start3A_526, %dma_start3A_527] : memref<10000x128xf32, #tpu.memory_space<vmem_shared>> -> memref<10000x128xf32, #tpu.memory_space<vmem_shared>>
          tpu.enqueue_indirect_dma source(%arg17 : memref<128x128xf32, #tpu.memory_space<vmem>>) target(%dma_start3A_528 : memref<10000x128xf32, #tpu.memory_space<vmem_shared>>) offsets(%arg16 : memref<128xi32, #tpu.memory_space<vmem>>) semaphore(%run_scoped3A : memref<!tpu.dma_semaphore, #tpu.memory_space<semaphore_mem>>) {add = true}
          %dma_wait3A_529 = arith.constant 0 : i32
          %dma_wait3A_530 = arith.constant 0 : i32
          %dma_wait3A_531 = tpu.memref_slice %arg20[%dma_wait3A_529, %dma_wait3A_530] : memref<10000x128xf32, #tpu.memory_space<vmem_shared>> -> memref<10000x128xf32, #tpu.memory_space<vmem_shared>>
          tpu.wait_indirect_dma semaphore(%run_scoped3A : memref<!tpu.dma_semaphore, #tpu.memory_space<semaphore_mem>>) src(%arg17 : memref<128x128xf32, #tpu.memory_space<vmem>>) dst(%dma_wait3A_531 : memref<10000x128xf32, #tpu.memory_space<vmem_shared>>)
          tpu.yield
        }) : () -> ()
      } else {
      }
    }
    %scan3A_460 = arith.constant 40 : i32
    %mul3A_461 = arith.constant 128 : i32
    %mul3A_462 = arith.muli %add3A, %mul3A_461 : i32
    "tpu.region"() ({
      %run_scoped3A = tpu.sem_alloc : memref<!tpu.dma_semaphore, #tpu.memory_space<semaphore_mem>>
      %dma_start3A = tpu.memref_slice %arg10[%mul3A_462] : memref<320000xi32, #tpu.memory_space<hbm>> -> memref<128xi32, #tpu.memory_space<hbm>>
      %dma_start3A_480 = tpu.memref_slice %arg10[%mul3A_462] : memref<320000xi32, #tpu.memory_space<hbm>> -> memref<128xi32, #tpu.memory_space<hbm>>
      tpu.enqueue_dma source(%dma_start3A_480 : memref<128xi32, #tpu.memory_space<hbm>>) target(%arg13 : memref<128xi32, #tpu.memory_space<vmem>>) target_semaphore(%run_scoped3A : memref<!tpu.dma_semaphore, #tpu.memory_space<semaphore_mem>>)
      %dma_wait3A = tpu.memref_slice %arg10[%mul3A_462] : memref<320000xi32, #tpu.memory_space<hbm>> -> memref<128xi32, #tpu.memory_space<hbm>>
      %dma_wait3A_481 = tpu.memref_slice %arg10[%mul3A_462] : memref<320000xi32, #tpu.memory_space<hbm>> -> memref<128xi32, #tpu.memory_space<hbm>>
      tpu.wait_dma2 semaphore(%run_scoped3A : memref<!tpu.dma_semaphore, #tpu.memory_space<semaphore_mem>>) src(%dma_wait3A_481 : memref<128xi32, #tpu.memory_space<hbm>>) dst(%arg13 : memref<128xi32, #tpu.memory_space<vmem>>)
      tpu.yield
    }) : () -> ()
    "tpu.region"() ({
      %run_scoped3A = tpu.sem_alloc : memref<!tpu.dma_semaphore, #tpu.memory_space<semaphore_mem>>
      %dma_start3A = tpu.memref_slice %arg11[%mul3A_462] : memref<320000xi32, #tpu.memory_space<hbm>> -> memref<128xi32, #tpu.memory_space<hbm>>
      %dma_start3A_480 = tpu.memref_slice %arg11[%mul3A_462] : memref<320000xi32, #tpu.memory_space<hbm>> -> memref<128xi32, #tpu.memory_space<hbm>>
      tpu.enqueue_dma source(%dma_start3A_480 : memref<128xi32, #tpu.memory_space<hbm>>) target(%arg15 : memref<128xi32, #tpu.memory_space<vmem>>) target_semaphore(%run_scoped3A : memref<!tpu.dma_semaphore, #tpu.memory_space<semaphore_mem>>)
      %dma_wait3A = tpu.memref_slice %arg11[%mul3A_462] : memref<320000xi32, #tpu.memory_space<hbm>> -> memref<128xi32, #tpu.memory_space<hbm>>
      %dma_wait3A_481 = tpu.memref_slice %arg11[%mul3A_462] : memref<320000xi32, #tpu.memory_space<hbm>> -> memref<128xi32, #tpu.memory_space<hbm>>
      tpu.wait_dma2 semaphore(%run_scoped3A : memref<!tpu.dma_semaphore, #tpu.memory_space<semaphore_mem>>) src(%dma_wait3A_481 : memref<128xi32, #tpu.memory_space<hbm>>) dst(%arg15 : memref<128xi32, #tpu.memory_space<vmem>>)
      tpu.yield
    }) : () -> ()
    %scan3A_463 = arith.constant 0 : i32
    %scan3A_464 = arith.constant 0 : i32
    %scan3A_465 = arith.constant 40 : i32
    %scan3A_466 = arith.addi %scan3A_464, %scan3A_465 : i32
    %scan3A_467 = arith.constant 1 : i32
    scf.for %scan3A_480 = %scan3A_464 to %scan3A_466 step %scan3A_467  : i32 {
      %mul3A_481 = arith.constant 2 : i32
      %mul3A_482 = arith.muli %mul3A_481, %scan3A_480 : i32
      %gt3A = arith.constant 0 : i32
      %gt3A_483 = arith.cmpi sgt, %mul3A_482, %gt3A : i32
      %lt3A = arith.cmpi slt, %mul3A_482, %select_n3A_445 : i32
      %and3A_484 = arith.andi %gt3A_483, %lt3A : i1
      %convert_element_type3A = arith.extui %and3A_484 : i1 to i32
      %cond3A = arith.constant 0 : i32
      %cond3A_485 = arith.cmpi ne, %convert_element_type3A, %cond3A : i32
      scf.if %cond3A_485 {
        %dma_wait3A = arith.constant 0 : i32
        %dma_wait3A_517 = tpu.memref_slice %arg10[%dma_wait3A] : memref<320000xi32, #tpu.memory_space<hbm>> -> memref<128xi32, #tpu.memory_space<hbm>>
        %dma_wait3A_518 = arith.constant 0 : i32
        %dma_wait3A_519 = tpu.memref_slice %arg10[%dma_wait3A_518] : memref<320000xi32, #tpu.memory_space<hbm>> -> memref<128xi32, #tpu.memory_space<hbm>>
        tpu.wait_dma2 semaphore(%arg21 : memref<!tpu.dma_semaphore, #tpu.memory_space<semaphore_mem>>) src(%dma_wait3A_519 : memref<128xi32, #tpu.memory_space<hbm>>) dst(%arg13 : memref<128xi32, #tpu.memory_space<vmem>>)
        %dma_wait3A_520 = arith.constant 0 : i32
        %dma_wait3A_521 = tpu.memref_slice %arg11[%dma_wait3A_520] : memref<320000xi32, #tpu.memory_space<hbm>> -> memref<128xi32, #tpu.memory_space<hbm>>
        %dma_wait3A_522 = arith.constant 0 : i32
        %dma_wait3A_523 = tpu.memref_slice %arg11[%dma_wait3A_522] : memref<320000xi32, #tpu.memory_space<hbm>> -> memref<128xi32, #tpu.memory_space<hbm>>
        tpu.wait_dma2 semaphore(%arg21 : memref<!tpu.dma_semaphore, #tpu.memory_space<semaphore_mem>>) src(%dma_wait3A_523 : memref<128xi32, #tpu.memory_space<hbm>>) dst(%arg15 : memref<128xi32, #tpu.memory_space<vmem>>)
      } else {
      }
      %add3A_486 = arith.constant 1 : i32
      %add3A_487 = arith.addi %mul3A_482, %add3A_486 : i32
      %lt3A_488 = arith.cmpi slt, %add3A_487, %select_n3A_445 : i32
      %convert_element_type3A_489 = arith.extui %lt3A_488 : i1 to i32
      %cond3A_490 = arith.constant 0 : i32
      %cond3A_491 = arith.cmpi ne, %convert_element_type3A_489, %cond3A_490 : i32
      scf.if %cond3A_491 {
        %add3A_517 = arith.constant 1 : i32
        %add3A_518 = arith.addi %mul3A_482, %add3A_517 : i32
        %mul3A_519 = arith.constant 32 : i32
        %mul3A_520 = arith.muli %add3A_518, %mul3A_519 : i32
        %add3A_521 = arith.addi %add3A, %mul3A_520 : i32
        %mul3A_522 = arith.constant 128 : i32
        %mul3A_523 = arith.muli %add3A_521, %mul3A_522 : i32
        %dma_start3A = tpu.memref_slice %arg10[%mul3A_523] : memref<320000xi32, #tpu.memory_space<hbm>> -> memref<128xi32, #tpu.memory_space<hbm>>
        %dma_start3A_524 = tpu.memref_slice %arg10[%mul3A_523] : memref<320000xi32, #tpu.memory_space<hbm>> -> memref<128xi32, #tpu.memory_space<hbm>>
        tpu.enqueue_dma source(%dma_start3A_524 : memref<128xi32, #tpu.memory_space<hbm>>) target(%arg14 : memref<128xi32, #tpu.memory_space<vmem>>) target_semaphore(%arg22 : memref<!tpu.dma_semaphore, #tpu.memory_space<semaphore_mem>>)
        %dma_start3A_525 = tpu.memref_slice %arg11[%mul3A_523] : memref<320000xi32, #tpu.memory_space<hbm>> -> memref<128xi32, #tpu.memory_space<hbm>>
        %dma_start3A_526 = tpu.memref_slice %arg11[%mul3A_523] : memref<320000xi32, #tpu.memory_space<hbm>> -> memref<128xi32, #tpu.memory_space<hbm>>
        tpu.enqueue_dma source(%dma_start3A_526 : memref<128xi32, #tpu.memory_space<hbm>>) target(%arg16 : memref<128xi32, #tpu.memory_space<vmem>>) target_semaphore(%arg22 : memref<!tpu.dma_semaphore, #tpu.memory_space<semaphore_mem>>)
      } else {
      }
      %lt3A_492 = arith.cmpi slt, %mul3A_482, %select_n3A_445 : i32
      %convert_element_type3A_493 = arith.extui %lt3A_492 : i1 to i32
      %cond3A_494 = arith.constant 0 : i32
      %cond3A_495 = arith.cmpi ne, %convert_element_type3A_493, %cond3A_494 : i32
      scf.if %cond3A_495 {
        %mul3A_517 = arith.constant 32 : i32
        %mul3A_518 = arith.muli %mul3A_482, %mul3A_517 : i32
        %add3A_519 = arith.addi %add3A, %mul3A_518 : i32
        %mul3A_520 = arith.constant 128 : i32
        %mul3A_521 = arith.muli %add3A_519, %mul3A_520 : i32
        %dma_start3A = arith.constant 0 : i32
        %dma_start3A_522 = arith.constant 0 : i32
        %dma_start3A_523 = tpu.memref_slice %arg4[%dma_start3A, %dma_start3A_522] : memref<10000x128xf32, #tpu.memory_space<hbm>> -> memref<10000x128xf32, #tpu.memory_space<hbm>>
        tpu.enqueue_indirect_dma source(%dma_start3A_523 : memref<10000x128xf32, #tpu.memory_space<hbm>>) target(%arg17 : memref<128x128xf32, #tpu.memory_space<vmem>>) offsets(%arg13 : memref<128xi32, #tpu.memory_space<vmem>>) semaphore(%arg23 : memref<!tpu.dma_semaphore, #tpu.memory_space<semaphore_mem>>)
        %dma_wait3A = arith.constant 0 : i32
        %dma_wait3A_524 = arith.constant 0 : i32
        %dma_wait3A_525 = tpu.memref_slice %arg4[%dma_wait3A, %dma_wait3A_524] : memref<10000x128xf32, #tpu.memory_space<hbm>> -> memref<10000x128xf32, #tpu.memory_space<hbm>>
        tpu.wait_indirect_dma semaphore(%arg23 : memref<!tpu.dma_semaphore, #tpu.memory_space<semaphore_mem>>) src(%dma_wait3A_525 : memref<10000x128xf32, #tpu.memory_space<hbm>>) dst(%arg17 : memref<128x128xf32, #tpu.memory_space<vmem>>)
        "tpu.region"() ({
          %run_scoped3A = tpu.sem_alloc : memref<!tpu.dma_semaphore, #tpu.memory_space<semaphore_mem>>
          %dma_start3A_526 = arith.constant 0 : i32
          %dma_start3A_527 = arith.constant 0 : i32
          %dma_start3A_528 = tpu.memref_slice %arg20[%dma_start3A_526, %dma_start3A_527] : memref<10000x128xf32, #tpu.memory_space<vmem_shared>> -> memref<10000x128xf32, #tpu.memory_space<vmem_shared>>
          tpu.enqueue_indirect_dma source(%arg17 : memref<128x128xf32, #tpu.memory_space<vmem>>) target(%dma_start3A_528 : memref<10000x128xf32, #tpu.memory_space<vmem_shared>>) offsets(%arg15 : memref<128xi32, #tpu.memory_space<vmem>>) semaphore(%run_scoped3A : memref<!tpu.dma_semaphore, #tpu.memory_space<semaphore_mem>>) {add = true}
          %dma_wait3A_529 = arith.constant 0 : i32
          %dma_wait3A_530 = arith.constant 0 : i32
          %dma_wait3A_531 = tpu.memref_slice %arg20[%dma_wait3A_529, %dma_wait3A_530] : memref<10000x128xf32, #tpu.memory_space<vmem_shared>> -> memref<10000x128xf32, #tpu.memory_space<vmem_shared>>
          tpu.wait_indirect_dma semaphore(%run_scoped3A : memref<!tpu.dma_semaphore, #tpu.memory_space<semaphore_mem>>) src(%arg17 : memref<128x128xf32, #tpu.memory_space<vmem>>) dst(%dma_wait3A_531 : memref<10000x128xf32, #tpu.memory_space<vmem_shared>>)
          tpu.yield
        }) : () -> ()
      } else {
      }
      %mul3A_496 = arith.constant 2 : i32
      %mul3A_497 = arith.muli %mul3A_496, %scan3A_480 : i32
      %add3A_498 = arith.constant 1 : i32
      %add3A_499 = arith.addi %mul3A_497, %add3A_498 : i32
      %gt3A_500 = arith.constant 0 : i32
      %gt3A_501 = arith.cmpi sgt, %add3A_499, %gt3A_500 : i32
      %lt3A_502 = arith.cmpi slt, %add3A_499, %select_n3A_445 : i32
      %and3A_503 = arith.andi %gt3A_501, %lt3A_502 : i1
      %convert_element_type3A_504 = arith.extui %and3A_503 : i1 to i32
      %cond3A_505 = arith.constant 0 : i32
      %cond3A_506 = arith.cmpi ne, %convert_element_type3A_504, %cond3A_505 : i32
      scf.if %cond3A_506 {
        %dma_wait3A = arith.constant 0 : i32
        %dma_wait3A_517 = tpu.memref_slice %arg10[%dma_wait3A] : memref<320000xi32, #tpu.memory_space<hbm>> -> memref<128xi32, #tpu.memory_space<hbm>>
        %dma_wait3A_518 = arith.constant 0 : i32
        %dma_wait3A_519 = tpu.memref_slice %arg10[%dma_wait3A_518] : memref<320000xi32, #tpu.memory_space<hbm>> -> memref<128xi32, #tpu.memory_space<hbm>>
        tpu.wait_dma2 semaphore(%arg22 : memref<!tpu.dma_semaphore, #tpu.memory_space<semaphore_mem>>) src(%dma_wait3A_519 : memref<128xi32, #tpu.memory_space<hbm>>) dst(%arg14 : memref<128xi32, #tpu.memory_space<vmem>>)
        %dma_wait3A_520 = arith.constant 0 : i32
        %dma_wait3A_521 = tpu.memref_slice %arg11[%dma_wait3A_520] : memref<320000xi32, #tpu.memory_space<hbm>> -> memref<128xi32, #tpu.memory_space<hbm>>
        %dma_wait3A_522 = arith.constant 0 : i32
        %dma_wait3A_523 = tpu.memref_slice %arg11[%dma_wait3A_522] : memref<320000xi32, #tpu.memory_space<hbm>> -> memref<128xi32, #tpu.memory_space<hbm>>
        tpu.wait_dma2 semaphore(%arg22 : memref<!tpu.dma_semaphore, #tpu.memory_space<semaphore_mem>>) src(%dma_wait3A_523 : memref<128xi32, #tpu.memory_space<hbm>>) dst(%arg16 : memref<128xi32, #tpu.memory_space<vmem>>)
      } else {
      }
      %add3A_507 = arith.constant 1 : i32
      %add3A_508 = arith.addi %add3A_499, %add3A_507 : i32
      %lt3A_509 = arith.cmpi slt, %add3A_508, %select_n3A_445 : i32
      %convert_element_type3A_510 = arith.extui %lt3A_509 : i1 to i32
      %cond3A_511 = arith.constant 0 : i32
      %cond3A_512 = arith.cmpi ne, %convert_element_type3A_510, %cond3A_511 : i32
      scf.if %cond3A_512 {
        %add3A_517 = arith.constant 1 : i32
        %add3A_518 = arith.addi %add3A_499, %add3A_517 : i32
        %mul3A_519 = arith.constant 32 : i32
        %mul3A_520 = arith.muli %add3A_518, %mul3A_519 : i32
        %add3A_521 = arith.addi %add3A, %mul3A_520 : i32
        %mul3A_522 = arith.constant 128 : i32
        %mul3A_523 = arith.muli %add3A_521, %mul3A_522 : i32
        %dma_start3A = tpu.memref_slice %arg10[%mul3A_523] : memref<320000xi32, #tpu.memory_space<hbm>> -> memref<128xi32, #tpu.memory_space<hbm>>
        %dma_start3A_524 = tpu.memref_slice %arg10[%mul3A_523] : memref<320000xi32, #tpu.memory_space<hbm>> -> memref<128xi32, #tpu.memory_space<hbm>>
        tpu.enqueue_dma source(%dma_start3A_524 : memref<128xi32, #tpu.memory_space<hbm>>) target(%arg13 : memref<128xi32, #tpu.memory_space<vmem>>) target_semaphore(%arg21 : memref<!tpu.dma_semaphore, #tpu.memory_space<semaphore_mem>>)
        %dma_start3A_525 = tpu.memref_slice %arg11[%mul3A_523] : memref<320000xi32, #tpu.memory_space<hbm>> -> memref<128xi32, #tpu.memory_space<hbm>>
        %dma_start3A_526 = tpu.memref_slice %arg11[%mul3A_523] : memref<320000xi32, #tpu.memory_space<hbm>> -> memref<128xi32, #tpu.memory_space<hbm>>
        tpu.enqueue_dma source(%dma_start3A_526 : memref<128xi32, #tpu.memory_space<hbm>>) target(%arg15 : memref<128xi32, #tpu.memory_space<vmem>>) target_semaphore(%arg21 : memref<!tpu.dma_semaphore, #tpu.memory_space<semaphore_mem>>)
      } else {
      }
      %lt3A_513 = arith.cmpi slt, %add3A_499, %select_n3A_445 : i32
      %convert_element_type3A_514 = arith.extui %lt3A_513 : i1 to i32
      %cond3A_515 = arith.constant 0 : i32
      %cond3A_516 = arith.cmpi ne, %convert_element_type3A_514, %cond3A_515 : i32
      scf.if %cond3A_516 {
        %mul3A_517 = arith.constant 32 : i32
        %mul3A_518 = arith.muli %add3A_499, %mul3A_517 : i32
        %add3A_519 = arith.addi %add3A, %mul3A_518 : i32
        %mul3A_520 = arith.constant 128 : i32
        %mul3A_521 = arith.muli %add3A_519, %mul3A_520 : i32
        %dma_start3A = arith.constant 0 : i32
        %dma_start3A_522 = arith.constant 0 : i32
        %dma_start3A_523 = tpu.memref_slice %arg4[%dma_start3A, %dma_start3A_522] : memref<10000x128xf32, #tpu.memory_space<hbm>> -> memref<10000x128xf32, #tpu.memory_space<hbm>>
        tpu.enqueue_indirect_dma source(%dma_start3A_523 : memref<10000x128xf32, #tpu.memory_space<hbm>>) target(%arg17 : memref<128x128xf32, #tpu.memory_space<vmem>>) offsets(%arg14 : memref<128xi32, #tpu.memory_space<vmem>>) semaphore(%arg23 : memref<!tpu.dma_semaphore, #tpu.memory_space<semaphore_mem>>)
        %dma_wait3A = arith.constant 0 : i32
        %dma_wait3A_524 = arith.constant 0 : i32
        %dma_wait3A_525 = tpu.memref_slice %arg4[%dma_wait3A, %dma_wait3A_524] : memref<10000x128xf32, #tpu.memory_space<hbm>> -> memref<10000x128xf32, #tpu.memory_space<hbm>>
        tpu.wait_indirect_dma semaphore(%arg23 : memref<!tpu.dma_semaphore, #tpu.memory_space<semaphore_mem>>) src(%dma_wait3A_525 : memref<10000x128xf32, #tpu.memory_space<hbm>>) dst(%arg17 : memref<128x128xf32, #tpu.memory_space<vmem>>)
        "tpu.region"() ({
          %run_scoped3A = tpu.sem_alloc : memref<!tpu.dma_semaphore, #tpu.memory_space<semaphore_mem>>
          %dma_start3A_526 = arith.constant 0 : i32
          %dma_start3A_527 = arith.constant 0 : i32
          %dma_start3A_528 = tpu.memref_slice %arg20[%dma_start3A_526, %dma_start3A_527] : memref<10000x128xf32, #tpu.memory_space<vmem_shared>> -> memref<10000x128xf32, #tpu.memory_space<vmem_shared>>
          tpu.enqueue_indirect_dma source(%arg17 : memref<128x128xf32, #tpu.memory_space<vmem>>) target(%dma_start3A_528 : memref<10000x128xf32, #tpu.memory_space<vmem_shared>>) offsets(%arg16 : memref<128xi32, #tpu.memory_space<vmem>>) semaphore(%run_scoped3A : memref<!tpu.dma_semaphore, #tpu.memory_space<semaphore_mem>>) {add = true}
          %dma_wait3A_529 = arith.constant 0 : i32
          %dma_wait3A_530 = arith.constant 0 : i32
          %dma_wait3A_531 = tpu.memref_slice %arg20[%dma_wait3A_529, %dma_wait3A_530] : memref<10000x128xf32, #tpu.memory_space<vmem_shared>> -> memref<10000x128xf32, #tpu.memory_space<vmem_shared>>
          tpu.wait_indirect_dma semaphore(%run_scoped3A : memref<!tpu.dma_semaphore, #tpu.memory_space<semaphore_mem>>) src(%arg17 : memref<128x128xf32, #tpu.memory_space<vmem>>) dst(%dma_wait3A_531 : memref<10000x128xf32, #tpu.memory_space<vmem_shared>>)
          tpu.yield
        }) : () -> ()
      } else {
      }
    }
    %scan3A_468 = arith.constant 40 : i32
    %barrier3A_469 = arith.constant 0 : index
    tpu.barrier barrier_id(%barrier3A_469)
    %while3A_470 = arith.constant 0 : i32
    %while3A_471 = arith.constant 0 : i32
    %while3A_472 = arith.subi %select_n3A, %while3A_471 : i32
    %while3A_473 = arith.addi %while3A_471, %while3A_472 : i32
    %while3A_474 = arith.constant 1 : i32
    %while3A_475 = arith.divsi %while3A_472, %while3A_474 : i32
    %while3A_476 = arith.muli %while3A_475, %while3A_474 : i32
    %while3A_477 = arith.addi %while3A_471, %while3A_476 : i32
    %while3A_478 = arith.constant 1 : i32
    scf.for %while3A_480 = %while3A_471 to %while3A_477 step %while3A_478  : i32 {
      %mul3A_481 = arith.constant 16 : i32
      %mul3A_482 = arith.muli %while3A_480, %mul3A_481 : i32
      %add3A_483 = arith.addi %arg1, %mul3A_482 : i32
      %mul3A_484 = arith.constant 80 : i32
      %mul3A_485 = arith.muli %add3A_483, %mul3A_484 : i32
      %mul3A_486 = arith.constant 80 : i32
      %mul3A_487 = arith.muli %add3A_483, %mul3A_486 : i32
      "tpu.region"() ({
        %run_scoped3A = tpu.sem_alloc : memref<!tpu.dma_semaphore, #tpu.memory_space<semaphore_mem>>
        %dma_start3A = arith.constant 0 : i32
        %dma_start3A_488 = tpu.memref_slice %arg12[%arg0, %mul3A_487, %dma_start3A] : memref<2x10000x128xf32, #tpu.memory_space<hbm>> -> memref<1x80x128xf32, #tpu.memory_space<hbm>>
        %dma_start3A_489 = tpu.memref_squeeze %dma_start3A_488 : memref<1x80x128xf32, #tpu.memory_space<hbm>> -> memref<80x128xf32, #tpu.memory_space<hbm>>
        %dma_start3A_490 = arith.constant 0 : i32
        %dma_start3A_491 = tpu.memref_slice %arg20[%mul3A_485, %dma_start3A_490] : memref<10000x128xf32, #tpu.memory_space<vmem_shared>> -> memref<80x128xf32, #tpu.memory_space<vmem_shared>>
        tpu.enqueue_dma source(%dma_start3A_491 : memref<80x128xf32, #tpu.memory_space<vmem_shared>>) target(%dma_start3A_489 : memref<80x128xf32, #tpu.memory_space<hbm>>) target_semaphore(%run_scoped3A : memref<!tpu.dma_semaphore, #tpu.memory_space<semaphore_mem>>)
        %dma_wait3A = arith.constant 0 : i32
        %dma_wait3A_492 = tpu.memref_slice %arg12[%arg0, %mul3A_487, %dma_wait3A] : memref<2x10000x128xf32, #tpu.memory_space<hbm>> -> memref<1x80x128xf32, #tpu.memory_space<hbm>>
        %dma_wait3A_493 = tpu.memref_squeeze %dma_wait3A_492 : memref<1x80x128xf32, #tpu.memory_space<hbm>> -> memref<80x128xf32, #tpu.memory_space<hbm>>
        %dma_wait3A_494 = arith.constant 0 : i32
        %dma_wait3A_495 = tpu.memref_slice %arg20[%mul3A_485, %dma_wait3A_494] : memref<10000x128xf32, #tpu.memory_space<vmem_shared>> -> memref<80x128xf32, #tpu.memory_space<vmem_shared>>
        tpu.wait_dma2 semaphore(%run_scoped3A : memref<!tpu.dma_semaphore, #tpu.memory_space<semaphore_mem>>) src(%dma_wait3A_495 : memref<80x128xf32, #tpu.memory_space<vmem_shared>>) dst(%dma_wait3A_493 : memref<80x128xf32, #tpu.memory_space<hbm>>)
        tpu.yield
      }) : () -> ()
    }
    %while3A_479 = arith.constant 1 : i32
    scf.for %while3A_480 = %while3A_477 to %while3A_473 step %while3A_479  : i32 {
      %mul3A_481 = arith.constant 16 : i32
      %mul3A_482 = arith.muli %while3A_480, %mul3A_481 : i32
      %add3A_483 = arith.addi %arg1, %mul3A_482 : i32
      %mul3A_484 = arith.constant 80 : i32
      %mul3A_485 = arith.muli %add3A_483, %mul3A_484 : i32
      %mul3A_486 = arith.constant 80 : i32
      %mul3A_487 = arith.muli %add3A_483, %mul3A_486 : i32
      "tpu.region"() ({
        %run_scoped3A = tpu.sem_alloc : memref<!tpu.dma_semaphore, #tpu.memory_space<semaphore_mem>>
        %dma_start3A = arith.constant 0 : i32
        %dma_start3A_488 = tpu.memref_slice %arg12[%arg0, %mul3A_487, %dma_start3A] : memref<2x10000x128xf32, #tpu.memory_space<hbm>> -> memref<1x80x128xf32, #tpu.memory_space<hbm>>
        %dma_start3A_489 = tpu.memref_squeeze %dma_start3A_488 : memref<1x80x128xf32, #tpu.memory_space<hbm>> -> memref<80x128xf32, #tpu.memory_space<hbm>>
        %dma_start3A_490 = arith.constant 0 : i32
        %dma_start3A_491 = tpu.memref_slice %arg20[%mul3A_485, %dma_start3A_490] : memref<10000x128xf32, #tpu.memory_space<vmem_shared>> -> memref<80x128xf32, #tpu.memory_space<vmem_shared>>
        tpu.enqueue_dma source(%dma_start3A_491 : memref<80x128xf32, #tpu.memory_space<vmem_shared>>) target(%dma_start3A_489 : memref<80x128xf32, #tpu.memory_space<hbm>>) target_semaphore(%run_scoped3A : memref<!tpu.dma_semaphore, #tpu.memory_space<semaphore_mem>>)
        %dma_wait3A = arith.constant 0 : i32
        %dma_wait3A_492 = tpu.memref_slice %arg12[%arg0, %mul3A_487, %dma_wait3A] : memref<2x10000x128xf32, #tpu.memory_space<hbm>> -> memref<1x80x128xf32, #tpu.memory_space<hbm>>
        %dma_wait3A_493 = tpu.memref_squeeze %dma_wait3A_492 : memref<1x80x128xf32, #tpu.memory_space<hbm>> -> memref<80x128xf32, #tpu.memory_space<hbm>>
        %dma_wait3A_494 = arith.constant 0 : i32
        %dma_wait3A_495 = tpu.memref_slice %arg20[%mul3A_485, %dma_wait3A_494] : memref<10000x128xf32, #tpu.memory_space<vmem_shared>> -> memref<80x128xf32, #tpu.memory_space<vmem_shared>>
        tpu.wait_dma2 semaphore(%run_scoped3A : memref<!tpu.dma_semaphore, #tpu.memory_space<semaphore_mem>>) src(%dma_wait3A_495 : memref<80x128xf32, #tpu.memory_space<vmem_shared>>) dst(%dma_wait3A_493 : memref<80x128xf32, #tpu.memory_space<hbm>>)
        tpu.yield
      }) : () -> ()
    }
    return
  }
}

module attributes {stable_mosaic.version = 14 : i64} {
  func.func @_mlp_body(%arg0: memref<2x10000x128xf32, #tpu.memory_space<vmem>>, %arg1: memref<10000x128xf32, #tpu.memory_space<vmem>>, %arg2: memref<128x128xf32, #tpu.memory_space<vmem>>, %arg3: memref<1x128xf32, #tpu.memory_space<vmem>>, %arg4: memref<1x128xf32, #tpu.memory_space<vmem>>, %arg5: memref<1x128xf32, #tpu.memory_space<vmem>>, %arg6: memref<128x128xf32, #tpu.memory_space<vmem>>, %arg7: memref<1x128xf32, #tpu.memory_space<vmem>>, %arg8: memref<1x128xf32, #tpu.memory_space<vmem>>, %arg9: memref<1x128xf32, #tpu.memory_space<vmem>>, %arg10: memref<10000x128xf32, #tpu.memory_space<vmem>>) attributes {dimension_semantics = [], scalar_prefetch = 0 : i64, scratch_operands = 0 : i64, tpu.core_type = #tpu.core_type<tc>} {
    %get3A = arith.constant 0 : index
    %get3A_0 = arith.constant 0 : index
    %get3A_1 = vector.load %arg1[%get3A, %get3A_0] : memref<10000x128xf32, #tpu.memory_space<vmem>>, vector<10000x128xf32>
    %get3A_2 = arith.constant 0 : index
    %get3A_3 = arith.constant 0 : index
    %get3A_4 = arith.constant 0 : index
    %get3A_5 = vector.load %arg0[%get3A_2, %get3A_3, %get3A_4] : memref<2x10000x128xf32, #tpu.memory_space<vmem>>, vector<1x10000x128xf32>
    %get3A_6 = vector.shape_cast %get3A_5 : vector<1x10000x128xf32> to vector<10000x128xf32>
    %add3A = arith.addf %get3A_1, %get3A_6 : vector<10000x128xf32>
    %get3A_7 = arith.constant 1 : index
    %get3A_8 = arith.constant 0 : index
    %get3A_9 = arith.constant 0 : index
    %get3A_10 = vector.load %arg0[%get3A_7, %get3A_8, %get3A_9] : memref<2x10000x128xf32, #tpu.memory_space<vmem>>, vector<1x10000x128xf32>
    %get3A_11 = vector.shape_cast %get3A_10 : vector<1x10000x128xf32> to vector<10000x128xf32>
    %add3A_12 = arith.addf %add3A, %get3A_11 : vector<10000x128xf32>
    %get3A_13 = arith.constant 0 : index
    %get3A_14 = arith.constant 0 : index
    %get3A_15 = vector.load %arg2[%get3A_13, %get3A_14] : memref<128x128xf32, #tpu.memory_space<vmem>>, vector<128x128xf32>
    %dot_general3A = arith.constant dense<0.000000e+00> : vector<10000x128xf32>
    %dot_general3A_16 = tpu.matmul %add3A_12, %get3A_15, %dot_general3A {dimension_numbers = #tpu.dot_dimension_numbers<[1], [0], [0], [1], [0, 0, 1, 1], [], []>, transpose_lhs_hint = false} : vector<10000x128xf32>, vector<128x128xf32>, vector<10000x128xf32> -> vector<10000x128xf32>
    %get3A_17 = arith.constant 0 : index
    %get3A_18 = arith.constant 0 : index
    %get3A_19 = vector.load %arg3[%get3A_17, %get3A_18] : memref<1x128xf32, #tpu.memory_space<vmem>>, vector<1x128xf32>
    %add3A_20 = vector.broadcast %get3A_19 : vector<1x128xf32> to vector<10000x128xf32>
    %add3A_21 = arith.addf %dot_general3A_16, %add3A_20 : vector<10000x128xf32>
    %reduce_sum3A = arith.constant dense<0.000000e+00> : vector<128xf32>
    %reduce_sum3A_22 = vector.multi_reduction <add>, %add3A_21, %reduce_sum3A [0] : vector<10000x128xf32> to vector<128xf32>
    %broadcast_in_dim3A = vector.shape_cast %reduce_sum3A_22 : vector<128xf32> to vector<1x128xf32>
    %div3A = arith.constant 1.000000e+04 : f32
    %div3A_23 = vector.broadcast %div3A : f32 to vector<1x128xf32>
    %div3A_24 = arith.divf %broadcast_in_dim3A, %div3A_23 : vector<1x128xf32>
    %sub3A = vector.broadcast %div3A_24 : vector<1x128xf32> to vector<10000x128xf32>
    %sub3A_25 = arith.subf %add3A_21, %sub3A : vector<10000x128xf32>
    %square3A = arith.mulf %sub3A_25, %sub3A_25 : vector<10000x128xf32>
    %reduce_sum3A_26 = arith.constant dense<0.000000e+00> : vector<128xf32>
    %reduce_sum3A_27 = vector.multi_reduction <add>, %square3A, %reduce_sum3A_26 [0] : vector<10000x128xf32> to vector<128xf32>
    %broadcast_in_dim3A_28 = vector.shape_cast %reduce_sum3A_27 : vector<128xf32> to vector<1x128xf32>
    %div3A_29 = arith.constant 1.000000e+04 : f32
    %div3A_30 = vector.broadcast %div3A_29 : f32 to vector<1x128xf32>
    %div3A_31 = arith.divf %broadcast_in_dim3A_28, %div3A_30 : vector<1x128xf32>
    %sub3A_32 = vector.broadcast %div3A_24 : vector<1x128xf32> to vector<10000x128xf32>
    %sub3A_33 = arith.subf %add3A_21, %sub3A_32 : vector<10000x128xf32>
    %add3A_34 = arith.constant 9.99999974E-6 : f32
    %add3A_35 = vector.broadcast %add3A_34 : f32 to vector<1x128xf32>
    %add3A_36 = arith.addf %div3A_31, %add3A_35 : vector<1x128xf32>
    %rsqrt3A = math.rsqrt %add3A_36 : vector<1x128xf32>
    %mul3A = vector.broadcast %rsqrt3A : vector<1x128xf32> to vector<10000x128xf32>
    %mul3A_37 = arith.mulf %sub3A_33, %mul3A : vector<10000x128xf32>
    %get3A_38 = arith.constant 0 : index
    %get3A_39 = arith.constant 0 : index
    %get3A_40 = vector.load %arg4[%get3A_38, %get3A_39] : memref<1x128xf32, #tpu.memory_space<vmem>>, vector<1x128xf32>
    %mul3A_41 = vector.broadcast %get3A_40 : vector<1x128xf32> to vector<10000x128xf32>
    %mul3A_42 = arith.mulf %mul3A_37, %mul3A_41 : vector<10000x128xf32>
    %get3A_43 = arith.constant 0 : index
    %get3A_44 = arith.constant 0 : index
    %get3A_45 = vector.load %arg5[%get3A_43, %get3A_44] : memref<1x128xf32, #tpu.memory_space<vmem>>, vector<1x128xf32>
    %add3A_46 = vector.broadcast %get3A_45 : vector<1x128xf32> to vector<10000x128xf32>
    %add3A_47 = arith.addf %mul3A_42, %add3A_46 : vector<10000x128xf32>
    %max3A = arith.constant 0.000000e+00 : f32
    %max3A_48 = vector.broadcast %max3A : f32 to vector<10000x128xf32>
    %max3A_49 = arith.maximumf %add3A_47, %max3A_48 : vector<10000x128xf32>
    %get3A_50 = arith.constant 0 : index
    %get3A_51 = arith.constant 0 : index
    %get3A_52 = vector.load %arg6[%get3A_50, %get3A_51] : memref<128x128xf32, #tpu.memory_space<vmem>>, vector<128x128xf32>
    %dot_general3A_53 = arith.constant dense<0.000000e+00> : vector<10000x128xf32>
    %dot_general3A_54 = tpu.matmul %max3A_49, %get3A_52, %dot_general3A_53 {dimension_numbers = #tpu.dot_dimension_numbers<[1], [0], [0], [1], [0, 0, 1, 1], [], []>, transpose_lhs_hint = false} : vector<10000x128xf32>, vector<128x128xf32>, vector<10000x128xf32> -> vector<10000x128xf32>
    %get3A_55 = arith.constant 0 : index
    %get3A_56 = arith.constant 0 : index
    %get3A_57 = vector.load %arg7[%get3A_55, %get3A_56] : memref<1x128xf32, #tpu.memory_space<vmem>>, vector<1x128xf32>
    %add3A_58 = vector.broadcast %get3A_57 : vector<1x128xf32> to vector<10000x128xf32>
    %add3A_59 = arith.addf %dot_general3A_54, %add3A_58 : vector<10000x128xf32>
    %reduce_sum3A_60 = arith.constant dense<0.000000e+00> : vector<128xf32>
    %reduce_sum3A_61 = vector.multi_reduction <add>, %add3A_59, %reduce_sum3A_60 [0] : vector<10000x128xf32> to vector<128xf32>
    %broadcast_in_dim3A_62 = vector.shape_cast %reduce_sum3A_61 : vector<128xf32> to vector<1x128xf32>
    %div3A_63 = arith.constant 1.000000e+04 : f32
    %div3A_64 = vector.broadcast %div3A_63 : f32 to vector<1x128xf32>
    %div3A_65 = arith.divf %broadcast_in_dim3A_62, %div3A_64 : vector<1x128xf32>
    %sub3A_66 = vector.broadcast %div3A_65 : vector<1x128xf32> to vector<10000x128xf32>
    %sub3A_67 = arith.subf %add3A_59, %sub3A_66 : vector<10000x128xf32>
    %square3A_68 = arith.mulf %sub3A_67, %sub3A_67 : vector<10000x128xf32>
    %reduce_sum3A_69 = arith.constant dense<0.000000e+00> : vector<128xf32>
    %reduce_sum3A_70 = vector.multi_reduction <add>, %square3A_68, %reduce_sum3A_69 [0] : vector<10000x128xf32> to vector<128xf32>
    %broadcast_in_dim3A_71 = vector.shape_cast %reduce_sum3A_70 : vector<128xf32> to vector<1x128xf32>
    %div3A_72 = arith.constant 1.000000e+04 : f32
    %div3A_73 = vector.broadcast %div3A_72 : f32 to vector<1x128xf32>
    %div3A_74 = arith.divf %broadcast_in_dim3A_71, %div3A_73 : vector<1x128xf32>
    %sub3A_75 = vector.broadcast %div3A_65 : vector<1x128xf32> to vector<10000x128xf32>
    %sub3A_76 = arith.subf %add3A_59, %sub3A_75 : vector<10000x128xf32>
    %add3A_77 = arith.constant 9.99999974E-6 : f32
    %add3A_78 = vector.broadcast %add3A_77 : f32 to vector<1x128xf32>
    %add3A_79 = arith.addf %div3A_74, %add3A_78 : vector<1x128xf32>
    %rsqrt3A_80 = math.rsqrt %add3A_79 : vector<1x128xf32>
    %mul3A_81 = vector.broadcast %rsqrt3A_80 : vector<1x128xf32> to vector<10000x128xf32>
    %mul3A_82 = arith.mulf %sub3A_76, %mul3A_81 : vector<10000x128xf32>
    %get3A_83 = arith.constant 0 : index
    %get3A_84 = arith.constant 0 : index
    %get3A_85 = vector.load %arg8[%get3A_83, %get3A_84] : memref<1x128xf32, #tpu.memory_space<vmem>>, vector<1x128xf32>
    %mul3A_86 = vector.broadcast %get3A_85 : vector<1x128xf32> to vector<10000x128xf32>
    %mul3A_87 = arith.mulf %mul3A_82, %mul3A_86 : vector<10000x128xf32>
    %get3A_88 = arith.constant 0 : index
    %get3A_89 = arith.constant 0 : index
    %get3A_90 = vector.load %arg9[%get3A_88, %get3A_89] : memref<1x128xf32, #tpu.memory_space<vmem>>, vector<1x128xf32>
    %add3A_91 = vector.broadcast %get3A_90 : vector<1x128xf32> to vector<10000x128xf32>
    %add3A_92 = arith.addf %mul3A_87, %add3A_91 : vector<10000x128xf32>
    %max3A_93 = arith.constant 0.000000e+00 : f32
    %max3A_94 = vector.broadcast %max3A_93 : f32 to vector<10000x128xf32>
    %max3A_95 = arith.maximumf %add3A_92, %max3A_94 : vector<10000x128xf32>
    %swap3A = arith.constant 0 : index
    %swap3A_96 = arith.constant 0 : index
    %swap3A_97 = vector.load %arg10[%swap3A, %swap3A_96] : memref<10000x128xf32, #tpu.memory_space<vmem>>, vector<10000x128xf32>
    tpu.vector_store %arg10[%swap3A, %swap3A_96], %max3A_95 {strides = array<i32>} : memref<10000x128xf32, #tpu.memory_space<vmem>>, vector<10000x128xf32>,
    return
  }
}

</mosaic_0001>

<sc_bundles>
// kernel: kernel.4.cloned.1.call-start
scs
__scs_entry_jumppad:
0x0: {  	(pc) =	sbr.rel $0x88, $3  }
0x1: {  	(tag) =	ssettag $0x0;
	lr =	simm.s32 $0x1  }
0x2: {  	[smem:$0x3F92] =	sst lr;
	_ =	strace $0xD0000000  }
0x3: {  	_ = 	snop  }
0x4: {  	_ = 	snop  }
0x5: {  	_ = 	snop  }
0x6: {  	_ = 	snop  }
0x7: {  	_ = 	snop  }
__scs_overlays_trampoline_lowered:
0x8: {  	[smem:$0x3FA1] =	sst s0  }
0x9: {  	[smem:$0x3FA2] =	sst s1  }
0xa: {  	[smem:$0x3FA3] =	sst s2  }
0xb: {  	[smem:$0x3FA4] =	sst s3  }
0xc: {  	[smem:$0x3FA5] =	sst s4  }
0xd: {  	[smem:$0x3FA6] =	sst s5  }
0xe: {  	[smem:$0x3FA7] =	sst s6  }
0xf: {  	[smem:$0x3FA8] =	sst s7  }
0x10: {  	[smem:$0x3FA9] =	sst s8  }
0x11: {  	[smem:$0x3FAA] =	sst s9;
	s0 =	simm.s32 @!p0 $0x0  }
0x12: {  	s1 =	sld [smem:$0x3F90];
	s0 =	simm.s32 @p0 $0x1  }
0x13: {  	[smem:$0x3FAB] =	sst s0;
	s0 =	simm.s32 @!p1 $0x0  }
0x14: {  	s2 =	sld [smem:$0x3F8F];
	s0 =	simm.s32 @p1 $0x1  }
0x15: {  	[smem:$0x3FAC] =	sst s0;
	s0 =	simm.s32 @!p2 $0x0  }
0x16: {  	s3 =	sld [smem:$0x3FDB];
	s0 =	simm.s32 @p2 $0x1  }
0x17: {  	s4 =	simm.s32 $0x1BF5;
	[smem:$0x3FAE] =	sst s0  }
0x18: {  	s0 =	sld [smem:$0x3F91];
	_ =	swait.ge [sflag:s4], $0x0  }
0x19: {  	s7 =	sld [smem:$0x3F92]  }
0x1a: {  	s8 =	sadd.s32 $0xFFFFE003, lr  }
0x1b: {  	s9 =	sadd.s32 $0xFFFFFEF7, lr;
	s5 =	simm.s32 $0xFFFFFFFF;
	p2 =	slt.u32 s8, $0xFFFFF086  }
0x1c: {  	p1 =	slt.u32 s9, $0xF7A;
	s5 =	simm.s32 @!p2 $0x0  }
0x1d: {  	s5 =	simm.s32 @p1 $0x1;
	p0 =	seq.s32 s7, s2  }
0x1e: {  	s7 =	smul.u32 @!p0 $0xF7A, s2;
	p2 =	seq.s32 @!p0 s5, $0x0  }
0x1f: {  	s9 =	smul.u32 $0xF7A, s1;
	s8 =	simm.s32 @!p0 $0x1BF5;
	p2 =	por !p2, p0  }
0x20: {  	[sflag:s8] =	ssyncset.s32 @!p0 $0xFFFFF086;
	s6 =	sadd.s32 @!p0 s3, s7;
	s7 =	simm.s32 @!p0 $0x108  }
0x21: {  	s3 =	sadd.s32 s3, s9;
	s6 =	sadd.s32 @!p0 $0x88, s6;
	s7 =	simm.s32 @p2 $0x1082  }
0x22: {  	[simem:s7], [sflag:s8] =	dma.local @!p0 [hbm:s6], $0xF7A  }
0x23: {  	s9 =	sor.u32 $0xD0000000, s2;
	s6 =	simm.s32 $0x108;
	_ =	swait.ge @!p0 [sflag:s8], $0x0  }
0x24: {  	s3 =	sadd.s32 $0x88, s3;
	s6 =	simm.s32 @!p1 $0x1082;
	[sflag:s4] =	ssyncset.s32 $0xFFFFF086  }
0x25: {  	[simem:s6], [sflag:s4] =	dma.local [hbm:s3], $0xF7A  }
0x26: {  	[smem:$0x3F92] =	sst s1;
	(tag) =	ssettag s2;
	_ =	strace s9  }
0x27: {  	s1 =	sld [smem:$0x3FA2]  }
0x28: {  	s2 =	sld [smem:$0x3FA3]  }
0x29: {  	s4 =	sld [smem:$0x3FA5]  }
0x2a: {  	p0 =	seq.s32 s5, $0x0;
	s5 =	sld [smem:$0x3FA6]  }
0x2b: {  	s6 =	sld [smem:$0x3FA7]  }
0x2c: {  	s7 =	sld [smem:$0x3FA8]  }
0x2d: {  	s3 =	simm.s32 $0x108;
	s8 =	sld [smem:$0x3FA9]  }
0x2e: {  	s3 =	simm.s32 @!p0 $0x1082;
	s9 =	sld [smem:$0x3FAA]  }
0x2f: {  	lr =	sadd.s32 s0, s3;
	s0 =	sld [smem:$0x3FA1]  }
0x30: {  	s3 =	sld [smem:$0x3FA4]  }
0x31: {  	[smem:$0x3FAD] =	sst s10  }
0x32: {  	s10 =	sld [smem:$0x3FAB];
	_ =	sdelay $0x3  }
0x33: {  	p0 =	seq.s32 s10, $0x1;
	s10 =	sld [smem:$0x3FAD];
	_ =	sdelay $0x3  }
0x34: {  	[smem:$0x3FAD] =	sst s10  }
0x35: {  	s10 =	sld [smem:$0x3FAC];
	_ =	sdelay $0x3  }
0x36: {  	p1 =	seq.s32 s10, $0x1;
	s10 =	sld [smem:$0x3FAD];
	_ =	sdelay $0x3  }
0x37: {  	[smem:$0x3FAD] =	sst s10  }
0x38: {  	s10 =	sld [smem:$0x3FAE]  }
0x39: {  	_ = 	snop;
	(pc) =	sbr.ind lr, $3  }
0x3a: {  	_ = 	snop  }
0x3b: {  	_ = 	snop  }
0x3c: {  	p2 =	seq.s32 s10, $0x1;
	s10 =	sld [smem:$0x3FAD]  }
0x3d: {  	_ =	shalt  }
0x3e: {  	_ =	shalt  }
0x3f: {  	_ =	shalt  }
0x40: {  	_ =	shalt  }
0x41: {  	_ =	shalt  }
0x42: {  	_ =	shalt  }
0x43: {  	_ =	shalt  }
0x44: {  	_ =	shalt  }
0x45: {  	_ =	shalt  }
0x46: {  	_ =	shalt  }
0x47: {  	_ =	shalt  }
0x48: {  	_ =	shalt  }
0x49: {  	_ =	shalt  }
0x4a: {  	_ =	shalt  }
0x4b: {  	_ =	shalt  }
0x4c: {  	_ =	shalt  }
0x4d: {  	_ =	shalt  }
0x4e: {  	_ =	shalt  }
0x4f: {  	_ =	shalt  }
0x50: {  	_ =	shalt  }
0x51: {  	_ =	shalt  }
0x52: {  	_ =	shalt  }
0x53: {  	_ =	shalt  }
0x54: {  	_ =	shalt  }
0x55: {  	_ =	shalt  }
0x56: {  	_ =	shalt  }
0x57: {  	_ =	shalt  }
0x58: {  	_ =	shalt  }
0x59: {  	_ =	shalt  }
0x5a: {  	_ =	shalt  }
0x5b: {  	_ =	shalt  }
0x5c: {  	_ =	shalt  }
0x5d: {  	_ =	shalt  }
0x5e: {  	_ =	shalt  }
0x5f: {  	_ =	shalt  }
0x60: {  	_ =	shalt  }
0x61: {  	_ =	shalt  }
0x62: {  	_ =	shalt  }
0x63: {  	_ =	shalt  }
0x64: {  	_ =	shalt  }
0x65: {  	_ =	shalt  }
0x66: {  	_ =	shalt  }
0x67: {  	_ =	shalt  }
0x68: {  	_ =	shalt  }
0x69: {  	_ =	shalt  }
0x6a: {  	_ =	shalt  }
0x6b: {  	_ =	shalt  }
0x6c: {  	_ =	shalt  }
0x6d: {  	_ =	shalt  }
0x6e: {  	_ =	shalt  }
0x6f: {  	_ =	shalt  }
0x70: {  	_ =	shalt  }
0x71: {  	_ =	shalt  }
0x72: {  	_ =	shalt  }
0x73: {  	_ =	shalt  }
0x74: {  	_ =	shalt  }
0x75: {  	_ =	shalt  }
0x76: {  	_ =	shalt  }
0x77: {  	_ =	shalt  }
0x78: {  	_ =	shalt  }
0x79: {  	_ =	shalt  }
0x7a: {  	_ =	shalt  }
0x7b: {  	_ =	shalt  }
0x7c: {  	_ =	shalt  }
0x7d: {  	_ =	shalt  }
0x7e: {  	_ =	shalt  }
0x7f: {  	_ =	shalt  }
0x80: {  	_ =	shalt  }
0x81: {  	_ =	shalt  }
0x82: {  	_ =	shalt  }
0x83: {  	_ =	shalt  }
0x84: {  	_ =	shalt  }
0x85: {  	_ =	shalt  }
0x86: {  	_ =	shalt  }
0x87: {  	_ =	shalt  }
.Lfunc_end0:
.L_simem_size_0:
called_computation_lowered:
.L_overlay_start_0:
0x88: {  	s2 =	sld [smem:$0x3FD9]  }
0x89: {  	s3 =	sld [smem:$0x3FFE];
	_ =	sdelay $0x1  }
0x8a: {  	s1 =	srdreg.scid  }
0x8b: {  	s0 =	sand.u32 $0x1, s1  }
0x8c: {  	s17 =	sshll.u32 s0, $0xA;
	s2 =	sadd.s32 s3, s2  }
0x8d: {  	s2 =	sadd.s32 s2, s17  }
0x8e: {  	[smem:$0x3FB9] =	sst s2  }
0x8f: {  	_ = 	snop  }
0x90: {  	s2 =	sld [smem:$0x3FC9]  }
0x91: {  	s18 =	sld [smem:$0x3FC8]  }
0x92: {  	s4 =	sld [smem:$0x3FC7]  }
0x93: {  	s5 =	sld [smem:$0x3FC6]  }
0x94: {  	s6 =	sld [smem:$0x3FD0];
	(tm) =	ssettm $0x1  }
0x95: {  	s7 =	sld [smem:$0x3FFB];
	_ =	sdelay $0x3  }
0x96: {  	_ =	strace s7  }
0x97: {  	s7 =	sld [smem:$0x3FFC];
	_ =	sdelay $0x3  }
0x98: {  	_ =	strace s7  }
0x99: {  	s7 =	sld [smem:$0x3FFD];
	_ =	sdelay $0x3  }
0x9a: {  	_ =	strace s7  }
0x9b: {  	_ =	strace $0x8FFFFFFF  }
0x9c: {  	s19 =	sld [smem:$0x3FDB];
	_ =	sdelay $0x1  }
0x9d: {  	s8 =	simm.s32 $_scs_section_size  }
0x9e: {  	s9 =	simm.s32 $_size__tile_overlayer_lowered;
	s10 =	simm.s32 $_tile_overlayer_lowered  }
0x9f: {  	s22 =	simm.s32 $0x1BFF;
	s21 =	sshll.u32 s10, $0x1;
	s7 =	sadd.s32 s8, s19  }
0xa0: {  	s11 =	simm.s32 $0x0;
	s20 =	sshll.u32 s9, $0x1;
	s9 =	sadd.s32 s21, s7  }
0xa1: {  	[timem:s11], [sflag:s22] =	dma.local [hbm:s9], s20  }
0xa2: {  	_ =	swait.ge [sflag:s22], s20  }
0xa3: {  	s8 =	ssub.s32 $0x0, s20;
	[sflag:s22] =	ssyncset.done $0x0  }
0xa4: {  	[sflag:s22] =	ssyncadd.s32 s8;
	_ =	sdelay $0x1  }
0xa5: {  	s23 =	simm.s32 $0x1B8B  }
0xa6: {  	_ =	swait.ge [sflag:s23], $0x1  }
0xa7: {  	[sflag:s23] =	ssyncset.done $0x0  }
0xa8: {  	s25 =	simm.s32 $0x1B8E;
	s24 =	sld [smem:$0x3FFE];
	[sflag:s23] =	ssyncadd.s32 $0xFFFFFFFF  }
0xa9: {  	s26 =	simm.s32 $execute0_lowered;
	[smem:$0x3FD2] =	sst s25  }
0xaa: {  	s9 =	sshll.u32 s26, $0x1;
	_ =	strace $0x80000046;
	[dreg:$0x1] =	wrdreg $0xFFFFFFFF  }
0xab: {  	s28 =	simm.s32 $_size_execute0_lowered;
	s7 =	sadd.s32 s7, s9;
	[dreg:$0x0] =	wrdreg $0x0  }
0xac: {  	s9 =	sshll.u32 s28, $0x1;
	[dreg:$0x2] =	wrdreg s7  }
0xad: {  	[dreg:$0x3] =	wrdreg s9  }
0xae: {  	[dreg:$0x4] =	wrdreg $0xC0  }
0xaf: {  	_ =	task [dreg:s11], $0x5FFFF  }
0xb0: {  	[dreg:$0x1] =	wrdreg $0xFFFFFFFF  }
0xb1: {  	[dreg:$0x0] =	wrdreg $0x60  }
0xb2: {  	[dreg:$0x2] =	wrdreg s2  }
0xb3: {  	[dreg:$0x3] =	wrdreg s18  }
0xb4: {  	[dreg:$0x4] =	wrdreg s4  }
0xb5: {  	[dreg:$0x5] =	wrdreg s5  }
0xb6: {  	[dreg:$0x6] =	wrdreg s24  }
0xb7: {  	[dreg:$0x7] =	wrdreg s6  }
0xb8: {  	[dreg:$0x8] =	wrdreg $0x86000  }
0xb9: {  	[dreg:$0x9] =	wrdreg $0x9  }
0xba: {  	_ =	task.clear_ibuf [dreg:s11], $0xAFFFF;
	_ =	strace $0x90000046  }
0xbb: {  	s29 =	simm.s32 $0x9;
	_ =	strace $0x80000048  }
0xbc: {  	_ =	swait.ge [sflag:s29], $0x1  }
0xbd: {  	[sflag:s29] =	ssyncadd.s32 $0xFFFFFFFF  }
0xbe: {  	_ =	strace $0x90000048  }
0xbf: {  	_ =	sfence  }
0xc0: {  	s30 =	sld [smem:$0x0];
	_ =	sdelay $0x2  }
0xc1: {  	s31 =	sshll.u32 s1, $0xD;
	s1 =	sshrl.u32 s1, $0x2  }
0xc2: {  	s3 =	sand.u32 $0x4000, s31;
	s1 =	sadd.s32 s1, s30  }
0xc3: {  	s0 =	sor.u32 s3, s0;
	s1 =	sshll.u32 s1, $0x11  }
0xc4: {  	s0 =	sor.u32 s1, s0  }
0xc5: {  	s0 =	sadd.s32 $0x8F2B, s0  }
0xc6: {  	[sflag:s0] =	ssyncadd.remote.s32 $0x1  }
0xc7: {  	_ =	sfence.sel $0xFFFF  }
0xc8: {  	[dreg:$0x0] =	wrdreg $0xFFFFFFFF;
	(pc) =	sbr.abs _section_cstart, $3  }
0xc9: {  	[dreg:$0x1] =	wrdreg $0xFFFFFFFF  }
0xca: {  	_ =	task.clear_ibuf [dreg:s11], $0x2FFFF;
	_ =	strace $0x9FFFFFFF  }
0xcb: {  	(tm) =	ssettm $0x7FFFFFFF  }
tec
execute0_lowered:
.L_overlay_start_1:
0x0: {  	(tag) =	ssettag $0x1  }
0x1: {  	s0 =	rddreg [dreg:$0x0]  }
0x2: {  	s1 =	rddreg [dreg:$0x1]  }
0x3: {  	s3 =	rddreg [dreg:$0x2]  }
0x4: {  	s2 =	rddreg [dreg:$0x3]  }
0x5: {  	s5 =	rddreg [dreg:$0x4]  }
0x6: {  	s9 =	rddreg [dreg:$0x5]  }
0x7: {  	s4 =	rddreg [dreg:$0x6]  }
0x8: {  	s6 =	srdreg.scid;
	s19 =	stileid.u32;
	s28 =	simm.s32 $0x4  }
0x9: {  	s29 =	simm.s32 $0x100;
	s10 =	sand.u32 $0x1, s6;
	s6 =	simm.s32 $0x0  }
0xa: {  	s8 =	smul.u32 $0x2800, s19;
	s11 =	sadd.s32 $0x1DA00, s5;
	s12 =	sadd.s32 $0x27800, s5  }
0xb: {  	s14 =	sadd.s32 $0x13C00, s5;
	s15 =	sadd.s32 $0x9E00, s5;
	s23 =	ssub.s32 $0x8C, s19  }
0xc: {  	s31 =	sshll.u32 s19, $0xB;
	s7 =	smul.u32 $0x138800, s10;
	[smem:$0x7FF] =	sst s6  }
0xd: {  	s21 =	ssub.s32 $0x2, s10;
	s13 =	sshll.u32 s10, $0x4;
	s30 =	sshll.u32 s10, $0xF  }
0xe: {  	_ =	strace $0x80000047;
	s22 =	sshrl.u32 s21, $0x1;
	s13 =	sor.u32 s19, s13  }
0xf: {  	s2 =	sadd.s32 s30, s2;
	s7 =	sadd.s32 s8, s7;
	s16 =	ssub.s32 s21, s22  }
0x10: {  	s24 =	ssub.s32 $0x9E3, s13;
	s17 =	sshll.u32 s13, $0x4;
	s21 =	smul.u32 $0xA000, s19  }
0x11: {  	s7 =	sshrl.u32 s7, $0x3;
	s8 =	sshrl.u32 s24, $0x5;
	s13 =	sadd.s32 s5, s17  }
0x12: {  	s26 =	sadd.s32 s9, s17;
	s18 =	sadd.s32 s11, s17;
	[dreg:$0x9] =	wrdreg s13  }
0x13: {  	s20 =	sadd.s32 s12, s17;
	s22 =	sadd.s32 s14, s17;
	[dreg:$0xa] =	wrdreg s26  }
0x14: {  	s24 =	sshll.u32 s10, $0x8;
	s25 =	sadd.s32 s7, s5;
	[dreg:$0xb] =	wrdreg s18  }
0x15: {  	s7 =	sshrl.u32 s23, $0x4;
	[dreg:$0xc] =	wrdreg s20;
	s13 =	sadd.s32 s31, s2  }
0x16: {  	[dreg:$0xd] =	wrdreg s22;
	s23 =	sadd.s32 s15, s17;
	s26 =	smax.u32 s16, $0x1  }
0x17: {  	s30 =	sshrl.u32 s21, $0x2;
	s5 =	sadd.s32 s24, s5;
	s9 =	sadd.s32 s24, s9  }
0x18: {  	s11 =	sadd.s32 s24, s11;
	s12 =	sadd.s32 s24, s12;
	s14 =	sadd.s32 s24, s14  }
0x19: {  	s2 =	sadd.s32 s24, s15;
	s31 =	sshll.u32 s19, $0x4;
	[dreg:$0xe] =	wrdreg s23  }
0x1a: {  	[dreg:$0xf] =	wrdreg s26;
	s17 =	sadd.s32 s31, s5;
	s18 =	sadd.s32 s31, s9  }
0x1b: {  	s19 =	sadd.s32 s31, s11;
	s20 =	sadd.s32 s31, s12;
	s21 =	sadd.s32 s31, s14  }
0x1c: {  	s22 =	sadd.s32 s31, s2;
	[dreg:$0x8] =	wrdreg s7;
	s23 =	smul.u32 $0xA0000, s7  }
0x1d: {  	v0 =	vimm.f32 $0.0e+00;
	s24 =	sadd.s32 s30, s4;
	s25 =	sadd.s32 $0x31600, s25;
	s26 =	simm.s32 $0x8200  }
.LBB2_1:
0x1e: {  	[tilespmem:$0x8200] =	vst v0  }
0x1f: {  	[tilespmem:$0x8210] =	vst v0  }
0x20: {  	[tilespmem:$0x8220] =	vst v0  }
0x21: {  	[tilespmem:$0x8230] =	vst v0  }
0x22: {  	[tilespmem:$0x8240] =	vst v0  }
0x23: {  	[tilespmem:$0x8250] =	vst v0  }
0x24: {  	[tilespmem:$0x8260] =	vst v0  }
0x25: {  	[tilespmem:$0x8270] =	vst v0  }
0x26: {  	[tilespmem:$0x8280] =	vst v0  }
0x27: {  	[tilespmem:$0x8290] =	vst v0  }
0x28: {  	[tilespmem:$0x82A0] =	vst v0  }
0x29: {  	[tilespmem:$0x82B0] =	vst v0  }
0x2a: {  	[tilespmem:$0x82C0] =	vst v0  }
0x2b: {  	[tilespmem:$0x82D0] =	vst v0  }
0x2c: {  	[tilespmem:$0x82E0] =	vst v0  }
0x2d: {  	[tilespmem:$0x82F0] =	vst v0  }
0x2e: {  	[tilespmem:$0x8300] =	vst v0  }
0x2f: {  	[tilespmem:$0x8310] =	vst v0  }
0x30: {  	[tilespmem:$0x8320] =	vst v0  }
0x31: {  	[tilespmem:$0x8330] =	vst v0  }
0x32: {  	[tilespmem:$0x8340] =	vst v0  }
0x33: {  	[tilespmem:$0x8350] =	vst v0  }
0x34: {  	[tilespmem:$0x8360] =	vst v0  }
0x35: {  	[tilespmem:$0x8370] =	vst v0  }
0x36: {  	[tilespmem:$0x8380] =	vst v0  }
0x37: {  	[tilespmem:$0x8390] =	vst v0  }
0x38: {  	[tilespmem:$0x83A0] =	vst v0  }
0x39: {  	[tilespmem:$0x83B0] =	vst v0  }
0x3a: {  	[tilespmem:$0x83C0] =	vst v0  }
0x3b: {  	[tilespmem:$0x83D0] =	vst v0  }
0x3c: {  	[tilespmem:$0x83E0] =	vst v0  }
0x3d: {  	[tilespmem:$0x83F0] =	vst v0  }
0x3e: {  	[tilespmem:$0x8400] =	vst v0  }
0x3f: {  	[tilespmem:$0x8410] =	vst v0  }
0x40: {  	[tilespmem:$0x8420] =	vst v0  }
0x41: {  	[tilespmem:$0x8430] =	vst v0  }
0x42: {  	[tilespmem:$0x8440] =	vst v0  }
0x43: {  	[tilespmem:$0x8450] =	vst v0  }
0x44: {  	[tilespmem:$0x8460] =	vst v0  }
0x45: {  	[tilespmem:$0x8470] =	vst v0  }
0x46: {  	[tilespmem:$0x8480] =	vst v0  }
0x47: {  	[tilespmem:$0x8490] =	vst v0  }
0x48: {  	[tilespmem:$0x84A0] =	vst v0  }
0x49: {  	[tilespmem:$0x84B0] =	vst v0  }
0x4a: {  	[tilespmem:$0x84C0] =	vst v0  }
0x4b: {  	[tilespmem:$0x84D0] =	vst v0  }
0x4c: {  	[tilespmem:$0x84E0] =	vst v0  }
0x4d: {  	[tilespmem:$0x84F0] =	vst v0  }
0x4e: {  	[tilespmem:$0x8500] =	vst v0  }
0x4f: {  	[tilespmem:$0x8510] =	vst v0  }
0x50: {  	[tilespmem:$0x8520] =	vst v0  }
0x51: {  	[tilespmem:$0x8530] =	vst v0  }
0x52: {  	[tilespmem:$0x8540] =	vst v0  }
0x53: {  	[tilespmem:$0x8550] =	vst v0  }
0x54: {  	[tilespmem:$0x8560] =	vst v0  }
0x55: {  	[tilespmem:$0x8570] =	vst v0  }
0x56: {  	[tilespmem:$0x8580] =	vst v0  }
0x57: {  	[tilespmem:$0x8590] =	vst v0  }
0x58: {  	[tilespmem:$0x85A0] =	vst v0;
	p1 =	sne.s32 s23, $0xA0000  }
.Ltmp0:
0x59: {  	[tilespmem:$0x85B0] =	vst v0;
	(pc) =	sbr.rel @!p1 .LBB2_4-.Ltmp0, $4  }
0x5a: {  	[tilespmem:$0x85C0] =	vst v0  }
0x5b: {  	[tilespmem:$0x85D0] =	vst v0  }
0x5c: {  	[tilespmem:$0x85E0] =	vst v0  }
0x5d: {  	[tilespmem:$0x85F0] =	vst v0;
	s5 =	simm.s32 $0x0;
	p0 =	por $0x0, $0x0  }
0x5e: {  	s2 =	sadd.s32 $0x0, s24  }
0x5f: {  	[spmem:s2] =	stream.linear.scatter [tilespmem:s26], [sflag:$0x4], $0x400, $0x38;
	[tilespmem:$0x1BE80] =	vst v63  }
0x60: {  	_ =	swait.ge [sflag:s28], $0x400  }
0x61: {  	[sflag:s28] =	ssyncset.done $0x0  }
0x62: {  	s5 =	sadd.s32 $0x400, s2;
	[sflag:s28] =	ssyncadd.s32 $0xFFFFFC00  }
0x63: {  	[spmem:s5] =	stream.linear.scatter [tilespmem:s26], [sflag:$0x4], $0x400, $0x38;
	[tilespmem:$0x1BE80] =	vst v63  }
0x64: {  	_ =	swait.ge [sflag:s28], $0x400  }
0x65: {  	[sflag:s28] =	ssyncset.done $0x0  }
0x66: {  	s11 =	sadd.s32 $0x800, s2;
	[sflag:s28] =	ssyncadd.s32 $0xFFFFFC00  }
0x67: {  	[spmem:s11] =	stream.linear.scatter [tilespmem:s26], [sflag:$0x4], $0x400, $0x38;
	[tilespmem:$0x1BE80] =	vst v63  }
0x68: {  	_ =	swait.ge [sflag:s28], $0x400  }
0x69: {  	[sflag:s28] =	ssyncset.done $0x0  }
0x6a: {  	s12 =	sadd.s32 $0xC00, s2;
	[sflag:s28] =	ssyncadd.s32 $0xFFFFFC00  }
0x6b: {  	[spmem:s12] =	stream.linear.scatter [tilespmem:s26], [sflag:$0x4], $0x400, $0x38;
	[tilespmem:$0x1BE80] =	vst v63  }
0x6c: {  	_ =	swait.ge [sflag:s28], $0x400  }
0x6d: {  	[sflag:s28] =	ssyncset.done $0x0  }
0x6e: {  	s14 =	sadd.s32 $0x1000, s2;
	[sflag:s28] =	ssyncadd.s32 $0xFFFFFC00  }
0x6f: {  	[spmem:s14] =	stream.linear.scatter [tilespmem:s26], [sflag:$0x4], $0x400, $0x38;
	[tilespmem:$0x1BE80] =	vst v63  }
0x70: {  	_ =	swait.ge [sflag:s28], $0x400  }
0x71: {  	[sflag:s28] =	ssyncset.done $0x0  }
0x72: {  	s15 =	sadd.s32 $0x1400, s2;
	[sflag:s28] =	ssyncadd.s32 $0xFFFFFC00  }
0x73: {  	[spmem:s15] =	stream.linear.scatter [tilespmem:s26], [sflag:$0x4], $0x400, $0x38;
	[tilespmem:$0x1BE80] =	vst v63  }
0x74: {  	_ =	swait.ge [sflag:s28], $0x400  }
0x75: {  	[sflag:s28] =	ssyncset.done $0x0  }
0x76: {  	s16 =	sadd.s32 $0x1800, s2;
	[sflag:s28] =	ssyncadd.s32 $0xFFFFFC00  }
0x77: {  	[spmem:s16] =	stream.linear.scatter [tilespmem:s26], [sflag:$0x4], $0x400, $0x38;
	[tilespmem:$0x1BE80] =	vst v63  }
0x78: {  	_ =	swait.ge [sflag:s28], $0x400  }
0x79: {  	[sflag:s28] =	ssyncset.done $0x0  }
0x7a: {  	s30 =	sadd.s32 $0x1C00, s2;
	[sflag:s28] =	ssyncadd.s32 $0xFFFFFC00  }
0x7b: {  	[spmem:s30] =	stream.linear.scatter [tilespmem:s26], [sflag:$0x4], $0x400, $0x38;
	[tilespmem:$0x1BE80] =	vst v63  }
0x7c: {  	_ =	swait.ge [sflag:s28], $0x400  }
0x7d: {  	[sflag:s28] =	ssyncset.done $0x0  }
0x7e: {  	s31 =	sadd.s32 $0x2000, s2;
	[sflag:s28] =	ssyncadd.s32 $0xFFFFFC00  }
0x7f: {  	[spmem:s31] =	stream.linear.scatter [tilespmem:s26], [sflag:$0x4], $0x400, $0x38;
	[tilespmem:$0x1BE80] =	vst v63  }
0x80: {  	p1 =	sne.s32 s23, $0x140000;
	_ =	swait.ge [sflag:s28], $0x400  }
.Ltmp1:
0x81: {  	[sflag:s28] =	ssyncset.done $0x0;
	(pc) =	sbr.rel @!p1 .LBB2_4-.Ltmp1, $4  }
0x82: {  	s2 =	sadd.s32 $0x2400, s2;
	[sflag:s28] =	ssyncadd.s32 $0xFFFFFC00  }
0x83: {  	[spmem:s2] =	stream.linear.scatter [tilespmem:s26], [sflag:$0x4], $0x400, $0x38;
	[tilespmem:$0x1BE80] =	vst v63  }
0x84: {  	p0 =	por $0x1, $0x1;
	_ =	swait.ge [sflag:s28], $0x400  }
0x85: {  	s5 =	simm.s32 $0x28000;
	s2 =	simm.s32 $0x140000;
	[sflag:s28] =	ssyncset.done $0x0  }
.LBB2_3:
0x86: {  	s9 =	sadd.s32 s5, s24  }
0x87: {  	[sflag:s28] =	ssyncadd.s32 $0xFFFFFC00;
	s5 =	smov.u32 s2;
	s2 =	sadd.s32 $0xA0000, s2  }
0x88: {  	[spmem:s9] =	stream.linear.scatter [tilespmem:s26], [sflag:$0x4], $0x400, $0x38;
	[tilespmem:$0x1BE80] =	vst v63  }
0x89: {  	p1 =	sne.s32 s23, s2;
	_ =	swait.ge [sflag:s28], $0x400  }
0x8a: {  	[sflag:s28] =	ssyncset.done $0x0  }
0x8b: {  	s10 =	sadd.s32 $0x400, s9;
	[sflag:s28] =	ssyncadd.s32 $0xFFFFFC00  }
0x8c: {  	[spmem:s10] =	stream.linear.scatter [tilespmem:s26], [sflag:$0x4], $0x400, $0x38;
	[tilespmem:$0x1BE80] =	vst v63  }
0x8d: {  	_ =	swait.ge [sflag:s28], $0x400  }
0x8e: {  	[sflag:s28] =	ssyncset.done $0x0  }
0x8f: {  	s10 =	sadd.s32 $0x800, s9;
	[sflag:s28] =	ssyncadd.s32 $0xFFFFFC00  }
0x90: {  	[spmem:s10] =	stream.linear.scatter [tilespmem:s26], [sflag:$0x4], $0x400, $0x38;
	[tilespmem:$0x1BE80] =	vst v63  }
0x91: {  	_ =	swait.ge [sflag:s28], $0x400  }
0x92: {  	[sflag:s28] =	ssyncset.done $0x0  }
0x93: {  	s10 =	sadd.s32 $0xC00, s9;
	[sflag:s28] =	ssyncadd.s32 $0xFFFFFC00  }
0x94: {  	[spmem:s10] =	stream.linear.scatter [tilespmem:s26], [sflag:$0x4], $0x400, $0x38;
	[tilespmem:$0x1BE80] =	vst v63  }
0x95: {  	_ =	swait.ge [sflag:s28], $0x400  }
0x96: {  	[sflag:s28] =	ssyncset.done $0x0  }
0x97: {  	s10 =	sadd.s32 $0x1000, s9;
	[sflag:s28] =	ssyncadd.s32 $0xFFFFFC00  }
0x98: {  	[spmem:s10] =	stream.linear.scatter [tilespmem:s26], [sflag:$0x4], $0x400, $0x38;
	[tilespmem:$0x1BE80] =	vst v63  }
0x99: {  	_ =	swait.ge [sflag:s28], $0x400  }
0x9a: {  	[sflag:s28] =	ssyncset.done $0x0  }
0x9b: {  	s10 =	sadd.s32 $0x1400, s9;
	[sflag:s28] =	ssyncadd.s32 $0xFFFFFC00  }
0x9c: {  	[spmem:s10] =	stream.linear.scatter [tilespmem:s26], [sflag:$0x4], $0x400, $0x38;
	[tilespmem:$0x1BE80] =	vst v63  }
0x9d: {  	_ =	swait.ge [sflag:s28], $0x400  }
0x9e: {  	[sflag:s28] =	ssyncset.done $0x0  }
0x9f: {  	s10 =	sadd.s32 $0x1800, s9;
	[sflag:s28] =	ssyncadd.s32 $0xFFFFFC00  }
0xa0: {  	[spmem:s10] =	stream.linear.scatter [tilespmem:s26], [sflag:$0x4], $0x400, $0x38;
	[tilespmem:$0x1BE80] =	vst v63  }
0xa1: {  	_ =	swait.ge [sflag:s28], $0x400  }
0xa2: {  	[sflag:s28] =	ssyncset.done $0x0  }
0xa3: {  	s10 =	sadd.s32 $0x1C00, s9;
	[sflag:s28] =	ssyncadd.s32 $0xFFFFFC00  }
0xa4: {  	[spmem:s10] =	stream.linear.scatter [tilespmem:s26], [sflag:$0x4], $0x400, $0x38;
	[tilespmem:$0x1BE80] =	vst v63  }
0xa5: {  	_ =	swait.ge [sflag:s28], $0x400  }
0xa6: {  	[sflag:s28] =	ssyncset.done $0x0  }
0xa7: {  	s10 =	sadd.s32 $0x2000, s9;
	[sflag:s28] =	ssyncadd.s32 $0xFFFFFC00  }
0xa8: {  	[spmem:s10] =	stream.linear.scatter [tilespmem:s26], [sflag:$0x4], $0x400, $0x38;
	[tilespmem:$0x1BE80] =	vst v63  }
0xa9: {  	_ =	swait.ge [sflag:s28], $0x400  }
.Ltmp2:
0xaa: {  	[sflag:s28] =	ssyncset.done $0x0;
	(pc) =	sbr.rel @p1 .LBB2_3-.Ltmp2, $4  }
0xab: {  	s9 =	sadd.s32 $0x2400, s9;
	[sflag:s28] =	ssyncadd.s32 $0xFFFFFC00  }
0xac: {  	[spmem:s9] =	stream.linear.scatter [tilespmem:s26], [sflag:$0x4], $0x400, $0x38;
	[tilespmem:$0x1BE80] =	vst v63  }
0xad: {  	_ =	swait.ge [sflag:s28], $0x400  }
0xae: {  	s5 =	sshra.s32 s5, $0x2;
	[sflag:s28] =	ssyncset.done $0x0  }
.LBB2_4:
0xaf: {  	s2 =	sadd.s32 s5, s24;
	[sflag:s28] =	ssyncadd.s32 @p0 $0xFFFFFC00  }
0xb0: {  	[spmem:s2] =	stream.linear.scatter [tilespmem:s26], [sflag:$0x4], $0x400, $0x38;
	[tilespmem:$0x1BE80] =	vst v63  }
0xb1: {  	_ =	swait.ge [sflag:s28], $0x400  }
0xb2: {  	[sflag:s28] =	ssyncset.done $0x0  }
0xb3: {  	s5 =	sadd.s32 $0x400, s2;
	[sflag:s28] =	ssyncadd.s32 $0xFFFFFC00  }
0xb4: {  	[spmem:s5] =	stream.linear.scatter [tilespmem:s26], [sflag:$0x4], $0x400, $0x38;
	[tilespmem:$0x1BE80] =	vst v63  }
0xb5: {  	_ =	swait.ge [sflag:s28], $0x400  }
0xb6: {  	[sflag:s28] =	ssyncset.done $0x0  }
0xb7: {  	s15 =	sadd.s32 $0x800, s2;
	[sflag:s28] =	ssyncadd.s32 $0xFFFFFC00  }
0xb8: {  	[spmem:s15] =	stream.linear.scatter [tilespmem:s26], [sflag:$0x4], $0x400, $0x38;
	[tilespmem:$0x1BE80] =	vst v63  }
0xb9: {  	_ =	swait.ge [sflag:s28], $0x400  }
0xba: {  	[sflag:s28] =	ssyncset.done $0x0  }
0xbb: {  	s16 =	sadd.s32 $0xC00, s2;
	[sflag:s28] =	ssyncadd.s32 $0xFFFFFC00  }
0xbc: {  	[spmem:s16] =	stream.linear.scatter [tilespmem:s26], [sflag:$0x4], $0x400, $0x38;
	[tilespmem:$0x1BE80] =	vst v63  }
0xbd: {  	_ =	swait.ge [sflag:s28], $0x400  }
0xbe: {  	[sflag:s28] =	ssyncset.done $0x0  }
0xbf: {  	s7 =	sadd.s32 $0x1000, s2;
	[sflag:s28] =	ssyncadd.s32 $0xFFFFFC00  }
0xc0: {  	[spmem:s7] =	stream.linear.scatter [tilespmem:s26], [sflag:$0x4], $0x400, $0x38;
	[tilespmem:$0x1BE80] =	vst v63  }
0xc1: {  	_ =	swait.ge [sflag:s28], $0x400  }
0xc2: {  	[sflag:s28] =	ssyncset.done $0x0  }
0xc3: {  	s9 =	sadd.s32 $0x1400, s2;
	[sflag:s28] =	ssyncadd.s32 $0xFFFFFC00  }
0xc4: {  	[spmem:s9] =	stream.linear.scatter [tilespmem:s26], [sflag:$0x4], $0x400, $0x38;
	[tilespmem:$0x1BE80] =	vst v63  }
0xc5: {  	_ =	swait.ge [sflag:s28], $0x400  }
0xc6: {  	[sflag:s28] =	ssyncset.done $0x0  }
0xc7: {  	s10 =	sadd.s32 $0x1800, s2;
	[sflag:s28] =	ssyncadd.s32 $0xFFFFFC00  }
0xc8: {  	[spmem:s10] =	stream.linear.scatter [tilespmem:s26], [sflag:$0x4], $0x400, $0x38;
	[tilespmem:$0x1BE80] =	vst v63  }
0xc9: {  	_ =	swait.ge [sflag:s28], $0x400  }
0xca: {  	[sflag:s28] =	ssyncset.done $0x0  }
0xcb: {  	s11 =	sadd.s32 $0x1C00, s2;
	[sflag:s28] =	ssyncadd.s32 $0xFFFFFC00  }
0xcc: {  	[spmem:s11] =	stream.linear.scatter [tilespmem:s26], [sflag:$0x4], $0x400, $0x38;
	[tilespmem:$0x1BE80] =	vst v63  }
0xcd: {  	_ =	swait.ge [sflag:s28], $0x400  }
0xce: {  	[sflag:s28] =	ssyncset.done $0x0  }
0xcf: {  	s12 =	sadd.s32 $0x2000, s2;
	[sflag:s28] =	ssyncadd.s32 $0xFFFFFC00  }
0xd0: {  	[spmem:s12] =	stream.linear.scatter [tilespmem:s26], [sflag:$0x4], $0x400, $0x38;
	[tilespmem:$0x1BE80] =	vst v63  }
0xd1: {  	_ =	swait.ge [sflag:s28], $0x400  }
0xd2: {  	[sflag:s28] =	ssyncset.done $0x0  }
0xd3: {  	s2 =	sadd.s32 $0x2400, s2;
	[sflag:s28] =	ssyncadd.s32 $0xFFFFFC00  }
0xd4: {  	[spmem:s2] =	stream.linear.scatter [tilespmem:s26], [sflag:$0x4], $0x400, $0x38;
	[tilespmem:$0x1BE80] =	vst v63  }
0xd5: {  	_ =	swait.ge [sflag:s28], $0x400  }
0xd6: {  	[sflag:s28] =	ssyncset.done $0x0  }
0xd7: {  	[sflag:s28] =	ssyncadd.s32 $0xFFFFFC00  }
0xd8: {  	[bflag:$0x0] =	sbarrier.arrive $0xFFFF  }
0xd9: {  	s14 =	simm.s32 $0x0;
	s15 =	rddreg [dreg:$0x9]  }
0xda: {  	[tilespmem:s14], [sflag:$0x4] =	stream.linear.gather [hbm4b:s15+s14], $0x80, $0x38;
	[tilespmem:$0x1BE80] =	vst v63  }
0xdb: {  	_ =	swait.ge [sflag:s28], $0x80  }
0xdc: {  	[sflag:s28] =	ssyncset.done $0x0  }
0xdd: {  	p0 =	por $0x1, $0x1;
	s16 =	rddreg [dreg:$0xa];
	[sflag:s28] =	ssyncadd.s32 $0xFFFFFF80  }
0xde: {  	[tilespmem:s29], [sflag:$0x4] =	stream.linear.gather [hbm4b:s16+s14], $0x80, $0x38;
	[tilespmem:$0x1BE80] =	vst v63  }
0xdf: {  	p1 =	sle.u32 @!p0 s8, $0x0;
	_ =	swait.ge [sflag:s28], $0x80  }
0xe0: {  	p1 =	por p1, p0;
	[sflag:s28] =	ssyncset.done $0x0  }
0xe1: {  	s9 =	simm.s32 @!p1 $0x1;
	[sflag:s28] =	ssyncadd.s32 $0xFFFFFF80  }
0xe2: {  	_ =	swait.ge @!p1 [sflag:s9], $0x80  }
0xe3: {  	p0 =	sle.u32 s8, $0x1;
	[sflag:s9] =	ssyncset.done @!p1 $0x0  }
0xe4: {  	s5 =	sadd.s32 @!p0 $0x0, s17;
	[sflag:s9] =	ssyncadd.s32 @!p1 $0xFFFFFF80  }
0xe5: {  	s10 =	sadd.s32 @!p0 $0x200, s5;
	_ =	swait.ge @!p1 [sflag:s9], $0x80  }
0xe6: {  	s5 =	simm.s32 @!p0 $0x80;
	s2 =	simm.s32 @!p0 $0x0;
	[sflag:s9] =	ssyncset.done @!p1 $0x0  }
0xe7: {  	[sflag:s9] =	ssyncadd.s32 @!p1 $0xFFFFFF80;
	s9 =	sadd.s32 @!p0 $0x0, s18;
	p1 =	sle.u32 s8, $0x0  }
0xe8: {  	[tilespmem:s5], [sflag:$0x2] =	stream.linear.gather @!p0 [hbm4b:s10+s2], $0x80, $0x38;
	[tilespmem:$0x1BE80] =	vst v63  }
0xe9: {  	s9 =	sadd.s32 @!p0 $0x200, s9;
	s10 =	simm.s32 @!p0 $0x180;
	s11 =	simm.s32 @!p1 $0x80  }
0xea: {  	[tilespmem:s10], [sflag:$0x2] =	stream.linear.gather @!p0 [hbm4b:s9+s2], $0x80, $0x38;
	[tilespmem:$0x1BE80] =	vst v63  }
0xeb: {  	s12 =	simm.s32 @!p1 $0x200;
	s14 =	simm.s32 @!p1 $0x3;
	s9 =	simm.s32 @!p1 $0x0  }
0xec: {  	[tilespmem:s12], [sflag:$0x3] =	stream.indirect.gather @!p1 [hbm4b:s0+s11], $0x80, s9, s11, $0xb8;
	[tilespmem:$0x1BE80] =	vst v63  }
0xed: {  	_ =	swait.ge @!p1 [sflag:s14], $0x4000  }
0xee: {  	[sflag:s14] =	ssyncset.done @!p1 $0x0  }
0xef: {  	s15 =	simm.s32 @!p1 $0x100;
	[sflag:s14] =	ssyncadd.s32 @!p1 $0xFFFFC000;
	s14 =	simm.s32 @!p1 $0x5  }
0xf0: {  	[spmem:s4] =	stream.indirect.scatter.add.f32 @!p1 [tilespmem:s12], [sflag:$0x5], $0x80, s15, s11, $0xb8;
	[tilespmem:$0x1BE80] =	vst v63  }
0xf1: {  	_ =	swait.ge @!p1 [sflag:s14], $0x4000  }
0xf2: {  	[sflag:s14] =	ssyncset.done @!p1 $0x0  }
0xf3: {  	s12 =	simm.s32 @!p1 $0x4200;
	[sflag:s14] =	ssyncadd.s32 @!p1 $0xFFFFC000  }
0xf4: {  	[tilespmem:s12], [sflag:$0x5] =	stream.linear.gather @!p1 [hbm4b:s13+s9], $0x4000, $0x38;
	[tilespmem:$0x1BE80] =	vst v63  }
0xf5: {  	_ =	swait.ge @!p1 [sflag:s14], $0x4000  }
0xf6: {  	[sflag:s14] =	ssyncset.done @!p1 $0x0  }
0xf7: {  	[sflag:s14] =	ssyncadd.s32 @!p1 $0xFFFFC000  }
0xf8: {  	[spmem:s4] =	stream.indirect.scatter.add.f32 @!p1 [tilespmem:s12], [sflag:$0x5], $0x80, s15, s11, $0xb8;
	[tilespmem:$0x1BE80] =	vst v63  }
0xf9: {  	_ =	swait.ge @!p1 [sflag:s14], $0x4000  }
0xfa: {  	[sflag:s14] =	ssyncset.done @!p1 $0x0  }
0xfb: {  	s9 =	simm.s32 @!p0 $0x2;
	[sflag:s14] =	ssyncadd.s32 @!p1 $0xFFFFC000  }
0xfc: {  	_ =	swait.ge @!p0 [sflag:s9], $0x80  }
0xfd: {  	[sflag:s9] =	ssyncset.done @!p0 $0x0  }
0xfe: {  	[sflag:s9] =	ssyncadd.s32 @!p0 $0xFFFFFF80  }
0xff: {  	p1 =	sle.u32 s8, $0x2;
	_ =	swait.ge @!p0 [sflag:s9], $0x80  }
0x100: {  	s11 =	sadd.s32 @!p1 $0x0, s17;
	s12 =	sadd.s32 @!p1 $0x0, s18;
	[sflag:s9] =	ssyncset.done @!p0 $0x0  }
0x101: {  	s14 =	simm.s32 @!p1 $0x0;
	s11 =	sadd.s32 @!p1 $0x400, s11;
	[sflag:s9] =	ssyncadd.s32 @!p0 $0xFFFFFF80  }
0x102: {  	[tilespmem:s14], [sflag:$0x1] =	stream.linear.gather @!p1 [hbm4b:s11+s14], $0x80, $0x38;
	[tilespmem:$0x1BE80] =	vst v63  }
0x103: {  	s9 =	sadd.s32 @!p1 $0x400, s12;
	s11 =	simm.s32 @!p1 $0x100  }
0x104: {  	[tilespmem:s11], [sflag:$0x1] =	stream.linear.gather @!p1 [hbm4b:s9+s14], $0x80, $0x38;
	[tilespmem:$0x1BE80] =	vst v63  }
0x105: {  	s9 =	simm.s32 @!p0 $0x200;
	s11 =	simm.s32 @!p0 $0x3  }
0x106: {  	[tilespmem:s9], [sflag:$0x3] =	stream.indirect.gather @!p0 [hbm4b:s0+s5], $0x80, s5, s5, $0xb8;
	[tilespmem:$0x1BE80] =	vst v63  }
0x107: {  	_ =	swait.ge @!p0 [sflag:s11], $0x4000  }
0x108: {  	[sflag:s11] =	ssyncset.done @!p0 $0x0  }
0x109: {  	s12 =	simm.s32 @!p0 $0x5;
	[sflag:s11] =	ssyncadd.s32 @!p0 $0xFFFFC000  }
0x10a: {  	[spmem:s4] =	stream.indirect.scatter.add.f32 @!p0 [tilespmem:s9], [sflag:$0x5], $0x80, s10, s5, $0xb8;
	[tilespmem:$0x1BE80] =	vst v63  }
0x10b: {  	_ =	swait.ge @!p0 [sflag:s12], $0x4000  }
0x10c: {  	[sflag:s12] =	ssyncset.done @!p0 $0x0  }
0x10d: {  	s11 =	simm.s32 @!p0 $0x4200;
	s9 =	sadd.s32 @!p0 $0x10000, s13;
	[sflag:s12] =	ssyncadd.s32 @!p0 $0xFFFFC000  }
0x10e: {  	[tilespmem:s11], [sflag:$0x5] =	stream.linear.gather @!p0 [hbm4b:s9+s2], $0x4000, $0x38;
	[tilespmem:$0x1BE80] =	vst v63  }
0x10f: {  	_ =	swait.ge @!p0 [sflag:s12], $0x4000  }
0x110: {  	s31 =	simm.s32 $0x2;
	p3 =	por $0x0, $0x0;
	[sflag:s12] =	ssyncset.done @!p0 $0x0  }
0x111: {  	s30 =	sadd.s32 $0x20000, s13;
	p4 =	sle.u32 @!p3 s8, $0x2;
	[sflag:s12] =	ssyncadd.s32 @!p0 $0xFFFFC000  }
0x112: {  	[spmem:s4] =	stream.indirect.scatter.add.f32 @!p0 [tilespmem:s11], [sflag:$0x4], $0x80, s10, s5, $0xb8;
	[tilespmem:$0x1BE80] =	vst v63  }
0x113: {  	s2 =	simm.s32 $0x400;
	s5 =	simm.s32 $0x800;
	s10 =	simm.s32 @!p0 $0x4  }
.LBB2_5:
0x114: {  	p2 =	por p4, p3  }
0x115: {  	_ =	swait.ge @!p0 [sflag:s10], $0x4000;
	s12 =	smov.u32 s5;
	s5 =	sadd.s32 $0x400, s5  }
0x116: {  	p1 =	sne.s32 s5, $0xA000;
	s11 =	simm.s32 @!p2 $0x1;
	[sflag:s10] =	ssyncset.done @!p0 $0x0  }
0x117: {  	[sflag:s10] =	ssyncadd.s32 @!p0 $0xFFFFC000  }
0x118: {  	_ =	swait.ge @!p2 [sflag:s11], $0x80  }
0x119: {  	s9 =	sadd.s32 $0x1, s31;
	[sflag:s11] =	ssyncset.done @!p2 $0x0  }
0x11a: {  	p0 =	sge.u32 s9, s8;
	[sflag:s11] =	ssyncadd.s32 @!p2 $0xFFFFFF80  }
0x11b: {  	s9 =	sadd.s32 @!p0 s2, s17;
	s10 =	simm.s32 @!p0 $0x0;
	_ =	swait.ge @!p2 [sflag:s11], $0x80  }
0x11c: {  	s14 =	sadd.s32 @!p0 $0x200, s9;
	s9 =	simm.s32 @!p0 $0x80;
	[sflag:s11] =	ssyncset.done @!p2 $0x0  }
0x11d: {  	[sflag:s11] =	ssyncadd.s32 @!p2 $0xFFFFFF80;
	s11 =	sadd.s32 @!p0 s2, s18  }
0x11e: {  	[tilespmem:s9], [sflag:$0x2] =	stream.linear.gather @!p0 [hbm4b:s14+s10], $0x80, $0x38;
	[tilespmem:$0x1BE80] =	vst v63  }
0x11f: {  	p2 =	sge.u32 s31, s8;
	s14 =	sadd.s32 @!p0 $0x200, s11;
	s11 =	simm.s32 @!p0 $0x180  }
0x120: {  	s15 =	simm.s32 @!p2 $0x80;
	s16 =	simm.s32 @!p2 $0x0;
	s29 =	simm.s32 @!p2 $0x200  }
0x121: {  	[tilespmem:s11], [sflag:$0x2] =	stream.linear.gather @!p0 [hbm4b:s14+s10], $0x80, $0x38;
	[tilespmem:$0x1BE80] =	vst v63  }
0x122: {  	s14 =	simm.s32 @!p2 $0x3  }
0x123: {  	[tilespmem:s29], [sflag:$0x3] =	stream.indirect.gather @!p2 [hbm4b:s0+s15], $0x80, s16, s15, $0xb8;
	[tilespmem:$0x1BE80] =	vst v63  }
0x124: {  	_ =	swait.ge @!p2 [sflag:s14], $0x4000  }
0x125: {  	s7 =	simm.s32 @!p2 $0x100;
	[sflag:s14] =	ssyncset.done @!p2 $0x0  }
0x126: {  	[sflag:s14] =	ssyncadd.s32 @!p2 $0xFFFFC000;
	s14 =	simm.s32 @!p2 $0x5  }
0x127: {  	[spmem:s4] =	stream.indirect.scatter.add.f32 @!p2 [tilespmem:s29], [sflag:$0x5], $0x80, s7, s15, $0xb8;
	[tilespmem:$0x1BE80] =	vst v63  }
0x128: {  	_ =	swait.ge @!p2 [sflag:s14], $0x4000  }
0x129: {  	s29 =	simm.s32 @!p2 $0x4200;
	[sflag:s14] =	ssyncset.done @!p2 $0x0  }
0x12a: {  	[sflag:s14] =	ssyncadd.s32 @!p2 $0xFFFFC000  }
0x12b: {  	[tilespmem:s29], [sflag:$0x5] =	stream.linear.gather @!p2 [hbm4b:s30+s16], $0x4000, $0x38;
	[tilespmem:$0x1BE80] =	vst v63  }
0x12c: {  	_ =	swait.ge @!p2 [sflag:s14], $0x4000  }
0x12d: {  	[sflag:s14] =	ssyncset.done @!p2 $0x0  }
0x12e: {  	[sflag:s14] =	ssyncadd.s32 @!p2 $0xFFFFC000  }
0x12f: {  	[spmem:s4] =	stream.indirect.scatter.add.f32 @!p2 [tilespmem:s29], [sflag:$0x5], $0x80, s7, s15, $0xb8;
	[tilespmem:$0x1BE80] =	vst v63  }
0x130: {  	s7 =	simm.s32 @!p0 $0x2;
	_ =	swait.ge @!p2 [sflag:s14], $0x4000  }
0x131: {  	[sflag:s14] =	ssyncset.done @!p2 $0x0  }
0x132: {  	[sflag:s14] =	ssyncadd.s32 @!p2 $0xFFFFC000  }
0x133: {  	_ =	swait.ge @!p0 [sflag:s7], $0x80  }
0x134: {  	s31 =	sadd.s32 $0x2, s31;
	[sflag:s7] =	ssyncset.done @!p0 $0x0  }
0x135: {  	p2 =	sge.u32 s31, s8;
	[sflag:s7] =	ssyncadd.s32 @!p0 $0xFFFFFF80  }
0x136: {  	s14 =	sadd.s32 @!p2 s2, s17;
	s2 =	sadd.s32 @!p2 s2, s18;
	_ =	swait.ge @!p0 [sflag:s7], $0x80  }
0x137: {  	s16 =	sadd.s32 @!p2 $0x400, s14;
	s14 =	simm.s32 @!p2 $0x0;
	[sflag:s7] =	ssyncset.done @!p0 $0x0  }
0x138: {  	s15 =	simm.s32 @!p2 $0x100;
	[sflag:s7] =	ssyncadd.s32 @!p0 $0xFFFFFF80;
	s7 =	sadd.s32 @!p2 $0x400, s2  }
0x139: {  	[tilespmem:s14], [sflag:$0x1] =	stream.linear.gather @!p2 [hbm4b:s16+s14], $0x80, $0x38;
	[tilespmem:$0x1BE80] =	vst v63  }
0x13a: {  	s2 =	smov.u32 s12  }
0x13b: {  	[tilespmem:s15], [sflag:$0x1] =	stream.linear.gather @!p2 [hbm4b:s7+s14], $0x80, $0x38;
	[tilespmem:$0x1BE80] =	vst v63  }
0x13c: {  	s12 =	simm.s32 @!p0 $0x3;
	s7 =	simm.s32 @!p0 $0x200  }
0x13d: {  	[tilespmem:s7], [sflag:$0x3] =	stream.indirect.gather @!p0 [hbm4b:s0+s9], $0x80, s9, s9, $0xb8;
	[tilespmem:$0x1BE80] =	vst v63  }
0x13e: {  	_ =	swait.ge @!p0 [sflag:s12], $0x4000  }
0x13f: {  	s16 =	simm.s32 @!p0 $0x5;
	[sflag:s12] =	ssyncset.done @!p0 $0x0  }
0x140: {  	[sflag:s12] =	ssyncadd.s32 @!p0 $0xFFFFC000  }
0x141: {  	[spmem:s4] =	stream.indirect.scatter.add.f32 @!p0 [tilespmem:s7], [sflag:$0x5], $0x80, s11, s9, $0xb8;
	[tilespmem:$0x1BE80] =	vst v63  }
0x142: {  	s12 =	simm.s32 @!p0 $0x4200;
	s7 =	sadd.s32 @!p0 $0x10000, s30;
	_ =	swait.ge @!p0 [sflag:s16], $0x4000  }
0x143: {  	[sflag:s16] =	ssyncset.done @!p0 $0x0  }
0x144: {  	[sflag:s16] =	ssyncadd.s32 @!p0 $0xFFFFC000  }
0x145: {  	[tilespmem:s12], [sflag:$0x5] =	stream.linear.gather @!p0 [hbm4b:s7+s10], $0x4000, $0x38;
	[tilespmem:$0x1BE80] =	vst v63  }
.Ltmp3:
0x146: {  	_ = 	snop;
	(pc) =	sbr.rel @p1 .LBB2_5-.Ltmp3, $4  }
0x147: {  	_ =	swait.ge @!p0 [sflag:s16], $0x4000  }
0x148: {  	p3 =	seq.s32 s2, $0x0;
	s10 =	simm.s32 @!p0 $0x4;
	[sflag:s16] =	ssyncset.done @!p0 $0x0  }
0x149: {  	p4 =	sge.u32 @!p3 s31, s8;
	s30 =	sadd.s32 $0x20000, s30;
	[sflag:s16] =	ssyncadd.s32 @!p0 $0xFFFFC000  }
0x14a: {  	[spmem:s4] =	stream.indirect.scatter.add.f32 @!p0 [tilespmem:s12], [sflag:$0x4], $0x80, s11, s9, $0xb8;
	[tilespmem:$0x1BE80] =	vst v63  }
0x14b: {  	_ =	swait.ge @!p0 [sflag:s10], $0x4000  }
0x14c: {  	p1 =	por p4, p3;
	[sflag:s10] =	ssyncset.done @!p0 $0x0  }
0x14d: {  	s7 =	simm.s32 @!p1 $0x1;
	[sflag:s10] =	ssyncadd.s32 @!p0 $0xFFFFC000  }
0x14e: {  	_ =	swait.ge @!p1 [sflag:s7], $0x80  }
0x14f: {  	s5 =	sadd.s32 $0x1, s31;
	[sflag:s7] =	ssyncset.done @!p1 $0x0  }
0x150: {  	p0 =	sge.u32 s5, s8;
	[sflag:s7] =	ssyncadd.s32 @!p1 $0xFFFFFF80  }
0x151: {  	s5 =	sadd.s32 @!p0 s2, s17;
	_ =	swait.ge @!p1 [sflag:s7], $0x80  }
0x152: {  	s9 =	simm.s32 @!p0 $0x0;
	s10 =	sadd.s32 @!p0 $0x200, s5;
	[sflag:s7] =	ssyncset.done @!p1 $0x0  }
0x153: {  	s5 =	simm.s32 @!p0 $0x80;
	[sflag:s7] =	ssyncadd.s32 @!p1 $0xFFFFFF80;
	s7 =	sadd.s32 @!p0 s2, s18  }
0x154: {  	[tilespmem:s5], [sflag:$0x2] =	stream.linear.gather @!p0 [hbm4b:s10+s9], $0x80, $0x38;
	[tilespmem:$0x1BE80] =	vst v63  }
0x155: {  	s7 =	sadd.s32 @!p0 $0x200, s7;
	s10 =	simm.s32 @!p0 $0x180  }
0x156: {  	[tilespmem:s10], [sflag:$0x2] =	stream.linear.gather @!p0 [hbm4b:s7+s9], $0x80, $0x38;
	[tilespmem:$0x1BE80] =	vst v63  }
0x157: {  	s11 =	simm.s32 @!p2 $0x200;
	s12 =	simm.s32 @!p2 $0x3;
	s7 =	simm.s32 @!p2 $0x80  }
0x158: {  	[tilespmem:s11], [sflag:$0x3] =	stream.indirect.gather @!p2 [hbm4b:s0+s7], $0x80, s14, s7, $0xb8;
	[tilespmem:$0x1BE80] =	vst v63  }
0x159: {  	_ =	swait.ge @!p2 [sflag:s12], $0x4000  }
0x15a: {  	[sflag:s12] =	ssyncset.done @!p2 $0x0  }
0x15b: {  	[sflag:s12] =	ssyncadd.s32 @!p2 $0xFFFFC000;
	s12 =	simm.s32 @!p2 $0x5  }
0x15c: {  	[spmem:s4] =	stream.indirect.scatter.add.f32 @!p2 [tilespmem:s11], [sflag:$0x5], $0x80, s15, s7, $0xb8;
	[tilespmem:$0x1BE80] =	vst v63  }
0x15d: {  	_ =	swait.ge @!p2 [sflag:s12], $0x4000  }
0x15e: {  	[sflag:s12] =	ssyncset.done @!p2 $0x0  }
0x15f: {  	s11 =	simm.s32 @!p2 $0x4200;
	[sflag:s12] =	ssyncadd.s32 @!p2 $0xFFFFC000  }
0x160: {  	[tilespmem:s11], [sflag:$0x5] =	stream.linear.gather @!p2 [hbm4b:s30+s14], $0x4000, $0x38;
	[tilespmem:$0x1BE80] =	vst v63  }
0x161: {  	_ =	swait.ge @!p2 [sflag:s12], $0x4000  }
0x162: {  	[sflag:s12] =	ssyncset.done @!p2 $0x0  }
0x163: {  	[sflag:s12] =	ssyncadd.s32 @!p2 $0xFFFFC000  }
0x164: {  	[spmem:s4] =	stream.indirect.scatter.add.f32 @!p2 [tilespmem:s11], [sflag:$0x5], $0x80, s15, s7, $0xb8;
	[tilespmem:$0x1BE80] =	vst v63  }
0x165: {  	_ =	swait.ge @!p2 [sflag:s12], $0x4000  }
0x166: {  	[sflag:s12] =	ssyncset.done @!p2 $0x0  }
0x167: {  	s7 =	simm.s32 @!p0 $0x2;
	[sflag:s12] =	ssyncadd.s32 @!p2 $0xFFFFC000  }
0x168: {  	_ =	swait.ge @!p0 [sflag:s7], $0x80  }
0x169: {  	[sflag:s7] =	ssyncset.done @!p0 $0x0  }
0x16a: {  	s14 =	sadd.s32 $0x2, s31;
	[sflag:s7] =	ssyncadd.s32 @!p0 $0xFFFFFF80  }
0x16b: {  	p1 =	sge.u32 s14, s8;
	_ =	swait.ge @!p0 [sflag:s7], $0x80  }
0x16c: {  	s11 =	sadd.s32 @!p1 s2, s17;
	s2 =	sadd.s32 @!p1 s2, s18;
	[sflag:s7] =	ssyncset.done @!p0 $0x0  }
0x16d: {  	s11 =	sadd.s32 @!p1 $0x400, s11;
	s12 =	simm.s32 @!p1 $0x0;
	[sflag:s7] =	ssyncadd.s32 @!p0 $0xFFFFFF80  }
0x16e: {  	[tilespmem:s12], [sflag:$0x1] =	stream.linear.gather @!p1 [hbm4b:s11+s12], $0x80, $0x38;
	[tilespmem:$0x1BE80] =	vst v63  }
0x16f: {  	s2 =	sadd.s32 @!p1 $0x400, s2;
	s7 =	simm.s32 @!p1 $0x100  }
0x170: {  	[tilespmem:s7], [sflag:$0x1] =	stream.linear.gather @!p1 [hbm4b:s2+s12], $0x80, $0x38;
	[tilespmem:$0x1BE80] =	vst v63  }
0x171: {  	s2 =	simm.s32 @!p0 $0x200;
	s7 =	simm.s32 @!p0 $0x3  }
0x172: {  	[tilespmem:s2], [sflag:$0x3] =	stream.indirect.gather @!p0 [hbm4b:s0+s5], $0x80, s5, s5, $0xb8;
	[tilespmem:$0x1BE80] =	vst v63  }
0x173: {  	_ =	swait.ge @!p0 [sflag:s7], $0x4000  }
0x174: {  	[sflag:s7] =	ssyncset.done @!p0 $0x0  }
0x175: {  	s11 =	simm.s32 @!p0 $0x5;
	[sflag:s7] =	ssyncadd.s32 @!p0 $0xFFFFC000  }
0x176: {  	[spmem:s4] =	stream.indirect.scatter.add.f32 @!p0 [tilespmem:s2], [sflag:$0x5], $0x80, s10, s5, $0xb8;
	[tilespmem:$0x1BE80] =	vst v63  }
0x177: {  	_ =	swait.ge @!p0 [sflag:s11], $0x4000  }
0x178: {  	[sflag:s11] =	ssyncset.done @!p0 $0x0  }
0x179: {  	s7 =	simm.s32 @!p0 $0x4200;
	s2 =	sadd.s32 @!p0 $0x10000, s30;
	[sflag:s11] =	ssyncadd.s32 @!p0 $0xFFFFC000  }
0x17a: {  	[tilespmem:s7], [sflag:$0x5] =	stream.linear.gather @!p0 [hbm4b:s2+s9], $0x4000, $0x38;
	[tilespmem:$0x1BE80] =	vst v63  }
0x17b: {  	_ =	swait.ge @!p0 [sflag:s11], $0x4000  }
0x17c: {  	[sflag:s11] =	ssyncset.done @!p0 $0x0  }
0x17d: {  	s2 =	simm.s32 @!p0 $0x4;
	[sflag:s11] =	ssyncadd.s32 @!p0 $0xFFFFC000  }
0x17e: {  	[spmem:s4] =	stream.indirect.scatter.add.f32 @!p0 [tilespmem:s7], [sflag:$0x4], $0x80, s10, s5, $0xb8;
	[tilespmem:$0x1BE80] =	vst v63  }
0x17f: {  	_ =	swait.ge @!p0 [sflag:s2], $0x4000  }
0x180: {  	[sflag:s2] =	ssyncset.done @!p0 $0x0  }
0x181: {  	s15 =	simm.s32 $0x0;
	s16 =	rddreg [dreg:$0xb];
	[sflag:s2] =	ssyncadd.s32 @!p0 $0xFFFFC000  }
0x182: {  	[tilespmem:s15], [sflag:$0x4] =	stream.linear.gather [hbm4b:s16+s15], $0x80, $0x38;
	[tilespmem:$0x1BE80] =	vst v63  }
0x183: {  	_ =	swait.ge [sflag:s28], $0x80  }
0x184: {  	s29 =	simm.s32 $0x100;
	[sflag:s28] =	ssyncset.done $0x0  }
0x185: {  	p0 =	por $0x1, $0x1;
	s31 =	rddreg [dreg:$0xc];
	[sflag:s28] =	ssyncadd.s32 $0xFFFFFF80  }
0x186: {  	[tilespmem:s29], [sflag:$0x4] =	stream.linear.gather [hbm4b:s31+s15], $0x80, $0x38;
	[tilespmem:$0x1BE80] =	vst v63  }
0x187: {  	p1 =	sle.u32 @!p0 s8, $0x0;
	_ =	swait.ge [sflag:s28], $0x80  }
0x188: {  	p2 =	por p1, p0;
	[sflag:s28] =	ssyncset.done $0x0  }
0x189: {  	s2 =	simm.s32 @!p2 $0x1;
	[sflag:s28] =	ssyncadd.s32 $0xFFFFFF80  }
0x18a: {  	_ =	swait.ge @!p2 [sflag:s2], $0x80  }
0x18b: {  	[sflag:s2] =	ssyncset.done @!p2 $0x0  }
0x18c: {  	p0 =	sle.u32 s8, $0x1;
	[sflag:s2] =	ssyncadd.s32 @!p2 $0xFFFFFF80  }
0x18d: {  	p1 =	sle.u32 s8, $0x0;
	s5 =	sadd.s32 @!p0 $0x0, s19;
	_ =	swait.ge @!p2 [sflag:s2], $0x80  }
0x18e: {  	s7 =	simm.s32 @!p0 $0x0;
	s9 =	simm.s32 @!p0 $0x80;
	[sflag:s2] =	ssyncset.done @!p2 $0x0  }
0x18f: {  	s5 =	sadd.s32 @!p0 $0x200, s5;
	[sflag:s2] =	ssyncadd.s32 @!p2 $0xFFFFFF80;
	s2 =	sadd.s32 @!p0 $0x0, s20  }
0x190: {  	[tilespmem:s9], [sflag:$0x2] =	stream.linear.gather @!p0 [hbm4b:s5+s7], $0x80, $0x38;
	[tilespmem:$0x1BE80] =	vst v63  }
0x191: {  	s10 =	simm.s32 @!p1 $0x80;
	s5 =	simm.s32 @!p0 $0x180;
	s2 =	sadd.s32 @!p0 $0x200, s2  }
0x192: {  	[tilespmem:s5], [sflag:$0x2] =	stream.linear.gather @!p0 [hbm4b:s2+s7], $0x80, $0x38;
	[tilespmem:$0x1BE80] =	vst v63  }
0x193: {  	s11 =	simm.s32 @!p1 $0x3;
	s2 =	simm.s32 @!p1 $0x0;
	s7 =	simm.s32 @!p1 $0x200  }
0x194: {  	[tilespmem:s7], [sflag:$0x3] =	stream.indirect.gather @!p1 [hbm4b:s1+s10], $0x80, s2, s10, $0xb8;
	[tilespmem:$0x1BE80] =	vst v63  }
0x195: {  	_ =	swait.ge @!p1 [sflag:s11], $0x4000  }
0x196: {  	[sflag:s11] =	ssyncset.done @!p1 $0x0  }
0x197: {  	s2 =	simm.s32 @!p1 $0x100;
	[sflag:s11] =	ssyncadd.s32 @!p1 $0xFFFFC000;
	s11 =	simm.s32 @!p1 $0x5  }
0x198: {  	[spmem:s4] =	stream.indirect.scatter.add.f32 @!p1 [tilespmem:s7], [sflag:$0x5], $0x80, s2, s10, $0xb8;
	[tilespmem:$0x1BE80] =	vst v63  }
0x199: {  	_ =	swait.ge @!p1 [sflag:s11], $0x4000  }
0x19a: {  	[sflag:s11] =	ssyncset.done @!p1 $0x0  }
0x19b: {  	s2 =	simm.s32 @!p0 $0x2;
	[sflag:s11] =	ssyncadd.s32 @!p1 $0xFFFFC000  }
0x19c: {  	_ =	swait.ge @!p0 [sflag:s2], $0x80  }
0x19d: {  	[sflag:s2] =	ssyncset.done @!p0 $0x0  }
0x19e: {  	[sflag:s2] =	ssyncadd.s32 @!p0 $0xFFFFFF80  }
0x19f: {  	p1 =	sle.u32 s8, $0x2;
	_ =	swait.ge @!p0 [sflag:s2], $0x80  }
0x1a0: {  	s7 =	sadd.s32 @!p1 $0x0, s19;
	s10 =	sadd.s32 @!p1 $0x0, s20;
	[sflag:s2] =	ssyncset.done @!p0 $0x0  }
0x1a1: {  	s11 =	simm.s32 @!p1 $0x0;
	s7 =	sadd.s32 @!p1 $0x400, s7;
	[sflag:s2] =	ssyncadd.s32 @!p0 $0xFFFFFF80  }
0x1a2: {  	[tilespmem:s11], [sflag:$0x1] =	stream.linear.gather @!p1 [hbm4b:s7+s11], $0x80, $0x38;
	[tilespmem:$0x1BE80] =	vst v63  }
0x1a3: {  	s2 =	sadd.s32 @!p1 $0x400, s10;
	s7 =	simm.s32 @!p1 $0x100  }
0x1a4: {  	[tilespmem:s7], [sflag:$0x1] =	stream.linear.gather @!p1 [hbm4b:s2+s11], $0x80, $0x38;
	[tilespmem:$0x1BE80] =	vst v63  }
0x1a5: {  	s2 =	simm.s32 @!p0 $0x200;
	s7 =	simm.s32 @!p0 $0x3  }
0x1a6: {  	[tilespmem:s2], [sflag:$0x3] =	stream.indirect.gather @!p0 [hbm4b:s1+s9], $0x80, s9, s9, $0xb8;
	[tilespmem:$0x1BE80] =	vst v63  }
0x1a7: {  	_ =	swait.ge @!p0 [sflag:s7], $0x4000  }
0x1a8: {  	p3 =	por $0x0, $0x0;
	[sflag:s7] =	ssyncset.done @!p0 $0x0  }
0x1a9: {  	p4 =	sle.u32 @!p3 s8, $0x2;
	s30 =	simm.s32 @!p0 $0x4;
	[sflag:s7] =	ssyncadd.s32 @!p0 $0xFFFFC000  }
0x1aa: {  	[spmem:s4] =	stream.indirect.scatter.add.f32 @!p0 [tilespmem:s2], [sflag:$0x4], $0x80, s5, s9, $0xb8;
	[tilespmem:$0x1BE80] =	vst v63  }
0x1ab: {  	s5 =	simm.s32 $0x400;
	s9 =	simm.s32 $0x800;
	s2 =	simm.s32 $0x2  }
.LBB2_7:
0x1ac: {  	p3 =	por p4, p3  }
0x1ad: {  	_ =	swait.ge @!p0 [sflag:s30], $0x4000;
	s10 =	smov.u32 s9;
	s9 =	sadd.s32 $0x400, s9  }
0x1ae: {  	p1 =	sne.s32 s9, $0xA000;
	s7 =	simm.s32 @!p3 $0x1;
	[sflag:s30] =	ssyncset.done @!p0 $0x0  }
0x1af: {  	[sflag:s30] =	ssyncadd.s32 @!p0 $0xFFFFC000  }
0x1b0: {  	_ =	swait.ge @!p3 [sflag:s7], $0x80  }
0x1b1: {  	s11 =	sadd.s32 $0x1, s2;
	[sflag:s7] =	ssyncset.done @!p3 $0x0  }
0x1b2: {  	p0 =	sge.u32 s11, s8;
	[sflag:s7] =	ssyncadd.s32 @!p3 $0xFFFFFF80  }
0x1b3: {  	s11 =	sadd.s32 @!p0 s5, s19;
	s14 =	simm.s32 @!p0 $0x0  }
0x1b4: {  	s15 =	sadd.s32 @!p0 $0x200, s11;
	s11 =	simm.s32 @!p0 $0x80;
	_ =	swait.ge @!p3 [sflag:s7], $0x80  }
0x1b5: {  	p2 =	sge.u32 s2, s8;
	[sflag:s7] =	ssyncset.done @!p3 $0x0  }
0x1b6: {  	s12 =	simm.s32 @!p0 $0x180;
	[sflag:s7] =	ssyncadd.s32 @!p3 $0xFFFFFF80;
	s7 =	sadd.s32 @!p0 s5, s20  }
0x1b7: {  	[tilespmem:s11], [sflag:$0x2] =	stream.linear.gather @!p0 [hbm4b:s15+s14], $0x80, $0x38;
	[tilespmem:$0x1BE80] =	vst v63  }
0x1b8: {  	s16 =	simm.s32 @!p2 $0x0;
	s7 =	sadd.s32 @!p0 $0x200, s7;
	s15 =	simm.s32 @!p2 $0x80  }
0x1b9: {  	[tilespmem:s12], [sflag:$0x2] =	stream.linear.gather @!p0 [hbm4b:s7+s14], $0x80, $0x38;
	[tilespmem:$0x1BE80] =	vst v63  }
0x1ba: {  	s7 =	simm.s32 @!p2 $0x200;
	s14 =	simm.s32 @!p2 $0x3  }
0x1bb: {  	[tilespmem:s7], [sflag:$0x3] =	stream.indirect.gather @!p2 [hbm4b:s1+s15], $0x80, s16, s15, $0xb8;
	[tilespmem:$0x1BE80] =	vst v63  }
0x1bc: {  	_ =	swait.ge @!p2 [sflag:s14], $0x4000  }
0x1bd: {  	s16 =	simm.s32 @!p2 $0x100;
	[sflag:s14] =	ssyncset.done @!p2 $0x0  }
0x1be: {  	[sflag:s14] =	ssyncadd.s32 @!p2 $0xFFFFC000;
	s14 =	simm.s32 @!p2 $0x5  }
0x1bf: {  	[spmem:s4] =	stream.indirect.scatter.add.f32 @!p2 [tilespmem:s7], [sflag:$0x5], $0x80, s16, s15, $0xb8;
	[tilespmem:$0x1BE80] =	vst v63  }
0x1c0: {  	s7 =	simm.s32 @!p0 $0x2;
	_ =	swait.ge @!p2 [sflag:s14], $0x4000  }
0x1c1: {  	[sflag:s14] =	ssyncset.done @!p2 $0x0  }
0x1c2: {  	[sflag:s14] =	ssyncadd.s32 @!p2 $0xFFFFC000  }
0x1c3: {  	_ =	swait.ge @!p0 [sflag:s7], $0x80  }
0x1c4: {  	s2 =	sadd.s32 $0x2, s2;
	[sflag:s7] =	ssyncset.done @!p0 $0x0  }
0x1c5: {  	p2 =	sge.u32 s2, s8;
	[sflag:s7] =	ssyncadd.s32 @!p0 $0xFFFFFF80  }
0x1c6: {  	s14 =	sadd.s32 @!p2 s5, s19;
	s5 =	sadd.s32 @!p2 s5, s20;
	_ =	swait.ge @!p0 [sflag:s7], $0x80  }
0x1c7: {  	s15 =	simm.s32 @!p2 $0x0;
	s16 =	sadd.s32 @!p2 $0x400, s14;
	[sflag:s7] =	ssyncset.done @!p0 $0x0  }
0x1c8: {  	s14 =	simm.s32 @!p2 $0x100;
	[sflag:s7] =	ssyncadd.s32 @!p0 $0xFFFFFF80;
	s7 =	sadd.s32 @!p2 $0x400, s5  }
0x1c9: {  	[tilespmem:s15], [sflag:$0x1] =	stream.linear.gather @!p2 [hbm4b:s16+s15], $0x80, $0x38;
	[tilespmem:$0x1BE80] =	vst v63  }
0x1ca: {  	s5 =	smov.u32 s10  }
0x1cb: {  	[tilespmem:s14], [sflag:$0x1] =	stream.linear.gather @!p2 [hbm4b:s7+s15], $0x80, $0x38;
	[tilespmem:$0x1BE80] =	vst v63  }
0x1cc: {  	s10 =	simm.s32 @!p0 $0x3;
	s7 =	simm.s32 @!p0 $0x200  }
0x1cd: {  	[tilespmem:s7], [sflag:$0x3] =	stream.indirect.gather @!p0 [hbm4b:s1+s11], $0x80, s11, s11, $0xb8;
	[tilespmem:$0x1BE80] =	vst v63  }
.Ltmp4:
0x1ce: {  	_ = 	snop;
	(pc) =	sbr.rel @p1 .LBB2_7-.Ltmp4, $4  }
0x1cf: {  	_ =	swait.ge @!p0 [sflag:s10], $0x4000  }
0x1d0: {  	s30 =	simm.s32 @!p0 $0x4;
	p3 =	seq.s32 s5, $0x0;
	[sflag:s10] =	ssyncset.done @!p0 $0x0  }
0x1d1: {  	p4 =	sge.u32 @!p3 s2, s8;
	[sflag:s10] =	ssyncadd.s32 @!p0 $0xFFFFC000  }
0x1d2: {  	[spmem:s4] =	stream.indirect.scatter.add.f32 @!p0 [tilespmem:s7], [sflag:$0x4], $0x80, s12, s11, $0xb8;
	[tilespmem:$0x1BE80] =	vst v63  }
0x1d3: {  	_ =	swait.ge @!p0 [sflag:s30], $0x4000  }
0x1d4: {  	p1 =	por p4, p3;
	[sflag:s30] =	ssyncset.done @!p0 $0x0  }
0x1d5: {  	s7 =	simm.s32 @!p1 $0x1;
	[sflag:s30] =	ssyncadd.s32 @!p0 $0xFFFFC000  }
0x1d6: {  	_ =	swait.ge @!p1 [sflag:s7], $0x80  }
0x1d7: {  	s9 =	sadd.s32 $0x1, s2;
	[sflag:s7] =	ssyncset.done @!p1 $0x0  }
0x1d8: {  	p0 =	sge.u32 s9, s8;
	[sflag:s7] =	ssyncadd.s32 @!p1 $0xFFFFFF80  }
0x1d9: {  	s9 =	sadd.s32 @!p0 s5, s19;
	_ =	swait.ge @!p1 [sflag:s7], $0x80  }
0x1da: {  	s10 =	simm.s32 @!p0 $0x0;
	s11 =	simm.s32 @!p0 $0x80;
	[sflag:s7] =	ssyncset.done @!p1 $0x0  }
0x1db: {  	s9 =	sadd.s32 @!p0 $0x200, s9;
	[sflag:s7] =	ssyncadd.s32 @!p1 $0xFFFFFF80;
	s7 =	sadd.s32 @!p0 s5, s20  }
0x1dc: {  	[tilespmem:s11], [sflag:$0x2] =	stream.linear.gather @!p0 [hbm4b:s9+s10], $0x80, $0x38;
	[tilespmem:$0x1BE80] =	vst v63  }
0x1dd: {  	s9 =	simm.s32 @!p0 $0x180;
	s7 =	sadd.s32 @!p0 $0x200, s7  }
0x1de: {  	[tilespmem:s9], [sflag:$0x2] =	stream.linear.gather @!p0 [hbm4b:s7+s10], $0x80, $0x38;
	[tilespmem:$0x1BE80] =	vst v63  }
0x1df: {  	s12 =	simm.s32 @!p2 $0x3;
	s7 =	simm.s32 @!p2 $0x80;
	s10 =	simm.s32 @!p2 $0x200  }
0x1e0: {  	[tilespmem:s10], [sflag:$0x3] =	stream.indirect.gather @!p2 [hbm4b:s1+s7], $0x80, s15, s7, $0xb8;
	[tilespmem:$0x1BE80] =	vst v63  }
0x1e1: {  	_ =	swait.ge @!p2 [sflag:s12], $0x4000  }
0x1e2: {  	[sflag:s12] =	ssyncset.done @!p2 $0x0  }
0x1e3: {  	[sflag:s12] =	ssyncadd.s32 @!p2 $0xFFFFC000;
	s12 =	simm.s32 @!p2 $0x5  }
0x1e4: {  	[spmem:s4] =	stream.indirect.scatter.add.f32 @!p2 [tilespmem:s10], [sflag:$0x5], $0x80, s14, s7, $0xb8;
	[tilespmem:$0x1BE80] =	vst v63  }
0x1e5: {  	_ =	swait.ge @!p2 [sflag:s12], $0x4000  }
0x1e6: {  	[sflag:s12] =	ssyncset.done @!p2 $0x0  }
0x1e7: {  	s7 =	simm.s32 @!p0 $0x2;
	[sflag:s12] =	ssyncadd.s32 @!p2 $0xFFFFC000  }
0x1e8: {  	_ =	swait.ge @!p0 [sflag:s7], $0x80  }
0x1e9: {  	[sflag:s7] =	ssyncset.done @!p0 $0x0  }
0x1ea: {  	s14 =	sadd.s32 $0x2, s2;
	[sflag:s7] =	ssyncadd.s32 @!p0 $0xFFFFFF80  }
0x1eb: {  	p1 =	sge.u32 s14, s8;
	_ =	swait.ge @!p0 [sflag:s7], $0x80  }
0x1ec: {  	s2 =	sadd.s32 @!p1 s5, s19;
	s5 =	sadd.s32 @!p1 s5, s20;
	[sflag:s7] =	ssyncset.done @!p0 $0x0  }
0x1ed: {  	s10 =	simm.s32 @!p1 $0x0;
	s2 =	sadd.s32 @!p1 $0x400, s2;
	[sflag:s7] =	ssyncadd.s32 @!p0 $0xFFFFFF80  }
0x1ee: {  	[tilespmem:s10], [sflag:$0x1] =	stream.linear.gather @!p1 [hbm4b:s2+s10], $0x80, $0x38;
	[tilespmem:$0x1BE80] =	vst v63  }
0x1ef: {  	s2 =	sadd.s32 @!p1 $0x400, s5;
	s5 =	simm.s32 @!p1 $0x100  }
0x1f0: {  	[tilespmem:s5], [sflag:$0x1] =	stream.linear.gather @!p1 [hbm4b:s2+s10], $0x80, $0x38;
	[tilespmem:$0x1BE80] =	vst v63  }
0x1f1: {  	s2 =	simm.s32 @!p0 $0x200;
	s5 =	simm.s32 @!p0 $0x3  }
0x1f2: {  	[tilespmem:s2], [sflag:$0x3] =	stream.indirect.gather @!p0 [hbm4b:s1+s11], $0x80, s11, s11, $0xb8;
	[tilespmem:$0x1BE80] =	vst v63  }
0x1f3: {  	_ =	swait.ge @!p0 [sflag:s5], $0x4000  }
0x1f4: {  	[sflag:s5] =	ssyncset.done @!p0 $0x0  }
0x1f5: {  	s7 =	simm.s32 @!p0 $0x4;
	[sflag:s5] =	ssyncadd.s32 @!p0 $0xFFFFC000  }
0x1f6: {  	[spmem:s4] =	stream.indirect.scatter.add.f32 @!p0 [tilespmem:s2], [sflag:$0x4], $0x80, s9, s11, $0xb8;
	[tilespmem:$0x1BE80] =	vst v63  }
0x1f7: {  	_ =	swait.ge @!p0 [sflag:s7], $0x4000  }
0x1f8: {  	[sflag:s7] =	ssyncset.done @!p0 $0x0  }
0x1f9: {  	s15 =	simm.s32 $0x0;
	s16 =	rddreg [dreg:$0xd];
	[sflag:s7] =	ssyncadd.s32 @!p0 $0xFFFFC000  }
0x1fa: {  	[tilespmem:s15], [sflag:$0x4] =	stream.linear.gather [hbm4b:s16+s15], $0x80, $0x38;
	[tilespmem:$0x1BE80] =	vst v63  }
0x1fb: {  	_ =	swait.ge [sflag:s28], $0x80  }
0x1fc: {  	[sflag:s28] =	ssyncset.done $0x0  }
0x1fd: {  	p0 =	por $0x1, $0x1;
	s31 =	rddreg [dreg:$0xe];
	[sflag:s28] =	ssyncadd.s32 $0xFFFFFF80  }
0x1fe: {  	[tilespmem:s29], [sflag:$0x4] =	stream.linear.gather [hbm4b:s31+s15], $0x80, $0x38;
	[tilespmem:$0x1BE80] =	vst v63  }
0x1ff: {  	p1 =	sle.u32 @!p0 s8, $0x0;
	_ =	swait.ge [sflag:s28], $0x80  }
0x200: {  	p2 =	por p1, p0;
	[sflag:s28] =	ssyncset.done $0x0  }
0x201: {  	s2 =	simm.s32 @!p2 $0x1;
	[sflag:s28] =	ssyncadd.s32 $0xFFFFFF80  }
0x202: {  	_ =	swait.ge @!p2 [sflag:s2], $0x80  }
0x203: {  	[sflag:s2] =	ssyncset.done @!p2 $0x0  }
0x204: {  	p0 =	sle.u32 s8, $0x1;
	[sflag:s2] =	ssyncadd.s32 @!p2 $0xFFFFFF80  }
0x205: {  	p1 =	sle.u32 s8, $0x0;
	s5 =	sadd.s32 @!p0 $0x0, s21;
	_ =	swait.ge @!p2 [sflag:s2], $0x80  }
0x206: {  	s7 =	simm.s32 @!p0 $0x0;
	s9 =	simm.s32 @!p0 $0x80;
	[sflag:s2] =	ssyncset.done @!p2 $0x0  }
0x207: {  	s5 =	sadd.s32 @!p0 $0x200, s5;
	[sflag:s2] =	ssyncadd.s32 @!p2 $0xFFFFFF80;
	s2 =	sadd.s32 @!p0 $0x0, s22  }
0x208: {  	[tilespmem:s9], [sflag:$0x2] =	stream.linear.gather @!p0 [hbm4b:s5+s7], $0x80, $0x38;
	[tilespmem:$0x1BE80] =	vst v63  }
0x209: {  	s10 =	simm.s32 @!p1 $0x80;
	s5 =	simm.s32 @!p0 $0x180;
	s2 =	sadd.s32 @!p0 $0x200, s2  }
0x20a: {  	[tilespmem:s5], [sflag:$0x2] =	stream.linear.gather @!p0 [hbm4b:s2+s7], $0x80, $0x38;
	[tilespmem:$0x1BE80] =	vst v63  }
0x20b: {  	s11 =	simm.s32 @!p1 $0x3;
	s2 =	simm.s32 @!p1 $0x0;
	s7 =	simm.s32 @!p1 $0x200  }
0x20c: {  	[tilespmem:s7], [sflag:$0x3] =	stream.indirect.gather @!p1 [hbm4b:s3+s10], $0x80, s2, s10, $0xb8;
	[tilespmem:$0x1BE80] =	vst v63  }
0x20d: {  	_ =	swait.ge @!p1 [sflag:s11], $0x4000  }
0x20e: {  	[sflag:s11] =	ssyncset.done @!p1 $0x0  }
0x20f: {  	s2 =	simm.s32 @!p1 $0x100;
	[sflag:s11] =	ssyncadd.s32 @!p1 $0xFFFFC000;
	s11 =	simm.s32 @!p1 $0x5  }
0x210: {  	[spmem:s4] =	stream.indirect.scatter.add.f32 @!p1 [tilespmem:s7], [sflag:$0x5], $0x80, s2, s10, $0xb8;
	[tilespmem:$0x1BE80] =	vst v63  }
0x211: {  	_ =	swait.ge @!p1 [sflag:s11], $0x4000  }
0x212: {  	[sflag:s11] =	ssyncset.done @!p1 $0x0  }
0x213: {  	s2 =	simm.s32 @!p0 $0x2;
	[sflag:s11] =	ssyncadd.s32 @!p1 $0xFFFFC000  }
0x214: {  	_ =	swait.ge @!p0 [sflag:s2], $0x80  }
0x215: {  	[sflag:s2] =	ssyncset.done @!p0 $0x0  }
0x216: {  	[sflag:s2] =	ssyncadd.s32 @!p0 $0xFFFFFF80  }
0x217: {  	p1 =	sle.u32 s8, $0x2;
	_ =	swait.ge @!p0 [sflag:s2], $0x80  }
0x218: {  	s7 =	sadd.s32 @!p1 $0x0, s21;
	s10 =	sadd.s32 @!p1 $0x0, s22;
	[sflag:s2] =	ssyncset.done @!p0 $0x0  }
0x219: {  	s11 =	simm.s32 @!p1 $0x0;
	s7 =	sadd.s32 @!p1 $0x400, s7;
	[sflag:s2] =	ssyncadd.s32 @!p0 $0xFFFFFF80  }
0x21a: {  	[tilespmem:s11], [sflag:$0x1] =	stream.linear.gather @!p1 [hbm4b:s7+s11], $0x80, $0x38;
	[tilespmem:$0x1BE80] =	vst v63  }
0x21b: {  	s2 =	sadd.s32 @!p1 $0x400, s10;
	s7 =	simm.s32 @!p1 $0x100  }
0x21c: {  	[tilespmem:s7], [sflag:$0x1] =	stream.linear.gather @!p1 [hbm4b:s2+s11], $0x80, $0x38;
	[tilespmem:$0x1BE80] =	vst v63  }
0x21d: {  	s2 =	simm.s32 @!p0 $0x200;
	s7 =	simm.s32 @!p0 $0x3  }
0x21e: {  	[tilespmem:s2], [sflag:$0x3] =	stream.indirect.gather @!p0 [hbm4b:s3+s9], $0x80, s9, s9, $0xb8;
	[tilespmem:$0x1BE80] =	vst v63  }
0x21f: {  	_ =	swait.ge @!p0 [sflag:s7], $0x4000  }
0x220: {  	p3 =	por $0x0, $0x0;
	[sflag:s7] =	ssyncset.done @!p0 $0x0  }
0x221: {  	p4 =	sle.u32 @!p3 s8, $0x2;
	s30 =	simm.s32 @!p0 $0x4;
	[sflag:s7] =	ssyncadd.s32 @!p0 $0xFFFFC000  }
0x222: {  	[spmem:s4] =	stream.indirect.scatter.add.f32 @!p0 [tilespmem:s2], [sflag:$0x4], $0x80, s5, s9, $0xb8;
	[tilespmem:$0x1BE80] =	vst v63  }
0x223: {  	s5 =	simm.s32 $0x400;
	s9 =	simm.s32 $0x800;
	s2 =	simm.s32 $0x2  }
.LBB2_9:
0x224: {  	p3 =	por p4, p3  }
0x225: {  	_ =	swait.ge @!p0 [sflag:s30], $0x4000;
	s10 =	smov.u32 s9;
	s9 =	sadd.s32 $0x400, s9  }
0x226: {  	p1 =	sne.s32 s9, $0xA000;
	s7 =	simm.s32 @!p3 $0x1;
	[sflag:s30] =	ssyncset.done @!p0 $0x0  }
0x227: {  	[sflag:s30] =	ssyncadd.s32 @!p0 $0xFFFFC000  }
0x228: {  	_ =	swait.ge @!p3 [sflag:s7], $0x80  }
0x229: {  	s11 =	sadd.s32 $0x1, s2;
	[sflag:s7] =	ssyncset.done @!p3 $0x0  }
0x22a: {  	p0 =	sge.u32 s11, s8;
	[sflag:s7] =	ssyncadd.s32 @!p3 $0xFFFFFF80  }
0x22b: {  	s11 =	sadd.s32 @!p0 s5, s21;
	s14 =	simm.s32 @!p0 $0x0  }
0x22c: {  	s15 =	sadd.s32 @!p0 $0x200, s11;
	s11 =	simm.s32 @!p0 $0x80;
	_ =	swait.ge @!p3 [sflag:s7], $0x80  }
0x22d: {  	p2 =	sge.u32 s2, s8;
	[sflag:s7] =	ssyncset.done @!p3 $0x0  }
0x22e: {  	s12 =	simm.s32 @!p0 $0x180;
	[sflag:s7] =	ssyncadd.s32 @!p3 $0xFFFFFF80;
	s7 =	sadd.s32 @!p0 s5, s22  }
0x22f: {  	[tilespmem:s11], [sflag:$0x2] =	stream.linear.gather @!p0 [hbm4b:s15+s14], $0x80, $0x38;
	[tilespmem:$0x1BE80] =	vst v63  }
0x230: {  	s16 =	simm.s32 @!p2 $0x0;
	s7 =	sadd.s32 @!p0 $0x200, s7;
	s15 =	simm.s32 @!p2 $0x80  }
0x231: {  	[tilespmem:s12], [sflag:$0x2] =	stream.linear.gather @!p0 [hbm4b:s7+s14], $0x80, $0x38;
	[tilespmem:$0x1BE80] =	vst v63  }
0x232: {  	s7 =	simm.s32 @!p2 $0x200;
	s14 =	simm.s32 @!p2 $0x3  }
0x233: {  	[tilespmem:s7], [sflag:$0x3] =	stream.indirect.gather @!p2 [hbm4b:s3+s15], $0x80, s16, s15, $0xb8;
	[tilespmem:$0x1BE80] =	vst v63  }
0x234: {  	_ =	swait.ge @!p2 [sflag:s14], $0x4000  }
0x235: {  	s16 =	simm.s32 @!p2 $0x100;
	[sflag:s14] =	ssyncset.done @!p2 $0x0  }
0x236: {  	[sflag:s14] =	ssyncadd.s32 @!p2 $0xFFFFC000;
	s14 =	simm.s32 @!p2 $0x5  }
0x237: {  	[spmem:s4] =	stream.indirect.scatter.add.f32 @!p2 [tilespmem:s7], [sflag:$0x5], $0x80, s16, s15, $0xb8;
	[tilespmem:$0x1BE80] =	vst v63  }
0x238: {  	s7 =	simm.s32 @!p0 $0x2;
	_ =	swait.ge @!p2 [sflag:s14], $0x4000  }
0x239: {  	[sflag:s14] =	ssyncset.done @!p2 $0x0  }
0x23a: {  	[sflag:s14] =	ssyncadd.s32 @!p2 $0xFFFFC000  }
0x23b: {  	_ =	swait.ge @!p0 [sflag:s7], $0x80  }
0x23c: {  	s2 =	sadd.s32 $0x2, s2;
	[sflag:s7] =	ssyncset.done @!p0 $0x0  }
0x23d: {  	p2 =	sge.u32 s2, s8;
	[sflag:s7] =	ssyncadd.s32 @!p0 $0xFFFFFF80  }
0x23e: {  	s14 =	sadd.s32 @!p2 s5, s21;
	s5 =	sadd.s32 @!p2 s5, s22;
	_ =	swait.ge @!p0 [sflag:s7], $0x80  }
0x23f: {  	s15 =	simm.s32 @!p2 $0x0;
	s16 =	sadd.s32 @!p2 $0x400, s14;
	[sflag:s7] =	ssyncset.done @!p0 $0x0  }
0x240: {  	s14 =	simm.s32 @!p2 $0x100;
	[sflag:s7] =	ssyncadd.s32 @!p0 $0xFFFFFF80;
	s7 =	sadd.s32 @!p2 $0x400, s5  }
0x241: {  	[tilespmem:s15], [sflag:$0x1] =	stream.linear.gather @!p2 [hbm4b:s16+s15], $0x80, $0x38;
	[tilespmem:$0x1BE80] =	vst v63  }
0x242: {  	s5 =	smov.u32 s10  }
0x243: {  	[tilespmem:s14], [sflag:$0x1] =	stream.linear.gather @!p2 [hbm4b:s7+s15], $0x80, $0x38;
	[tilespmem:$0x1BE80] =	vst v63  }
0x244: {  	s10 =	simm.s32 @!p0 $0x3;
	s7 =	simm.s32 @!p0 $0x200  }
0x245: {  	[tilespmem:s7], [sflag:$0x3] =	stream.indirect.gather @!p0 [hbm4b:s3+s11], $0x80, s11, s11, $0xb8;
	[tilespmem:$0x1BE80] =	vst v63  }
.Ltmp5:
0x246: {  	_ = 	snop;
	(pc) =	sbr.rel @p1 .LBB2_9-.Ltmp5, $4  }
0x247: {  	_ =	swait.ge @!p0 [sflag:s10], $0x4000  }
0x248: {  	s30 =	simm.s32 @!p0 $0x4;
	p3 =	seq.s32 s5, $0x0;
	[sflag:s10] =	ssyncset.done @!p0 $0x0  }
0x249: {  	p4 =	sge.u32 @!p3 s2, s8;
	[sflag:s10] =	ssyncadd.s32 @!p0 $0xFFFFC000  }
0x24a: {  	[spmem:s4] =	stream.indirect.scatter.add.f32 @!p0 [tilespmem:s7], [sflag:$0x4], $0x80, s12, s11, $0xb8;
	[tilespmem:$0x1BE80] =	vst v63  }
0x24b: {  	_ =	swait.ge @!p0 [sflag:s30], $0x4000  }
0x24c: {  	p1 =	por p4, p3;
	[sflag:s30] =	ssyncset.done @!p0 $0x0  }
0x24d: {  	s7 =	simm.s32 @!p1 $0x1;
	[sflag:s30] =	ssyncadd.s32 @!p0 $0xFFFFC000  }
0x24e: {  	_ =	swait.ge @!p1 [sflag:s7], $0x80  }
0x24f: {  	s9 =	sadd.s32 $0x1, s2;
	[sflag:s7] =	ssyncset.done @!p1 $0x0  }
0x250: {  	p0 =	sge.u32 s9, s8;
	[sflag:s7] =	ssyncadd.s32 @!p1 $0xFFFFFF80  }
0x251: {  	s9 =	sadd.s32 @!p0 s5, s21;
	_ =	swait.ge @!p1 [sflag:s7], $0x80  }
0x252: {  	s10 =	simm.s32 @!p0 $0x0;
	s11 =	simm.s32 @!p0 $0x80;
	[sflag:s7] =	ssyncset.done @!p1 $0x0  }
0x253: {  	s9 =	sadd.s32 @!p0 $0x200, s9;
	[sflag:s7] =	ssyncadd.s32 @!p1 $0xFFFFFF80;
	s7 =	sadd.s32 @!p0 s5, s22  }
0x254: {  	[tilespmem:s11], [sflag:$0x2] =	stream.linear.gather @!p0 [hbm4b:s9+s10], $0x80, $0x38;
	[tilespmem:$0x1BE80] =	vst v63  }
0x255: {  	s9 =	simm.s32 @!p0 $0x180;
	s7 =	sadd.s32 @!p0 $0x200, s7  }
0x256: {  	[tilespmem:s9], [sflag:$0x2] =	stream.linear.gather @!p0 [hbm4b:s7+s10], $0x80, $0x38;
	[tilespmem:$0x1BE80] =	vst v63  }
0x257: {  	s12 =	simm.s32 @!p2 $0x3;
	s7 =	simm.s32 @!p2 $0x80;
	s10 =	simm.s32 @!p2 $0x200  }
0x258: {  	[tilespmem:s10], [sflag:$0x3] =	stream.indirect.gather @!p2 [hbm4b:s3+s7], $0x80, s15, s7, $0xb8;
	[tilespmem:$0x1BE80] =	vst v63  }
0x259: {  	_ =	swait.ge @!p2 [sflag:s12], $0x4000  }
0x25a: {  	[sflag:s12] =	ssyncset.done @!p2 $0x0  }
0x25b: {  	[sflag:s12] =	ssyncadd.s32 @!p2 $0xFFFFC000;
	s12 =	simm.s32 @!p2 $0x5  }
0x25c: {  	[spmem:s4] =	stream.indirect.scatter.add.f32 @!p2 [tilespmem:s10], [sflag:$0x5], $0x80, s14, s7, $0xb8;
	[tilespmem:$0x1BE80] =	vst v63  }
0x25d: {  	_ =	swait.ge @!p2 [sflag:s12], $0x4000  }
0x25e: {  	[sflag:s12] =	ssyncset.done @!p2 $0x0  }
0x25f: {  	s7 =	simm.s32 @!p0 $0x2;
	[sflag:s12] =	ssyncadd.s32 @!p2 $0xFFFFC000  }
0x260: {  	_ =	swait.ge @!p0 [sflag:s7], $0x80  }
0x261: {  	[sflag:s7] =	ssyncset.done @!p0 $0x0  }
0x262: {  	s16 =	sadd.s32 $0x2, s2;
	[sflag:s7] =	ssyncadd.s32 @!p0 $0xFFFFFF80  }
0x263: {  	p1 =	sge.u32 s16, s8;
	_ =	swait.ge @!p0 [sflag:s7], $0x80  }
0x264: {  	s2 =	sadd.s32 @!p1 s5, s21;
	s5 =	sadd.s32 @!p1 s5, s22;
	[sflag:s7] =	ssyncset.done @!p0 $0x0  }
0x265: {  	s2 =	sadd.s32 @!p1 $0x400, s2;
	s10 =	simm.s32 @!p1 $0x0;
	[sflag:s7] =	ssyncadd.s32 @!p0 $0xFFFFFF80  }
0x266: {  	[tilespmem:s10], [sflag:$0x1] =	stream.linear.gather @!p1 [hbm4b:s2+s10], $0x80, $0x38;
	[tilespmem:$0x1BE80] =	vst v63  }
0x267: {  	s2 =	sadd.s32 @!p1 $0x400, s5;
	s5 =	simm.s32 @!p1 $0x100  }
0x268: {  	[tilespmem:s5], [sflag:$0x1] =	stream.linear.gather @!p1 [hbm4b:s2+s10], $0x80, $0x38;
	[tilespmem:$0x1BE80] =	vst v63  }
0x269: {  	s2 =	simm.s32 @!p0 $0x200;
	s5 =	simm.s32 @!p0 $0x3  }
0x26a: {  	[tilespmem:s2], [sflag:$0x3] =	stream.indirect.gather @!p0 [hbm4b:s3+s11], $0x80, s11, s11, $0xb8;
	[tilespmem:$0x1BE80] =	vst v63  }
0x26b: {  	_ =	swait.ge @!p0 [sflag:s5], $0x4000  }
0x26c: {  	[sflag:s5] =	ssyncset.done @!p0 $0x0  }
0x26d: {  	s7 =	simm.s32 @!p0 $0x4;
	[sflag:s5] =	ssyncadd.s32 @!p0 $0xFFFFC000  }
0x26e: {  	[spmem:s4] =	stream.indirect.scatter.add.f32 @!p0 [tilespmem:s2], [sflag:$0x4], $0x80, s9, s11, $0xb8;
	[tilespmem:$0x1BE80] =	vst v63  }
0x26f: {  	_ =	swait.ge @!p0 [sflag:s7], $0x4000  }
0x270: {  	s30 =	stileid.u32;
	[sflag:s7] =	ssyncset.done @!p0 $0x0  }
0x271: {  	s2 =	sshll.u32 s30, $0x6;
	[sflag:s7] =	ssyncadd.s32 @!p0 $0xFFFFC000  }
0x272: {  	s31 =	sshrl.u32 s24, $0x3;
	s2 =	sor.u32 $0x1C04, s2;
	[bflag:$0x0] =	sbarrier.arrive $0xFFFF  }
0x273: {  	[hbm:s25], [sflag:s2] =	dma.local [spmem:s31], $0x500  }
0x274: {  	s5 =	rddreg [dreg:$0x8]  }
0x275: {  	p0 =	sne.s32 s5, $0x1  }
.Ltmp6:
0x276: {  	_ = 	snop;
	(pc) =	sbr.rel @!p0 .LBB2_12-.Ltmp6, $3  }
0x277: {  	_ =	sdelay $0x1  }
0x278: {  	s10 =	smov.u32 s24  }
0x279: {  	s9 =	sadd.s32 $0x5000, s25;
	_ =	swait.ge [sflag:s28], $0x500;
	s5 =	sadd.s32 $0xFFFFFFFF, s5  }
.LBB2_11:
0x27a: {  	[sflag:s28] =	ssyncset.done $0x0;
	s10 =	sadd.s32 $0x28000, s10;
	p0 =	sne.s32 s5, $0x1  }
.Ltmp7:
0x27b: {  	s7 =	sshrl.u32 s10, $0x3;
	[sflag:s28] =	ssyncadd.s32 $0xFFFFFB00;
	(pc) =	sbr.rel @p0 .LBB2_11-.Ltmp7, $3  }
0x27c: {  	[hbm:s9], [sflag:s2] =	dma.local [spmem:s7], $0x500  }
0x27d: {  	s5 =	sadd.s32 $0xFFFFFFFF, s5;
	_ =	sdelay $0x1  }
0x27e: {  	s9 =	sadd.s32 $0x5000, s9;
	_ =	swait.ge [sflag:s28], $0x500  }
.LBB2_12:
0x27f: {  	s6 =	sadd.s32 $0x1, s6;
	s2 =	rddreg [dreg:$0xf]  }
0x280: {  	p0 =	sne.s32 s6, s2  }
.Ltmp8:
0x281: {  	_ = 	snop;
	(pc) =	sbr.rel @p0 .LBB2_1-.Ltmp8, $3  }
0x282: {  	_ =	sdelay $0x1  }
0x283: {  	[sflag:s28] =	ssyncset.done $0x0  }
0x284: {  	[sflag:s28] =	ssyncadd.s32 $0xFFFFFB00  }
0x285: {  	_ =	sfence.sel $0x180000  }
0x286: {  	[bflag:$0x0] =	sbarrier.arrive $0xFFFF  }
0x287: {  	_ =	strace $0x90000047  }
0x288: {  	s0 =	stileid.u32;
	[bflag:$0x2] =	sbarrier.arrive $0xFFFF  }
0x289: {  	p0 =	sne.s32 s0, $0x0;
	s0 =	rddreg [dreg:$0x7]  }
0x28a: {  	s0 =	sadd.s32 @!p0 $0x100000, s0  }
0x28b: {  	[sflag:s0] =	ssyncadd.tile.s32 @!p0 $0x1;
	_ =	shalt  }
.Lfunc_end2:
_tile_overlayer_lowered:
.L_overlay_start_2:
0x28c: {  	(tag) =	ssettag $0x2  }
0x28d: {  	s0 =	rddreg [dreg:$0x0];
	s2 =	stileid.u32  }
0x28e: {  	s1 =	rddreg [dreg:$0x1];
	p0 =	sne.s32 s2, $0x0  }
0x28f: {  	s3 =	rddreg [dreg:$0x2];
	[bflag:$0x3] =	sbarrier.arrive $0xFFFF;
	s2 =	simm.s32 @!p0 $0x1C04  }
0x290: {  	[timem:s3], [sflag:s2] =	dma.local @!p0 [hbm:s0], s1  }
0x291: {  	s0 =	simm.s32 @!p0 $0x4  }
0x292: {  	_ =	swait.ge @!p0 [sflag:s0], s1  }
0x293: {  	s1 =	ssub.s32 @!p0 $0x0, s1;
	[sflag:s0] =	ssyncset.done @!p0 $0x0  }
0x294: {  	[sflag:s0] =	ssyncadd.s32 @!p0 s1  }
0x295: {  	[bflag:$0x3] =	sbarrier.arrive $0xFFFF  }
0x296: {  	_ =	shalt  }

</sc_bundles>
